<compile_context>
chip_gen: v7x
topology: tpu7x:2x2x1
jax: 0.10.2.dev20260603
libtpu: 0.0.44.dev20260713+nightly
codegen_flags: <defaults>
</compile_context>

<pallas_src>
import functools

import numpy as np
import jax
import jax.numpy as jnp
from jax import lax
from jax.experimental import pallas as pl
from jax.experimental.pallas import tpu as pltpu
from jax.experimental.pallas import tpu_sc as plsc

_NKNOT = 33
_NSEG = 32
_NCOEF = 6 * _NSEG
_NZ = 2 * _NKNOT
_NZ_PAD = 80

_NC = 2
_NS = 16
_NW = _NC * _NS
_LANES = 16

_N_Q = 4194304
_CHUNK = 16384
_PER_TILE = _N_Q // _NW
_NCHUNK = _PER_TILE // _CHUNK


def _build_w() -> np.ndarray:
    kn = np.arange(_NKNOT, dtype=np.float64) * 0.25 - 4.0
    h = kn[1:] - kn[:-1]

    def coeffs_flat(y, dy):
        superdiag = np.concatenate([[0.0], h[:-1], [0.0]])
        maindiag = np.concatenate([[-3.0], -3.0 * (h[:-1] + h[1:]), [-3.0]])
        subdiag = np.concatenate([[0.0], h[1:], [0.0]])
        b = 20.0 * np.concatenate([
            -(y[1:2] - y[:1]) / h[:1] ** 2 + (3.0 * dy[:1] + 2.0 * dy[1:2]) / (5.0 * h[:1]),
            h[:-1] * h[1:] * ((y[1:-1] - y[:-2]) / h[:-1] ** 3 - (y[2:] - y[1:-1]) / h[1:] ** 3
                              - (2.0 * dy[:-2] + 3.0 * dy[1:-1]) / (5.0 * h[:-1] ** 2)
                              + (3.0 * dy[1:-1] + 2.0 * dy[2:]) / (5.0 * h[1:] ** 2)),
            (y[-1:] - y[-2:-1]) / h[-1:] ** 2 - (3.0 * dy[-1:] + 2.0 * dy[-2:-1]) / (5.0 * h[-1:])
        ])
        A = np.diag(maindiag) + np.diag(superdiag[:-1], 1) + np.diag(subdiag[1:], -1)
        ddy = np.linalg.solve(A, b)
        yl, yr = y[:-1], y[1:]
        dl, dr = dy[:-1], dy[1:]
        al, ar = ddy[:-1], ddy[1:]
        d = yr - yl
        c5 = 6.0 * d - 3.0 * h * (dl + dr) + 0.5 * h ** 2 * (ar - al)
        c4 = -15.0 * d + h * (8.0 * dl + 7.0 * dr) - 0.5 * h ** 2 * (2.0 * ar - 3.0 * al)
        c3 = 10.0 * d - 2.0 * h * (3.0 * dl + 2.0 * dr) + 0.5 * h ** 2 * (ar - 3.0 * al)
        c2 = 0.5 * h ** 2 * al
        c1 = h * dl
        c0 = yl
        return np.concatenate([c0, c1, c2, c3, c4, c5])

    w = np.zeros((_NCOEF, _NZ))
    for k in range(_NZ):
        z = np.zeros(_NZ)
        z[k] = 1.0
        w[:, k] = coeffs_flat(z[:_NKNOT], z[_NKNOT:])
    return w


_W_FLAT = np.zeros((_NZ_PAD * _NCOEF,), dtype=np.float32)
_W_FLAT[: _NZ * _NCOEF] = _build_w().T.astype(np.float32).ravel()

_NVREG = _NCOEF // _LANES


_NBUF = 2


def _spline_body(w_hbm, z_hbm, x_hbm, out_hbm,
                 w_v, z_v, c0_v, c1_v, c2_v, c3_v, c4_v, c5_v,
                 *bufs_and_sems):
    wid = lax.axis_index("s") * _NC + lax.axis_index("c")
    base = wid * _PER_TILE

    ibufs = bufs_and_sems[0 * _NBUF:1 * _NBUF]
    obufs = bufs_and_sems[1 * _NBUF:2 * _NBUF]
    isems = bufs_and_sems[2 * _NBUF:3 * _NBUF]
    osems = bufs_and_sems[3 * _NBUF:4 * _NBUF]

    def in_copy(c, b):
        return pltpu.make_async_copy(
            x_hbm.at[pl.ds(base + c * _CHUNK, _CHUNK)], ibufs[b], isems[b])

    def out_copy(c, b):
        return pltpu.make_async_copy(
            obufs[b], out_hbm.at[pl.ds(base + c * _CHUNK, _CHUNK)], osems[b])

    for c in range(min(_NBUF, _NCHUNK)):
        in_copy(c, c % _NBUF).start()

    pltpu.sync_copy(w_hbm, w_v)
    pltpu.sync_copy(z_hbm, z_v)

    def mv_body(k, accs):
        kb = jnp.full((_LANES,), 0, jnp.int32) + k
        zb = plsc.load_gather(z_v, [kb])
        off = k * _NCOEF
        return tuple(a + w_v[pl.ds(off + _LANES * v, _LANES)] * zb
                     for v, a in enumerate(accs))

    accs = lax.fori_loop(
        0, _NZ, mv_body,
        tuple(jnp.zeros((_LANES,), jnp.float32) for _ in range(_NVREG)),
        unroll=3)
    ctabs = (c0_v, c1_v, c2_v, c3_v, c4_v, c5_v)
    for v in range(_NVREG):
        ctabs[v // 2][pl.ds(_LANES * (v % 2), _LANES)] = accs[v]

    def compute(b):
        ib = ibufs[b]
        ob = obufs[b]

        @plsc.parallel_loop(0, _CHUNK // _LANES, step=1, unroll=8)
        def vbody(i):
            off = i * _LANES
            xv = ib[pl.ds(off, _LANES)]
            u = xv * 4.0 + 16.0
            idxi = jnp.clip(u.astype(jnp.int32), 0, _NSEG - 1)
            s = u - idxi.astype(jnp.float32)
            acc = plsc.load_gather(c5_v, [idxi])
            for cj in (c4_v, c3_v, c2_v, c1_v, c0_v):
                acc = acc * s + plsc.load_gather(cj, [idxi])
            ob[pl.ds(off, _LANES)] = acc

    for c in range(_NCHUNK):
        b = c % _NBUF
        in_copy(c, b).wait()
        if c >= _NBUF:
            out_copy(c - _NBUF, b).wait()
        compute(b)
        out_copy(c, b).start()
        if c + _NBUF < _NCHUNK:
            in_copy(c + _NBUF, b).start()
    for c in range(max(0, _NCHUNK - _NBUF), _NCHUNK):
        out_copy(c, c % _NBUF).wait()


_spline_sc = functools.partial(
    pl.kernel,
    out_type=jax.ShapeDtypeStruct((_N_Q,), jnp.float32),
    mesh=plsc.VectorSubcoreMesh(core_axis_name="c", subcore_axis_name="s"),
    compiler_params=pltpu.CompilerParams(needs_layout_passes=False),
    scratch_types=[
        pltpu.VMEM((_NZ_PAD * _NCOEF,), jnp.float32),
        pltpu.VMEM((_NZ_PAD,), jnp.float32),
        *([pltpu.VMEM((_NSEG,), jnp.float32)] * 6),
        *([pltpu.VMEM((_CHUNK,), jnp.float32)] * (2 * _NBUF)),
        *([pltpu.SemaphoreType.DMA] * (2 * _NBUF)),
    ],
)(_spline_body)


def kernel(x_new, y, dy, x_knots):
    del x_knots
    z = jnp.concatenate(
        [y.astype(jnp.float32), dy.astype(jnp.float32),
         jnp.zeros((_NZ_PAD - _NZ,), jnp.float32)])
    w = jnp.asarray(_W_FLAT)
    out = _spline_sc(w, z, x_new)
    return out.reshape(-1, 1)

# --- scband reference (transcript-rebuilt; emitter-appended) ---
"""Pipeline reference for scband-natural-quintic-spline-87540023427506 (READ-ONLY COPY).

The authoritative reference and input builder live on the scoring server;
editing this copy changes nothing except your own understanding.
"""

import jax, jax.numpy as jnp
import numpy as np

N_QUERIES = 4194304
X_KNOTS = jnp.array([-4.0, -3.75, -3.5, -3.25, -3.0, -2.75, -2.5, -2.25, -2.0, -1.75, -1.5, -1.25, -1.0, -0.75, -0.5, -0.25, 0.0, 0.25, 0.5, 0.75, 1.0, 1.25, 1.5, 1.75, 2.0, 2.25, 2.5, 2.75, 3.0, 3.25, 3.5, 3.75, 4.0], dtype=jnp.float32)


def setup_inputs(seed: int = 0) -> dict:
    key = jax.random.key(seed)
    k1, k2, k3 = jax.random.split(key, 3)
    n = X_KNOTS.shape[0]
    x_new = jax.random.normal(k1, (N_QUERIES,), dtype=jnp.float32)
    # learned parameters of the layer (y: values at knots, dy: first derivatives at knots)
    y = jax.random.normal(k2, (n,), dtype=jnp.float32)
    dy = jax.random.normal(k3, (n,), dtype=jnp.float32) * 0.1
    return {"x_new": x_new, "y": y, "dy": dy, "x_knots": X_KNOTS}


def _compute_coefficients(x_knots, y, dy):
    h = x_knots[1:] - x_knots[:-1]
    superdiag = jnp.concatenate([jnp.zeros((1,), jnp.float32), h[:-1], jnp.zeros((1,), jnp.float32)], axis=0)
    maindiag = jnp.concatenate([-3.0 * jnp.ones((1,), jnp.float32), -3.0 * (h[:-1] + h[1:]), -3.0 * jnp.ones((1,), jnp.float32)], axis=0)
    subdiag = jnp.concatenate([jnp.zeros((1,), jnp.float32), h[1:], jnp.zeros((1,), jnp.float32)], axis=0)
    b = 20.0 * jnp.concatenate([
        -(y[1:2] - y[:1]) / h[:1] ** 2 + (3.0 * dy[:1] + 2.0 * dy[1:2]) / (5.0 * h[:1]),
        h[:-1] * h[1:] * ((y[1:-1] - y[:-2]) / h[:-1] ** 3 - (y[2:] - y[1:-1]) / h[1:] ** 3
                          - (2.0 * dy[:-2] + 3.0 * dy[1:-1]) / (5.0 * h[:-1] ** 2)
                          + (3.0 * dy[1:-1] + 2.0 * dy[2:]) / (5.0 * h[1:] ** 2)),
        (y[-1:] - y[-2:-1]) / h[-1:] ** 2 - (3.0 * dy[-1:] + 2.0 * dy[-2:-1]) / (5.0 * h[-1:])
    ], axis=0)
    # TF compact tridiagonal format: A[i,i+1]=superdiag[i] (last ignored),
    # A[i,i]=maindiag[i], A[i,i-1]=subdiag[i] (first ignored).
    A = jnp.diag(maindiag) + jnp.diag(superdiag[:-1], 1) + jnp.diag(subdiag[1:], -1)
    ddy = jnp.linalg.solve(A, b)
    return ddy, h


def reference(x_new, y, dy, x_knots):
    x_new = jnp.squeeze(x_new)
    ddy, h_all = _compute_coefficients(x_knots, y, dy)
    idx = jnp.searchsorted(x_knots, x_new) - 1
    idx = jnp.clip(idx, 0, x_knots.shape[0] - 2)
    h = jnp.take(h_all, idx)
    t = (x_new - jnp.take(x_knots, idx)) / h
    y_left = jnp.take(y, idx)
    y_right = jnp.take(y, idx + 1)
    dy_left = jnp.take(dy, idx)
    dy_right = jnp.take(dy, idx + 1)
    ddy_left = jnp.take(ddy, idx)
    ddy_right = jnp.take(ddy, idx + 1)
    spline_value = ((6.0 * (y_right - y_left) - 3.0 * h * (dy_left + dy_right) + 0.5 * h ** 2 * (ddy_right - ddy_left)) * t ** 5
                    + (-15.0 * (y_right - y_left) + h * (8.0 * dy_left + 7.0 * dy_right) - 0.5 * h ** 2 * (2.0 * ddy_right - 3.0 * ddy_left)) * t ** 4
                    + (10.0 * (y_right - y_left) - 2.0 * h * (3.0 * dy_left + 2.0 * dy_right) + 0.5 * h ** 2 * (ddy_right - 3.0 * ddy_left)) * t ** 3
                    + 0.5 * h ** 2 * ddy_left * t ** 2
                    + h * dy_left * t
                    + y_left)
    return jnp.reshape(spline_value, (-1, 1))

if __name__ == "__main__":
    import jax
    _d = setup_inputs()
    print(jax.jit(kernel)(*tuple(_d.values())))

</pallas_src>

<mosaic_0001>
#map = affine_map<(d0, d1) -> (0)>
module attributes {stable_mosaic.version = 14 : i64} {
  func.func @_spline_body(%arg0: i32, %arg1: i32, %arg2: memref<15360xf32, #tpu.memory_space<hbm>>, %arg3: memref<80xf32, #tpu.memory_space<hbm>>, %arg4: memref<4194304xf32, #tpu.memory_space<hbm>>, %arg5: memref<4194304xf32, #tpu.memory_space<hbm>>, %arg6: memref<15360xf32, #tpu.memory_space<vmem>>, %arg7: memref<80xf32, #tpu.memory_space<vmem>>, %arg8: memref<32xf32, #tpu.memory_space<vmem>>, %arg9: memref<32xf32, #tpu.memory_space<vmem>>, %arg10: memref<32xf32, #tpu.memory_space<vmem>>, %arg11: memref<32xf32, #tpu.memory_space<vmem>>, %arg12: memref<32xf32, #tpu.memory_space<vmem>>, %arg13: memref<32xf32, #tpu.memory_space<vmem>>, %arg14: memref<16384xf32, #tpu.memory_space<vmem>>, %arg15: memref<16384xf32, #tpu.memory_space<vmem>>, %arg16: memref<16384xf32, #tpu.memory_space<vmem>>, %arg17: memref<16384xf32, #tpu.memory_space<vmem>>, %arg18: memref<!tpu.dma_semaphore, #tpu.memory_space<semaphore_mem>>, %arg19: memref<!tpu.dma_semaphore, #tpu.memory_space<semaphore_mem>>, %arg20: memref<!tpu.dma_semaphore, #tpu.memory_space<semaphore_mem>>, %arg21: memref<!tpu.dma_semaphore, #tpu.memory_space<semaphore_mem>>) attributes {dimension_semantics = [#tpu.dimension_semantics<core_parallel>, #tpu.dimension_semantics<subcore_parallel>], iteration_bounds = array<i64: 2, 16>, scalar_prefetch = 0 : i64, scratch_operands = 16 : i64, tpu.core_type = #tpu.core_type<sc_vector_subcore>, window_params = [{transform_indices = #map}, {transform_indices = #map}, {transform_indices = #map}, {transform_indices = #map}]} {
    %mul3A = arith.constant 2 : i32
    %mul3A_0 = arith.muli %arg1, %mul3A : i32
    %add3A = arith.addi %mul3A_0, %arg0 : i32
    %mul3A_1 = arith.constant 131072 : i32
    %mul3A_2 = arith.muli %add3A, %mul3A_1 : i32
    %add3A_3 = arith.constant 0 : i32
    %add3A_4 = arith.addi %mul3A_2, %add3A_3 : i32
    %dma_start3A = tpu.memref_slice %arg4[%add3A_4] : memref<4194304xf32, #tpu.memory_space<hbm>> -> memref<16384xf32, #tpu.memory_space<hbm>>
    %dma_start3A_5 = tpu.memref_slice %arg4[%add3A_4] : memref<4194304xf32, #tpu.memory_space<hbm>> -> memref<16384xf32, #tpu.memory_space<hbm>>
    tpu.enqueue_dma source(%dma_start3A_5 : memref<16384xf32, #tpu.memory_space<hbm>>) target(%arg14 : memref<16384xf32, #tpu.memory_space<vmem>>) target_semaphore(%arg18 : memref<!tpu.dma_semaphore, #tpu.memory_space<semaphore_mem>>)
    %add3A_6 = arith.constant 16384 : i32
    %add3A_7 = arith.addi %mul3A_2, %add3A_6 : i32
    %dma_start3A_8 = tpu.memref_slice %arg4[%add3A_7] : memref<4194304xf32, #tpu.memory_space<hbm>> -> memref<16384xf32, #tpu.memory_space<hbm>>
    %dma_start3A_9 = tpu.memref_slice %arg4[%add3A_7] : memref<4194304xf32, #tpu.memory_space<hbm>> -> memref<16384xf32, #tpu.memory_space<hbm>>
    tpu.enqueue_dma source(%dma_start3A_9 : memref<16384xf32, #tpu.memory_space<hbm>>) target(%arg15 : memref<16384xf32, #tpu.memory_space<vmem>>) target_semaphore(%arg19 : memref<!tpu.dma_semaphore, #tpu.memory_space<semaphore_mem>>)
    "tpu.region"() ({
      %run_scoped3A = tpu.sem_alloc : memref<!tpu.dma_semaphore, #tpu.memory_space<semaphore_mem>>
      tpu.enqueue_dma source(%arg2 : memref<15360xf32, #tpu.memory_space<hbm>>) target(%arg6 : memref<15360xf32, #tpu.memory_space<vmem>>) target_semaphore(%run_scoped3A : memref<!tpu.dma_semaphore, #tpu.memory_space<semaphore_mem>>)
      tpu.wait_dma2 semaphore(%run_scoped3A : memref<!tpu.dma_semaphore, #tpu.memory_space<semaphore_mem>>) src(%arg2 : memref<15360xf32, #tpu.memory_space<hbm>>) dst(%arg6 : memref<15360xf32, #tpu.memory_space<vmem>>)
      tpu.yield
    }) : () -> ()
    "tpu.region"() ({
      %run_scoped3A = tpu.sem_alloc : memref<!tpu.dma_semaphore, #tpu.memory_space<semaphore_mem>>
      tpu.enqueue_dma source(%arg3 : memref<80xf32, #tpu.memory_space<hbm>>) target(%arg7 : memref<80xf32, #tpu.memory_space<vmem>>) target_semaphore(%run_scoped3A : memref<!tpu.dma_semaphore, #tpu.memory_space<semaphore_mem>>)
      tpu.wait_dma2 semaphore(%run_scoped3A : memref<!tpu.dma_semaphore, #tpu.memory_space<semaphore_mem>>) src(%arg3 : memref<80xf32, #tpu.memory_space<hbm>>) dst(%arg7 : memref<80xf32, #tpu.memory_space<vmem>>)
      tpu.yield
    }) : () -> ()
    %broadcast_in_dim3A = arith.constant 0.000000e+00 : f32
    %broadcast_in_dim3A_10 = vector.broadcast %broadcast_in_dim3A : f32 to vector<16xf32>
    %broadcast_in_dim3A_11 = arith.constant 0.000000e+00 : f32
    %broadcast_in_dim3A_12 = vector.broadcast %broadcast_in_dim3A_11 : f32 to vector<16xf32>
    %broadcast_in_dim3A_13 = arith.constant 0.000000e+00 : f32
    %broadcast_in_dim3A_14 = vector.broadcast %broadcast_in_dim3A_13 : f32 to vector<16xf32>
    %broadcast_in_dim3A_15 = arith.constant 0.000000e+00 : f32
    %broadcast_in_dim3A_16 = vector.broadcast %broadcast_in_dim3A_15 : f32 to vector<16xf32>
    %broadcast_in_dim3A_17 = arith.constant 0.000000e+00 : f32
    %broadcast_in_dim3A_18 = vector.broadcast %broadcast_in_dim3A_17 : f32 to vector<16xf32>
    %broadcast_in_dim3A_19 = arith.constant 0.000000e+00 : f32
    %broadcast_in_dim3A_20 = vector.broadcast %broadcast_in_dim3A_19 : f32 to vector<16xf32>
    %broadcast_in_dim3A_21 = arith.constant 0.000000e+00 : f32
    %broadcast_in_dim3A_22 = vector.broadcast %broadcast_in_dim3A_21 : f32 to vector<16xf32>
    %broadcast_in_dim3A_23 = arith.constant 0.000000e+00 : f32
    %broadcast_in_dim3A_24 = vector.broadcast %broadcast_in_dim3A_23 : f32 to vector<16xf32>
    %broadcast_in_dim3A_25 = arith.constant 0.000000e+00 : f32
    %broadcast_in_dim3A_26 = vector.broadcast %broadcast_in_dim3A_25 : f32 to vector<16xf32>
    %broadcast_in_dim3A_27 = arith.constant 0.000000e+00 : f32
    %broadcast_in_dim3A_28 = vector.broadcast %broadcast_in_dim3A_27 : f32 to vector<16xf32>
    %broadcast_in_dim3A_29 = arith.constant 0.000000e+00 : f32
    %broadcast_in_dim3A_30 = vector.broadcast %broadcast_in_dim3A_29 : f32 to vector<16xf32>
    %broadcast_in_dim3A_31 = arith.constant 0.000000e+00 : f32
    %broadcast_in_dim3A_32 = vector.broadcast %broadcast_in_dim3A_31 : f32 to vector<16xf32>
    %scan3A = arith.constant 0 : i32
    %scan3A_33 = arith.constant 66 : i32
    %scan3A_34 = arith.addi %scan3A, %scan3A_33 : i32
    %scan3A_35 = arith.constant 3 : i32
    %scan3A_36:12 = scf.for %scan3A_203 = %scan3A to %scan3A_34 step %scan3A_35 iter_args(%scan3A_204 = %broadcast_in_dim3A_10, %scan3A_205 = %broadcast_in_dim3A_12, %scan3A_206 = %broadcast_in_dim3A_14, %scan3A_207 = %broadcast_in_dim3A_16, %scan3A_208 = %broadcast_in_dim3A_18, %scan3A_209 = %broadcast_in_dim3A_20, %scan3A_210 = %broadcast_in_dim3A_22, %scan3A_211 = %broadcast_in_dim3A_24, %scan3A_212 = %broadcast_in_dim3A_26, %scan3A_213 = %broadcast_in_dim3A_28, %scan3A_214 = %broadcast_in_dim3A_30, %scan3A_215 = %broadcast_in_dim3A_32) -> (vector<16xf32>, vector<16xf32>, vector<16xf32>, vector<16xf32>, vector<16xf32>, vector<16xf32>, vector<16xf32>, vector<16xf32>, vector<16xf32>, vector<16xf32>, vector<16xf32>, vector<16xf32>)  : i32 {
      %broadcast_in_dim3A_216 = arith.constant 0 : i32
      %broadcast_in_dim3A_217 = vector.broadcast %broadcast_in_dim3A_216 : i32 to vector<16xi32>
      %add3A_218 = vector.broadcast %scan3A_203 : i32 to vector<16xi32>
      %add3A_219 = arith.addi %broadcast_in_dim3A_217, %add3A_218 : vector<16xi32>
      %gather3A = tpu.vector_load_idx %arg7[%add3A_219] : memref<80xf32, #tpu.memory_space<vmem>>[vector<16xi32>], vector<16xf32>,
      %mul3A_220 = arith.constant 192 : i32
      %mul3A_221 = arith.muli %scan3A_203, %mul3A_220 : i32
      %add3A_222 = arith.constant 0 : i32
      %add3A_223 = arith.addi %mul3A_221, %add3A_222 : i32
      %get3A = arith.index_cast %add3A_223 : i32 to index
      %get3A_224 = tpu.vector_load %arg6[%get3A] {strides = array<i32>} : memref<15360xf32, #tpu.memory_space<vmem>>, vector<16xf32>,
      %mul3A_225 = arith.mulf %get3A_224, %gather3A : vector<16xf32>
      %add3A_226 = arith.addf %scan3A_204, %mul3A_225 : vector<16xf32>
      %add3A_227 = arith.constant 16 : i32
      %add3A_228 = arith.addi %mul3A_221, %add3A_227 : i32
      %get3A_229 = arith.index_cast %add3A_228 : i32 to index
      %get3A_230 = tpu.vector_load %arg6[%get3A_229] {strides = array<i32>} : memref<15360xf32, #tpu.memory_space<vmem>>, vector<16xf32>,
      %mul3A_231 = arith.mulf %get3A_230, %gather3A : vector<16xf32>
      %add3A_232 = arith.addf %scan3A_205, %mul3A_231 : vector<16xf32>
      %add3A_233 = arith.constant 32 : i32
      %add3A_234 = arith.addi %mul3A_221, %add3A_233 : i32
      %get3A_235 = arith.index_cast %add3A_234 : i32 to index
      %get3A_236 = tpu.vector_load %arg6[%get3A_235] {strides = array<i32>} : memref<15360xf32, #tpu.memory_space<vmem>>, vector<16xf32>,
      %mul3A_237 = arith.mulf %get3A_236, %gather3A : vector<16xf32>
      %add3A_238 = arith.addf %scan3A_206, %mul3A_237 : vector<16xf32>
      %add3A_239 = arith.constant 48 : i32
      %add3A_240 = arith.addi %mul3A_221, %add3A_239 : i32
      %get3A_241 = arith.index_cast %add3A_240 : i32 to index
      %get3A_242 = tpu.vector_load %arg6[%get3A_241] {strides = array<i32>} : memref<15360xf32, #tpu.memory_space<vmem>>, vector<16xf32>,
      %mul3A_243 = arith.mulf %get3A_242, %gather3A : vector<16xf32>
      %add3A_244 = arith.addf %scan3A_207, %mul3A_243 : vector<16xf32>
      %add3A_245 = arith.constant 64 : i32
      %add3A_246 = arith.addi %mul3A_221, %add3A_245 : i32
      %get3A_247 = arith.index_cast %add3A_246 : i32 to index
      %get3A_248 = tpu.vector_load %arg6[%get3A_247] {strides = array<i32>} : memref<15360xf32, #tpu.memory_space<vmem>>, vector<16xf32>,
      %mul3A_249 = arith.mulf %get3A_248, %gather3A : vector<16xf32>
      %add3A_250 = arith.addf %scan3A_208, %mul3A_249 : vector<16xf32>
      %add3A_251 = arith.constant 80 : i32
      %add3A_252 = arith.addi %mul3A_221, %add3A_251 : i32
      %get3A_253 = arith.index_cast %add3A_252 : i32 to index
      %get3A_254 = tpu.vector_load %arg6[%get3A_253] {strides = array<i32>} : memref<15360xf32, #tpu.memory_space<vmem>>, vector<16xf32>,
      %mul3A_255 = arith.mulf %get3A_254, %gather3A : vector<16xf32>
      %add3A_256 = arith.addf %scan3A_209, %mul3A_255 : vector<16xf32>
      %add3A_257 = arith.constant 96 : i32
      %add3A_258 = arith.addi %mul3A_221, %add3A_257 : i32
      %get3A_259 = arith.index_cast %add3A_258 : i32 to index
      %get3A_260 = tpu.vector_load %arg6[%get3A_259] {strides = array<i32>} : memref<15360xf32, #tpu.memory_space<vmem>>, vector<16xf32>,
      %mul3A_261 = arith.mulf %get3A_260, %gather3A : vector<16xf32>
      %add3A_262 = arith.addf %scan3A_210, %mul3A_261 : vector<16xf32>
      %add3A_263 = arith.constant 112 : i32
      %add3A_264 = arith.addi %mul3A_221, %add3A_263 : i32
      %get3A_265 = arith.index_cast %add3A_264 : i32 to index
      %get3A_266 = tpu.vector_load %arg6[%get3A_265] {strides = array<i32>} : memref<15360xf32, #tpu.memory_space<vmem>>, vector<16xf32>,
      %mul3A_267 = arith.mulf %get3A_266, %gather3A : vector<16xf32>
      %add3A_268 = arith.addf %scan3A_211, %mul3A_267 : vector<16xf32>
      %add3A_269 = arith.constant 128 : i32
      %add3A_270 = arith.addi %mul3A_221, %add3A_269 : i32
      %get3A_271 = arith.index_cast %add3A_270 : i32 to index
      %get3A_272 = tpu.vector_load %arg6[%get3A_271] {strides = array<i32>} : memref<15360xf32, #tpu.memory_space<vmem>>, vector<16xf32>,
      %mul3A_273 = arith.mulf %get3A_272, %gather3A : vector<16xf32>
      %add3A_274 = arith.addf %scan3A_212, %mul3A_273 : vector<16xf32>
      %add3A_275 = arith.constant 144 : i32
      %add3A_276 = arith.addi %mul3A_221, %add3A_275 : i32
      %get3A_277 = arith.index_cast %add3A_276 : i32 to index
      %get3A_278 = tpu.vector_load %arg6[%get3A_277] {strides = array<i32>} : memref<15360xf32, #tpu.memory_space<vmem>>, vector<16xf32>,
      %mul3A_279 = arith.mulf %get3A_278, %gather3A : vector<16xf32>
      %add3A_280 = arith.addf %scan3A_213, %mul3A_279 : vector<16xf32>
      %add3A_281 = arith.constant 160 : i32
      %add3A_282 = arith.addi %mul3A_221, %add3A_281 : i32
      %get3A_283 = arith.index_cast %add3A_282 : i32 to index
      %get3A_284 = tpu.vector_load %arg6[%get3A_283] {strides = array<i32>} : memref<15360xf32, #tpu.memory_space<vmem>>, vector<16xf32>,
      %mul3A_285 = arith.mulf %get3A_284, %gather3A : vector<16xf32>
      %add3A_286 = arith.addf %scan3A_214, %mul3A_285 : vector<16xf32>
      %add3A_287 = arith.constant 176 : i32
      %add3A_288 = arith.addi %mul3A_221, %add3A_287 : i32
      %get3A_289 = arith.index_cast %add3A_288 : i32 to index
      %get3A_290 = tpu.vector_load %arg6[%get3A_289] {strides = array<i32>} : memref<15360xf32, #tpu.memory_space<vmem>>, vector<16xf32>,
      %mul3A_291 = arith.mulf %get3A_290, %gather3A : vector<16xf32>
      %add3A_292 = arith.addf %scan3A_215, %mul3A_291 : vector<16xf32>
      %scan3A_293 = arith.constant 1 : i32
      %scan3A_294 = arith.addi %scan3A_203, %scan3A_293 : i32
      %broadcast_in_dim3A_295 = arith.constant 0 : i32
      %broadcast_in_dim3A_296 = vector.broadcast %broadcast_in_dim3A_295 : i32 to vector<16xi32>
      %add3A_297 = vector.broadcast %scan3A_294 : i32 to vector<16xi32>
      %add3A_298 = arith.addi %broadcast_in_dim3A_296, %add3A_297 : vector<16xi32>
      %gather3A_299 = tpu.vector_load_idx %arg7[%add3A_298] : memref<80xf32, #tpu.memory_space<vmem>>[vector<16xi32>], vector<16xf32>,
      %mul3A_300 = arith.constant 192 : i32
      %mul3A_301 = arith.muli %scan3A_294, %mul3A_300 : i32
      %add3A_302 = arith.constant 0 : i32
      %add3A_303 = arith.addi %mul3A_301, %add3A_302 : i32
      %get3A_304 = arith.index_cast %add3A_303 : i32 to index
      %get3A_305 = tpu.vector_load %arg6[%get3A_304] {strides = array<i32>} : memref<15360xf32, #tpu.memory_space<vmem>>, vector<16xf32>,
      %mul3A_306 = arith.mulf %get3A_305, %gather3A_299 : vector<16xf32>
      %add3A_307 = arith.addf %add3A_226, %mul3A_306 : vector<16xf32>
      %add3A_308 = arith.constant 16 : i32
      %add3A_309 = arith.addi %mul3A_301, %add3A_308 : i32
      %get3A_310 = arith.index_cast %add3A_309 : i32 to index
      %get3A_311 = tpu.vector_load %arg6[%get3A_310] {strides = array<i32>} : memref<15360xf32, #tpu.memory_space<vmem>>, vector<16xf32>,
      %mul3A_312 = arith.mulf %get3A_311, %gather3A_299 : vector<16xf32>
      %add3A_313 = arith.addf %add3A_232, %mul3A_312 : vector<16xf32>
      %add3A_314 = arith.constant 32 : i32
      %add3A_315 = arith.addi %mul3A_301, %add3A_314 : i32
      %get3A_316 = arith.index_cast %add3A_315 : i32 to index
      %get3A_317 = tpu.vector_load %arg6[%get3A_316] {strides = array<i32>} : memref<15360xf32, #tpu.memory_space<vmem>>, vector<16xf32>,
      %mul3A_318 = arith.mulf %get3A_317, %gather3A_299 : vector<16xf32>
      %add3A_319 = arith.addf %add3A_238, %mul3A_318 : vector<16xf32>
      %add3A_320 = arith.constant 48 : i32
      %add3A_321 = arith.addi %mul3A_301, %add3A_320 : i32
      %get3A_322 = arith.index_cast %add3A_321 : i32 to index
      %get3A_323 = tpu.vector_load %arg6[%get3A_322] {strides = array<i32>} : memref<15360xf32, #tpu.memory_space<vmem>>, vector<16xf32>,
      %mul3A_324 = arith.mulf %get3A_323, %gather3A_299 : vector<16xf32>
      %add3A_325 = arith.addf %add3A_244, %mul3A_324 : vector<16xf32>
      %add3A_326 = arith.constant 64 : i32
      %add3A_327 = arith.addi %mul3A_301, %add3A_326 : i32
      %get3A_328 = arith.index_cast %add3A_327 : i32 to index
      %get3A_329 = tpu.vector_load %arg6[%get3A_328] {strides = array<i32>} : memref<15360xf32, #tpu.memory_space<vmem>>, vector<16xf32>,
      %mul3A_330 = arith.mulf %get3A_329, %gather3A_299 : vector<16xf32>
      %add3A_331 = arith.addf %add3A_250, %mul3A_330 : vector<16xf32>
      %add3A_332 = arith.constant 80 : i32
      %add3A_333 = arith.addi %mul3A_301, %add3A_332 : i32
      %get3A_334 = arith.index_cast %add3A_333 : i32 to index
      %get3A_335 = tpu.vector_load %arg6[%get3A_334] {strides = array<i32>} : memref<15360xf32, #tpu.memory_space<vmem>>, vector<16xf32>,
      %mul3A_336 = arith.mulf %get3A_335, %gather3A_299 : vector<16xf32>
      %add3A_337 = arith.addf %add3A_256, %mul3A_336 : vector<16xf32>
      %add3A_338 = arith.constant 96 : i32
      %add3A_339 = arith.addi %mul3A_301, %add3A_338 : i32
      %get3A_340 = arith.index_cast %add3A_339 : i32 to index
      %get3A_341 = tpu.vector_load %arg6[%get3A_340] {strides = array<i32>} : memref<15360xf32, #tpu.memory_space<vmem>>, vector<16xf32>,
      %mul3A_342 = arith.mulf %get3A_341, %gather3A_299 : vector<16xf32>
      %add3A_343 = arith.addf %add3A_262, %mul3A_342 : vector<16xf32>
      %add3A_344 = arith.constant 112 : i32
      %add3A_345 = arith.addi %mul3A_301, %add3A_344 : i32
      %get3A_346 = arith.index_cast %add3A_345 : i32 to index
      %get3A_347 = tpu.vector_load %arg6[%get3A_346] {strides = array<i32>} : memref<15360xf32, #tpu.memory_space<vmem>>, vector<16xf32>,
      %mul3A_348 = arith.mulf %get3A_347, %gather3A_299 : vector<16xf32>
      %add3A_349 = arith.addf %add3A_268, %mul3A_348 : vector<16xf32>
      %add3A_350 = arith.constant 128 : i32
      %add3A_351 = arith.addi %mul3A_301, %add3A_350 : i32
      %get3A_352 = arith.index_cast %add3A_351 : i32 to index
      %get3A_353 = tpu.vector_load %arg6[%get3A_352] {strides = array<i32>} : memref<15360xf32, #tpu.memory_space<vmem>>, vector<16xf32>,
      %mul3A_354 = arith.mulf %get3A_353, %gather3A_299 : vector<16xf32>
      %add3A_355 = arith.addf %add3A_274, %mul3A_354 : vector<16xf32>
      %add3A_356 = arith.constant 144 : i32
      %add3A_357 = arith.addi %mul3A_301, %add3A_356 : i32
      %get3A_358 = arith.index_cast %add3A_357 : i32 to index
      %get3A_359 = tpu.vector_load %arg6[%get3A_358] {strides = array<i32>} : memref<15360xf32, #tpu.memory_space<vmem>>, vector<16xf32>,
      %mul3A_360 = arith.mulf %get3A_359, %gather3A_299 : vector<16xf32>
      %add3A_361 = arith.addf %add3A_280, %mul3A_360 : vector<16xf32>
      %add3A_362 = arith.constant 160 : i32
      %add3A_363 = arith.addi %mul3A_301, %add3A_362 : i32
      %get3A_364 = arith.index_cast %add3A_363 : i32 to index
      %get3A_365 = tpu.vector_load %arg6[%get3A_364] {strides = array<i32>} : memref<15360xf32, #tpu.memory_space<vmem>>, vector<16xf32>,
      %mul3A_366 = arith.mulf %get3A_365, %gather3A_299 : vector<16xf32>
      %add3A_367 = arith.addf %add3A_286, %mul3A_366 : vector<16xf32>
      %add3A_368 = arith.constant 176 : i32
      %add3A_369 = arith.addi %mul3A_301, %add3A_368 : i32
      %get3A_370 = arith.index_cast %add3A_369 : i32 to index
      %get3A_371 = tpu.vector_load %arg6[%get3A_370] {strides = array<i32>} : memref<15360xf32, #tpu.memory_space<vmem>>, vector<16xf32>,
      %mul3A_372 = arith.mulf %get3A_371, %gather3A_299 : vector<16xf32>
      %add3A_373 = arith.addf %add3A_292, %mul3A_372 : vector<16xf32>
      %scan3A_374 = arith.constant 2 : i32
      %scan3A_375 = arith.addi %scan3A_203, %scan3A_374 : i32
      %broadcast_in_dim3A_376 = arith.constant 0 : i32
      %broadcast_in_dim3A_377 = vector.broadcast %broadcast_in_dim3A_376 : i32 to vector<16xi32>
      %add3A_378 = vector.broadcast %scan3A_375 : i32 to vector<16xi32>
      %add3A_379 = arith.addi %broadcast_in_dim3A_377, %add3A_378 : vector<16xi32>
      %gather3A_380 = tpu.vector_load_idx %arg7[%add3A_379] : memref<80xf32, #tpu.memory_space<vmem>>[vector<16xi32>], vector<16xf32>,
      %mul3A_381 = arith.constant 192 : i32
      %mul3A_382 = arith.muli %scan3A_375, %mul3A_381 : i32
      %add3A_383 = arith.constant 0 : i32
      %add3A_384 = arith.addi %mul3A_382, %add3A_383 : i32
      %get3A_385 = arith.index_cast %add3A_384 : i32 to index
      %get3A_386 = tpu.vector_load %arg6[%get3A_385] {strides = array<i32>} : memref<15360xf32, #tpu.memory_space<vmem>>, vector<16xf32>,
      %mul3A_387 = arith.mulf %get3A_386, %gather3A_380 : vector<16xf32>
      %add3A_388 = arith.addf %add3A_307, %mul3A_387 : vector<16xf32>
      %add3A_389 = arith.constant 16 : i32
      %add3A_390 = arith.addi %mul3A_382, %add3A_389 : i32
      %get3A_391 = arith.index_cast %add3A_390 : i32 to index
      %get3A_392 = tpu.vector_load %arg6[%get3A_391] {strides = array<i32>} : memref<15360xf32, #tpu.memory_space<vmem>>, vector<16xf32>,
      %mul3A_393 = arith.mulf %get3A_392, %gather3A_380 : vector<16xf32>
      %add3A_394 = arith.addf %add3A_313, %mul3A_393 : vector<16xf32>
      %add3A_395 = arith.constant 32 : i32
      %add3A_396 = arith.addi %mul3A_382, %add3A_395 : i32
      %get3A_397 = arith.index_cast %add3A_396 : i32 to index
      %get3A_398 = tpu.vector_load %arg6[%get3A_397] {strides = array<i32>} : memref<15360xf32, #tpu.memory_space<vmem>>, vector<16xf32>,
      %mul3A_399 = arith.mulf %get3A_398, %gather3A_380 : vector<16xf32>
      %add3A_400 = arith.addf %add3A_319, %mul3A_399 : vector<16xf32>
      %add3A_401 = arith.constant 48 : i32
      %add3A_402 = arith.addi %mul3A_382, %add3A_401 : i32
      %get3A_403 = arith.index_cast %add3A_402 : i32 to index
      %get3A_404 = tpu.vector_load %arg6[%get3A_403] {strides = array<i32>} : memref<15360xf32, #tpu.memory_space<vmem>>, vector<16xf32>,
      %mul3A_405 = arith.mulf %get3A_404, %gather3A_380 : vector<16xf32>
      %add3A_406 = arith.addf %add3A_325, %mul3A_405 : vector<16xf32>
      %add3A_407 = arith.constant 64 : i32
      %add3A_408 = arith.addi %mul3A_382, %add3A_407 : i32
      %get3A_409 = arith.index_cast %add3A_408 : i32 to index
      %get3A_410 = tpu.vector_load %arg6[%get3A_409] {strides = array<i32>} : memref<15360xf32, #tpu.memory_space<vmem>>, vector<16xf32>,
      %mul3A_411 = arith.mulf %get3A_410, %gather3A_380 : vector<16xf32>
      %add3A_412 = arith.addf %add3A_331, %mul3A_411 : vector<16xf32>
      %add3A_413 = arith.constant 80 : i32
      %add3A_414 = arith.addi %mul3A_382, %add3A_413 : i32
      %get3A_415 = arith.index_cast %add3A_414 : i32 to index
      %get3A_416 = tpu.vector_load %arg6[%get3A_415] {strides = array<i32>} : memref<15360xf32, #tpu.memory_space<vmem>>, vector<16xf32>,
      %mul3A_417 = arith.mulf %get3A_416, %gather3A_380 : vector<16xf32>
      %add3A_418 = arith.addf %add3A_337, %mul3A_417 : vector<16xf32>
      %add3A_419 = arith.constant 96 : i32
      %add3A_420 = arith.addi %mul3A_382, %add3A_419 : i32
      %get3A_421 = arith.index_cast %add3A_420 : i32 to index
      %get3A_422 = tpu.vector_load %arg6[%get3A_421] {strides = array<i32>} : memref<15360xf32, #tpu.memory_space<vmem>>, vector<16xf32>,
      %mul3A_423 = arith.mulf %get3A_422, %gather3A_380 : vector<16xf32>
      %add3A_424 = arith.addf %add3A_343, %mul3A_423 : vector<16xf32>
      %add3A_425 = arith.constant 112 : i32
      %add3A_426 = arith.addi %mul3A_382, %add3A_425 : i32
      %get3A_427 = arith.index_cast %add3A_426 : i32 to index
      %get3A_428 = tpu.vector_load %arg6[%get3A_427] {strides = array<i32>} : memref<15360xf32, #tpu.memory_space<vmem>>, vector<16xf32>,
      %mul3A_429 = arith.mulf %get3A_428, %gather3A_380 : vector<16xf32>
      %add3A_430 = arith.addf %add3A_349, %mul3A_429 : vector<16xf32>
      %add3A_431 = arith.constant 128 : i32
      %add3A_432 = arith.addi %mul3A_382, %add3A_431 : i32
      %get3A_433 = arith.index_cast %add3A_432 : i32 to index
      %get3A_434 = tpu.vector_load %arg6[%get3A_433] {strides = array<i32>} : memref<15360xf32, #tpu.memory_space<vmem>>, vector<16xf32>,
      %mul3A_435 = arith.mulf %get3A_434, %gather3A_380 : vector<16xf32>
      %add3A_436 = arith.addf %add3A_355, %mul3A_435 : vector<16xf32>
      %add3A_437 = arith.constant 144 : i32
      %add3A_438 = arith.addi %mul3A_382, %add3A_437 : i32
      %get3A_439 = arith.index_cast %add3A_438 : i32 to index
      %get3A_440 = tpu.vector_load %arg6[%get3A_439] {strides = array<i32>} : memref<15360xf32, #tpu.memory_space<vmem>>, vector<16xf32>,
      %mul3A_441 = arith.mulf %get3A_440, %gather3A_380 : vector<16xf32>
      %add3A_442 = arith.addf %add3A_361, %mul3A_441 : vector<16xf32>
      %add3A_443 = arith.constant 160 : i32
      %add3A_444 = arith.addi %mul3A_382, %add3A_443 : i32
      %get3A_445 = arith.index_cast %add3A_444 : i32 to index
      %get3A_446 = tpu.vector_load %arg6[%get3A_445] {strides = array<i32>} : memref<15360xf32, #tpu.memory_space<vmem>>, vector<16xf32>,
      %mul3A_447 = arith.mulf %get3A_446, %gather3A_380 : vector<16xf32>
      %add3A_448 = arith.addf %add3A_367, %mul3A_447 : vector<16xf32>
      %add3A_449 = arith.constant 176 : i32
      %add3A_450 = arith.addi %mul3A_382, %add3A_449 : i32
      %get3A_451 = arith.index_cast %add3A_450 : i32 to index
      %get3A_452 = tpu.vector_load %arg6[%get3A_451] {strides = array<i32>} : memref<15360xf32, #tpu.memory_space<vmem>>, vector<16xf32>,
      %mul3A_453 = arith.mulf %get3A_452, %gather3A_380 : vector<16xf32>
      %add3A_454 = arith.addf %add3A_373, %mul3A_453 : vector<16xf32>
      scf.yield %add3A_388, %add3A_394, %add3A_400, %add3A_406, %add3A_412, %add3A_418, %add3A_424, %add3A_430, %add3A_436, %add3A_442, %add3A_448, %add3A_454 : vector<16xf32>, vector<16xf32>, vector<16xf32>, vector<16xf32>, vector<16xf32>, vector<16xf32>, vector<16xf32>, vector<16xf32>, vector<16xf32>, vector<16xf32>, vector<16xf32>, vector<16xf32>
    }
    %scan3A_37 = arith.constant 66 : i32
    %swap3A = arith.constant 0 : index
    %swap3A_38 = tpu.vector_load %arg8[%swap3A] {strides = array<i32>} : memref<32xf32, #tpu.memory_space<vmem>>, vector<16xf32>,
    tpu.vector_store %arg8[%swap3A], %scan3A_36#0 {strides = array<i32>} : memref<32xf32, #tpu.memory_space<vmem>>, vector<16xf32>,
    %swap3A_39 = arith.constant 16 : index
    %swap3A_40 = tpu.vector_load %arg8[%swap3A_39] {strides = array<i32>} : memref<32xf32, #tpu.memory_space<vmem>>, vector<16xf32>,
    tpu.vector_store %arg8[%swap3A_39], %scan3A_36#1 {strides = array<i32>} : memref<32xf32, #tpu.memory_space<vmem>>, vector<16xf32>,
    %swap3A_41 = arith.constant 0 : index
    %swap3A_42 = tpu.vector_load %arg9[%swap3A_41] {strides = array<i32>} : memref<32xf32, #tpu.memory_space<vmem>>, vector<16xf32>,
    tpu.vector_store %arg9[%swap3A_41], %scan3A_36#2 {strides = array<i32>} : memref<32xf32, #tpu.memory_space<vmem>>, vector<16xf32>,
    %swap3A_43 = arith.constant 16 : index
    %swap3A_44 = tpu.vector_load %arg9[%swap3A_43] {strides = array<i32>} : memref<32xf32, #tpu.memory_space<vmem>>, vector<16xf32>,
    tpu.vector_store %arg9[%swap3A_43], %scan3A_36#3 {strides = array<i32>} : memref<32xf32, #tpu.memory_space<vmem>>, vector<16xf32>,
    %swap3A_45 = arith.constant 0 : index
    %swap3A_46 = tpu.vector_load %arg10[%swap3A_45] {strides = array<i32>} : memref<32xf32, #tpu.memory_space<vmem>>, vector<16xf32>,
    tpu.vector_store %arg10[%swap3A_45], %scan3A_36#4 {strides = array<i32>} : memref<32xf32, #tpu.memory_space<vmem>>, vector<16xf32>,
    %swap3A_47 = arith.constant 16 : index
    %swap3A_48 = tpu.vector_load %arg10[%swap3A_47] {strides = array<i32>} : memref<32xf32, #tpu.memory_space<vmem>>, vector<16xf32>,
    tpu.vector_store %arg10[%swap3A_47], %scan3A_36#5 {strides = array<i32>} : memref<32xf32, #tpu.memory_space<vmem>>, vector<16xf32>,
    %swap3A_49 = arith.constant 0 : index
    %swap3A_50 = tpu.vector_load %arg11[%swap3A_49] {strides = array<i32>} : memref<32xf32, #tpu.memory_space<vmem>>, vector<16xf32>,
    tpu.vector_store %arg11[%swap3A_49], %scan3A_36#6 {strides = array<i32>} : memref<32xf32, #tpu.memory_space<vmem>>, vector<16xf32>,
    %swap3A_51 = arith.constant 16 : index
    %swap3A_52 = tpu.vector_load %arg11[%swap3A_51] {strides = array<i32>} : memref<32xf32, #tpu.memory_space<vmem>>, vector<16xf32>,
    tpu.vector_store %arg11[%swap3A_51], %scan3A_36#7 {strides = array<i32>} : memref<32xf32, #tpu.memory_space<vmem>>, vector<16xf32>,
    %swap3A_53 = arith.constant 0 : index
    %swap3A_54 = tpu.vector_load %arg12[%swap3A_53] {strides = array<i32>} : memref<32xf32, #tpu.memory_space<vmem>>, vector<16xf32>,
    tpu.vector_store %arg12[%swap3A_53], %scan3A_36#8 {strides = array<i32>} : memref<32xf32, #tpu.memory_space<vmem>>, vector<16xf32>,
    %swap3A_55 = arith.constant 16 : index
    %swap3A_56 = tpu.vector_load %arg12[%swap3A_55] {strides = array<i32>} : memref<32xf32, #tpu.memory_space<vmem>>, vector<16xf32>,
    tpu.vector_store %arg12[%swap3A_55], %scan3A_36#9 {strides = array<i32>} : memref<32xf32, #tpu.memory_space<vmem>>, vector<16xf32>,
    %swap3A_57 = arith.constant 0 : index
    %swap3A_58 = tpu.vector_load %arg13[%swap3A_57] {strides = array<i32>} : memref<32xf32, #tpu.memory_space<vmem>>, vector<16xf32>,
    tpu.vector_store %arg13[%swap3A_57], %scan3A_36#10 {strides = array<i32>} : memref<32xf32, #tpu.memory_space<vmem>>, vector<16xf32>,
    %swap3A_59 = arith.constant 16 : index
    %swap3A_60 = tpu.vector_load %arg13[%swap3A_59] {strides = array<i32>} : memref<32xf32, #tpu.memory_space<vmem>>, vector<16xf32>,
    tpu.vector_store %arg13[%swap3A_59], %scan3A_36#11 {strides = array<i32>} : memref<32xf32, #tpu.memory_space<vmem>>, vector<16xf32>,
    %add3A_61 = arith.constant 0 : i32
    %add3A_62 = arith.addi %mul3A_2, %add3A_61 : i32
    %dma_wait3A = tpu.memref_slice %arg4[%add3A_62] : memref<4194304xf32, #tpu.memory_space<hbm>> -> memref<16384xf32, #tpu.memory_space<hbm>>
    %dma_wait3A_63 = tpu.memref_slice %arg4[%add3A_62] : memref<4194304xf32, #tpu.memory_space<hbm>> -> memref<16384xf32, #tpu.memory_space<hbm>>
    tpu.wait_dma2 semaphore(%arg18 : memref<!tpu.dma_semaphore, #tpu.memory_space<semaphore_mem>>) src(%dma_wait3A_63 : memref<16384xf32, #tpu.memory_space<hbm>>) dst(%arg14 : memref<16384xf32, #tpu.memory_space<vmem>>)
    %parallel_loop3A = arith.constant 0 : i32
    %parallel_loop3A_64 = arith.constant 1024 : i32
    %parallel_loop3A_65 = arith.constant 1 : i32
    scf.for %parallel_loop3A_203 = %parallel_loop3A to %parallel_loop3A_64 step %parallel_loop3A_65  : i32 {
      %parallel_loop3A_204 = arith.constant 16 : i32
      %parallel_loop3A_205 = arith.muli %parallel_loop3A_203, %parallel_loop3A_204 : i32
      %parallel_loop3A_206 = arith.index_cast %parallel_loop3A_205 : i32 to index
      %parallel_loop3A_207 = tpu.vector_load %arg14[%parallel_loop3A_206] {strides = array<i32>} : memref<16384xf32, #tpu.memory_space<vmem>>, vector<16xf32>,
      %parallel_loop3A_208 = arith.constant 4.000000e+00 : f32
      %parallel_loop3A_209 = vector.broadcast %parallel_loop3A_208 : f32 to vector<16xf32>
      %parallel_loop3A_210 = arith.mulf %parallel_loop3A_207, %parallel_loop3A_209 : vector<16xf32>
      %parallel_loop3A_211 = arith.constant 1.600000e+01 : f32
      %parallel_loop3A_212 = vector.broadcast %parallel_loop3A_211 : f32 to vector<16xf32>
      %parallel_loop3A_213 = arith.addf %parallel_loop3A_210, %parallel_loop3A_212 : vector<16xf32>
      %parallel_loop3A_214 = arith.fptosi %parallel_loop3A_213 : vector<16xf32> to vector<16xi32>
      %parallel_loop3A_215 = arith.constant 0 : i32
      %parallel_loop3A_216 = arith.constant 31 : i32
      %parallel_loop3A_217 = vector.broadcast %parallel_loop3A_215 : i32 to vector<16xi32>
      %parallel_loop3A_218 = arith.maxsi %parallel_loop3A_217, %parallel_loop3A_214 : vector<16xi32>
      %parallel_loop3A_219 = vector.broadcast %parallel_loop3A_216 : i32 to vector<16xi32>
      %parallel_loop3A_220 = arith.minsi %parallel_loop3A_219, %parallel_loop3A_218 : vector<16xi32>
      %parallel_loop3A_221 = arith.sitofp %parallel_loop3A_220 : vector<16xi32> to vector<16xf32>
      %parallel_loop3A_222 = arith.subf %parallel_loop3A_213, %parallel_loop3A_221 : vector<16xf32>
      %parallel_loop3A_223 = tpu.vector_load_idx %arg13[%parallel_loop3A_220] : memref<32xf32, #tpu.memory_space<vmem>>[vector<16xi32>], vector<16xf32>,
      %parallel_loop3A_224 = arith.mulf %parallel_loop3A_223, %parallel_loop3A_222 : vector<16xf32>
      %parallel_loop3A_225 = tpu.vector_load_idx %arg12[%parallel_loop3A_220] : memref<32xf32, #tpu.memory_space<vmem>>[vector<16xi32>], vector<16xf32>,
      %parallel_loop3A_226 = arith.addf %parallel_loop3A_224, %parallel_loop3A_225 : vector<16xf32>
      %parallel_loop3A_227 = arith.mulf %parallel_loop3A_226, %parallel_loop3A_222 : vector<16xf32>
      %parallel_loop3A_228 = tpu.vector_load_idx %arg11[%parallel_loop3A_220] : memref<32xf32, #tpu.memory_space<vmem>>[vector<16xi32>], vector<16xf32>,
      %parallel_loop3A_229 = arith.addf %parallel_loop3A_227, %parallel_loop3A_228 : vector<16xf32>
      %parallel_loop3A_230 = arith.mulf %parallel_loop3A_229, %parallel_loop3A_222 : vector<16xf32>
      %parallel_loop3A_231 = tpu.vector_load_idx %arg10[%parallel_loop3A_220] : memref<32xf32, #tpu.memory_space<vmem>>[vector<16xi32>], vector<16xf32>,
      %parallel_loop3A_232 = arith.addf %parallel_loop3A_230, %parallel_loop3A_231 : vector<16xf32>
      %parallel_loop3A_233 = arith.mulf %parallel_loop3A_232, %parallel_loop3A_222 : vector<16xf32>
      %parallel_loop3A_234 = tpu.vector_load_idx %arg9[%parallel_loop3A_220] : memref<32xf32, #tpu.memory_space<vmem>>[vector<16xi32>], vector<16xf32>,
      %parallel_loop3A_235 = arith.addf %parallel_loop3A_233, %parallel_loop3A_234 : vector<16xf32>
      %parallel_loop3A_236 = arith.mulf %parallel_loop3A_235, %parallel_loop3A_222 : vector<16xf32>
      %parallel_loop3A_237 = tpu.vector_load_idx %arg8[%parallel_loop3A_220] : memref<32xf32, #tpu.memory_space<vmem>>[vector<16xi32>], vector<16xf32>,
      %parallel_loop3A_238 = arith.addf %parallel_loop3A_236, %parallel_loop3A_237 : vector<16xf32>
      %parallel_loop3A_239 = arith.index_cast %parallel_loop3A_205 : i32 to index
      %parallel_loop3A_240 = tpu.vector_load %arg16[%parallel_loop3A_239] {strides = array<i32>} : memref<16384xf32, #tpu.memory_space<vmem>>, vector<16xf32>,
      tpu.vector_store %arg16[%parallel_loop3A_239], %parallel_loop3A_238 {strides = array<i32>} : memref<16384xf32, #tpu.memory_space<vmem>>, vector<16xf32>,
    } {sc.loop_unroll_factor = 8 : i64, sc.parallel_access}
    %add3A_66 = arith.constant 0 : i32
    %add3A_67 = arith.addi %mul3A_2, %add3A_66 : i32
    %dma_start3A_68 = tpu.memref_slice %arg5[%add3A_67] : memref<4194304xf32, #tpu.memory_space<hbm>> -> memref<16384xf32, #tpu.memory_space<hbm>>
    %dma_start3A_69 = tpu.memref_slice %arg5[%add3A_67] : memref<4194304xf32, #tpu.memory_space<hbm>> -> memref<16384xf32, #tpu.memory_space<hbm>>
    tpu.enqueue_dma source(%arg16 : memref<16384xf32, #tpu.memory_space<vmem>>) target(%dma_start3A_69 : memref<16384xf32, #tpu.memory_space<hbm>>) target_semaphore(%arg20 : memref<!tpu.dma_semaphore, #tpu.memory_space<semaphore_mem>>)
    %add3A_70 = arith.constant 32768 : i32
    %add3A_71 = arith.addi %mul3A_2, %add3A_70 : i32
    %dma_start3A_72 = tpu.memref_slice %arg4[%add3A_71] : memref<4194304xf32, #tpu.memory_space<hbm>> -> memref<16384xf32, #tpu.memory_space<hbm>>
    %dma_start3A_73 = tpu.memref_slice %arg4[%add3A_71] : memref<4194304xf32, #tpu.memory_space<hbm>> -> memref<16384xf32, #tpu.memory_space<hbm>>
    tpu.enqueue_dma source(%dma_start3A_73 : memref<16384xf32, #tpu.memory_space<hbm>>) target(%arg14 : memref<16384xf32, #tpu.memory_space<vmem>>) target_semaphore(%arg18 : memref<!tpu.dma_semaphore, #tpu.memory_space<semaphore_mem>>)
    %add3A_74 = arith.constant 16384 : i32
    %add3A_75 = arith.addi %mul3A_2, %add3A_74 : i32
    %dma_wait3A_76 = tpu.memref_slice %arg4[%add3A_75] : memref<4194304xf32, #tpu.memory_space<hbm>> -> memref<16384xf32, #tpu.memory_space<hbm>>
    %dma_wait3A_77 = tpu.memref_slice %arg4[%add3A_75] : memref<4194304xf32, #tpu.memory_space<hbm>> -> memref<16384xf32, #tpu.memory_space<hbm>>
    tpu.wait_dma2 semaphore(%arg19 : memref<!tpu.dma_semaphore, #tpu.memory_space<semaphore_mem>>) src(%dma_wait3A_77 : memref<16384xf32, #tpu.memory_space<hbm>>) dst(%arg15 : memref<16384xf32, #tpu.memory_space<vmem>>)
    %parallel_loop3A_78 = arith.constant 0 : i32
    %parallel_loop3A_79 = arith.constant 1024 : i32
    %parallel_loop3A_80 = arith.constant 1 : i32
    scf.for %parallel_loop3A_203 = %parallel_loop3A_78 to %parallel_loop3A_79 step %parallel_loop3A_80  : i32 {
      %parallel_loop3A_204 = arith.constant 16 : i32
      %parallel_loop3A_205 = arith.muli %parallel_loop3A_203, %parallel_loop3A_204 : i32
      %parallel_loop3A_206 = arith.index_cast %parallel_loop3A_205 : i32 to index
      %parallel_loop3A_207 = tpu.vector_load %arg15[%parallel_loop3A_206] {strides = array<i32>} : memref<16384xf32, #tpu.memory_space<vmem>>, vector<16xf32>,
      %parallel_loop3A_208 = arith.constant 4.000000e+00 : f32
      %parallel_loop3A_209 = vector.broadcast %parallel_loop3A_208 : f32 to vector<16xf32>
      %parallel_loop3A_210 = arith.mulf %parallel_loop3A_207, %parallel_loop3A_209 : vector<16xf32>
      %parallel_loop3A_211 = arith.constant 1.600000e+01 : f32
      %parallel_loop3A_212 = vector.broadcast %parallel_loop3A_211 : f32 to vector<16xf32>
      %parallel_loop3A_213 = arith.addf %parallel_loop3A_210, %parallel_loop3A_212 : vector<16xf32>
      %parallel_loop3A_214 = arith.fptosi %parallel_loop3A_213 : vector<16xf32> to vector<16xi32>
      %parallel_loop3A_215 = arith.constant 0 : i32
      %parallel_loop3A_216 = arith.constant 31 : i32
      %parallel_loop3A_217 = vector.broadcast %parallel_loop3A_215 : i32 to vector<16xi32>
      %parallel_loop3A_218 = arith.maxsi %parallel_loop3A_217, %parallel_loop3A_214 : vector<16xi32>
      %parallel_loop3A_219 = vector.broadcast %parallel_loop3A_216 : i32 to vector<16xi32>
      %parallel_loop3A_220 = arith.minsi %parallel_loop3A_219, %parallel_loop3A_218 : vector<16xi32>
      %parallel_loop3A_221 = arith.sitofp %parallel_loop3A_220 : vector<16xi32> to vector<16xf32>
      %parallel_loop3A_222 = arith.subf %parallel_loop3A_213, %parallel_loop3A_221 : vector<16xf32>
      %parallel_loop3A_223 = tpu.vector_load_idx %arg13[%parallel_loop3A_220] : memref<32xf32, #tpu.memory_space<vmem>>[vector<16xi32>], vector<16xf32>,
      %parallel_loop3A_224 = arith.mulf %parallel_loop3A_223, %parallel_loop3A_222 : vector<16xf32>
      %parallel_loop3A_225 = tpu.vector_load_idx %arg12[%parallel_loop3A_220] : memref<32xf32, #tpu.memory_space<vmem>>[vector<16xi32>], vector<16xf32>,
      %parallel_loop3A_226 = arith.addf %parallel_loop3A_224, %parallel_loop3A_225 : vector<16xf32>
      %parallel_loop3A_227 = arith.mulf %parallel_loop3A_226, %parallel_loop3A_222 : vector<16xf32>
      %parallel_loop3A_228 = tpu.vector_load_idx %arg11[%parallel_loop3A_220] : memref<32xf32, #tpu.memory_space<vmem>>[vector<16xi32>], vector<16xf32>,
      %parallel_loop3A_229 = arith.addf %parallel_loop3A_227, %parallel_loop3A_228 : vector<16xf32>
      %parallel_loop3A_230 = arith.mulf %parallel_loop3A_229, %parallel_loop3A_222 : vector<16xf32>
      %parallel_loop3A_231 = tpu.vector_load_idx %arg10[%parallel_loop3A_220] : memref<32xf32, #tpu.memory_space<vmem>>[vector<16xi32>], vector<16xf32>,
      %parallel_loop3A_232 = arith.addf %parallel_loop3A_230, %parallel_loop3A_231 : vector<16xf32>
      %parallel_loop3A_233 = arith.mulf %parallel_loop3A_232, %parallel_loop3A_222 : vector<16xf32>
      %parallel_loop3A_234 = tpu.vector_load_idx %arg9[%parallel_loop3A_220] : memref<32xf32, #tpu.memory_space<vmem>>[vector<16xi32>], vector<16xf32>,
      %parallel_loop3A_235 = arith.addf %parallel_loop3A_233, %parallel_loop3A_234 : vector<16xf32>
      %parallel_loop3A_236 = arith.mulf %parallel_loop3A_235, %parallel_loop3A_222 : vector<16xf32>
      %parallel_loop3A_237 = tpu.vector_load_idx %arg8[%parallel_loop3A_220] : memref<32xf32, #tpu.memory_space<vmem>>[vector<16xi32>], vector<16xf32>,
      %parallel_loop3A_238 = arith.addf %parallel_loop3A_236, %parallel_loop3A_237 : vector<16xf32>
      %parallel_loop3A_239 = arith.index_cast %parallel_loop3A_205 : i32 to index
      %parallel_loop3A_240 = tpu.vector_load %arg17[%parallel_loop3A_239] {strides = array<i32>} : memref<16384xf32, #tpu.memory_space<vmem>>, vector<16xf32>,
      tpu.vector_store %arg17[%parallel_loop3A_239], %parallel_loop3A_238 {strides = array<i32>} : memref<16384xf32, #tpu.memory_space<vmem>>, vector<16xf32>,
    } {sc.loop_unroll_factor = 8 : i64, sc.parallel_access}
    %add3A_81 = arith.constant 16384 : i32
    %add3A_82 = arith.addi %mul3A_2, %add3A_81 : i32
    %dma_start3A_83 = tpu.memref_slice %arg5[%add3A_82] : memref<4194304xf32, #tpu.memory_space<hbm>> -> memref<16384xf32, #tpu.memory_space<hbm>>
    %dma_start3A_84 = tpu.memref_slice %arg5[%add3A_82] : memref<4194304xf32, #tpu.memory_space<hbm>> -> memref<16384xf32, #tpu.memory_space<hbm>>
    tpu.enqueue_dma source(%arg17 : memref<16384xf32, #tpu.memory_space<vmem>>) target(%dma_start3A_84 : memref<16384xf32, #tpu.memory_space<hbm>>) target_semaphore(%arg21 : memref<!tpu.dma_semaphore, #tpu.memory_space<semaphore_mem>>)
    %add3A_85 = arith.constant 49152 : i32
    %add3A_86 = arith.addi %mul3A_2, %add3A_85 : i32
    %dma_start3A_87 = tpu.memref_slice %arg4[%add3A_86] : memref<4194304xf32, #tpu.memory_space<hbm>> -> memref<16384xf32, #tpu.memory_space<hbm>>
    %dma_start3A_88 = tpu.memref_slice %arg4[%add3A_86] : memref<4194304xf32, #tpu.memory_space<hbm>> -> memref<16384xf32, #tpu.memory_space<hbm>>
    tpu.enqueue_dma source(%dma_start3A_88 : memref<16384xf32, #tpu.memory_space<hbm>>) target(%arg15 : memref<16384xf32, #tpu.memory_space<vmem>>) target_semaphore(%arg19 : memref<!tpu.dma_semaphore, #tpu.memory_space<semaphore_mem>>)
    %add3A_89 = arith.constant 32768 : i32
    %add3A_90 = arith.addi %mul3A_2, %add3A_89 : i32
    %dma_wait3A_91 = tpu.memref_slice %arg4[%add3A_90] : memref<4194304xf32, #tpu.memory_space<hbm>> -> memref<16384xf32, #tpu.memory_space<hbm>>
    %dma_wait3A_92 = tpu.memref_slice %arg4[%add3A_90] : memref<4194304xf32, #tpu.memory_space<hbm>> -> memref<16384xf32, #tpu.memory_space<hbm>>
    tpu.wait_dma2 semaphore(%arg18 : memref<!tpu.dma_semaphore, #tpu.memory_space<semaphore_mem>>) src(%dma_wait3A_92 : memref<16384xf32, #tpu.memory_space<hbm>>) dst(%arg14 : memref<16384xf32, #tpu.memory_space<vmem>>)
    %add3A_93 = arith.constant 0 : i32
    %add3A_94 = arith.addi %mul3A_2, %add3A_93 : i32
    %dma_wait3A_95 = tpu.memref_slice %arg5[%add3A_94] : memref<4194304xf32, #tpu.memory_space<hbm>> -> memref<16384xf32, #tpu.memory_space<hbm>>
    %dma_wait3A_96 = tpu.memref_slice %arg5[%add3A_94] : memref<4194304xf32, #tpu.memory_space<hbm>> -> memref<16384xf32, #tpu.memory_space<hbm>>
    tpu.wait_dma2 semaphore(%arg20 : memref<!tpu.dma_semaphore, #tpu.memory_space<semaphore_mem>>) src(%arg16 : memref<16384xf32, #tpu.memory_space<vmem>>) dst(%dma_wait3A_96 : memref<16384xf32, #tpu.memory_space<hbm>>)
    %parallel_loop3A_97 = arith.constant 0 : i32
    %parallel_loop3A_98 = arith.constant 1024 : i32
    %parallel_loop3A_99 = arith.constant 1 : i32
    scf.for %parallel_loop3A_203 = %parallel_loop3A_97 to %parallel_loop3A_98 step %parallel_loop3A_99  : i32 {
      %parallel_loop3A_204 = arith.constant 16 : i32
      %parallel_loop3A_205 = arith.muli %parallel_loop3A_203, %parallel_loop3A_204 : i32
      %parallel_loop3A_206 = arith.index_cast %parallel_loop3A_205 : i32 to index
      %parallel_loop3A_207 = tpu.vector_load %arg14[%parallel_loop3A_206] {strides = array<i32>} : memref<16384xf32, #tpu.memory_space<vmem>>, vector<16xf32>,
      %parallel_loop3A_208 = arith.constant 4.000000e+00 : f32
      %parallel_loop3A_209 = vector.broadcast %parallel_loop3A_208 : f32 to vector<16xf32>
      %parallel_loop3A_210 = arith.mulf %parallel_loop3A_207, %parallel_loop3A_209 : vector<16xf32>
      %parallel_loop3A_211 = arith.constant 1.600000e+01 : f32
      %parallel_loop3A_212 = vector.broadcast %parallel_loop3A_211 : f32 to vector<16xf32>
      %parallel_loop3A_213 = arith.addf %parallel_loop3A_210, %parallel_loop3A_212 : vector<16xf32>
      %parallel_loop3A_214 = arith.fptosi %parallel_loop3A_213 : vector<16xf32> to vector<16xi32>
      %parallel_loop3A_215 = arith.constant 0 : i32
      %parallel_loop3A_216 = arith.constant 31 : i32
      %parallel_loop3A_217 = vector.broadcast %parallel_loop3A_215 : i32 to vector<16xi32>
      %parallel_loop3A_218 = arith.maxsi %parallel_loop3A_217, %parallel_loop3A_214 : vector<16xi32>
      %parallel_loop3A_219 = vector.broadcast %parallel_loop3A_216 : i32 to vector<16xi32>
      %parallel_loop3A_220 = arith.minsi %parallel_loop3A_219, %parallel_loop3A_218 : vector<16xi32>
      %parallel_loop3A_221 = arith.sitofp %parallel_loop3A_220 : vector<16xi32> to vector<16xf32>
      %parallel_loop3A_222 = arith.subf %parallel_loop3A_213, %parallel_loop3A_221 : vector<16xf32>
      %parallel_loop3A_223 = tpu.vector_load_idx %arg13[%parallel_loop3A_220] : memref<32xf32, #tpu.memory_space<vmem>>[vector<16xi32>], vector<16xf32>,
      %parallel_loop3A_224 = arith.mulf %parallel_loop3A_223, %parallel_loop3A_222 : vector<16xf32>
      %parallel_loop3A_225 = tpu.vector_load_idx %arg12[%parallel_loop3A_220] : memref<32xf32, #tpu.memory_space<vmem>>[vector<16xi32>], vector<16xf32>,
      %parallel_loop3A_226 = arith.addf %parallel_loop3A_224, %parallel_loop3A_225 : vector<16xf32>
      %parallel_loop3A_227 = arith.mulf %parallel_loop3A_226, %parallel_loop3A_222 : vector<16xf32>
      %parallel_loop3A_228 = tpu.vector_load_idx %arg11[%parallel_loop3A_220] : memref<32xf32, #tpu.memory_space<vmem>>[vector<16xi32>], vector<16xf32>,
      %parallel_loop3A_229 = arith.addf %parallel_loop3A_227, %parallel_loop3A_228 : vector<16xf32>
      %parallel_loop3A_230 = arith.mulf %parallel_loop3A_229, %parallel_loop3A_222 : vector<16xf32>
      %parallel_loop3A_231 = tpu.vector_load_idx %arg10[%parallel_loop3A_220] : memref<32xf32, #tpu.memory_space<vmem>>[vector<16xi32>], vector<16xf32>,
      %parallel_loop3A_232 = arith.addf %parallel_loop3A_230, %parallel_loop3A_231 : vector<16xf32>
      %parallel_loop3A_233 = arith.mulf %parallel_loop3A_232, %parallel_loop3A_222 : vector<16xf32>
      %parallel_loop3A_234 = tpu.vector_load_idx %arg9[%parallel_loop3A_220] : memref<32xf32, #tpu.memory_space<vmem>>[vector<16xi32>], vector<16xf32>,
      %parallel_loop3A_235 = arith.addf %parallel_loop3A_233, %parallel_loop3A_234 : vector<16xf32>
      %parallel_loop3A_236 = arith.mulf %parallel_loop3A_235, %parallel_loop3A_222 : vector<16xf32>
      %parallel_loop3A_237 = tpu.vector_load_idx %arg8[%parallel_loop3A_220] : memref<32xf32, #tpu.memory_space<vmem>>[vector<16xi32>], vector<16xf32>,
      %parallel_loop3A_238 = arith.addf %parallel_loop3A_236, %parallel_loop3A_237 : vector<16xf32>
      %parallel_loop3A_239 = arith.index_cast %parallel_loop3A_205 : i32 to index
      %parallel_loop3A_240 = tpu.vector_load %arg16[%parallel_loop3A_239] {strides = array<i32>} : memref<16384xf32, #tpu.memory_space<vmem>>, vector<16xf32>,
      tpu.vector_store %arg16[%parallel_loop3A_239], %parallel_loop3A_238 {strides = array<i32>} : memref<16384xf32, #tpu.memory_space<vmem>>, vector<16xf32>,
    } {sc.loop_unroll_factor = 8 : i64, sc.parallel_access}
    %add3A_100 = arith.constant 32768 : i32
    %add3A_101 = arith.addi %mul3A_2, %add3A_100 : i32
    %dma_start3A_102 = tpu.memref_slice %arg5[%add3A_101] : memref<4194304xf32, #tpu.memory_space<hbm>> -> memref<16384xf32, #tpu.memory_space<hbm>>
    %dma_start3A_103 = tpu.memref_slice %arg5[%add3A_101] : memref<4194304xf32, #tpu.memory_space<hbm>> -> memref<16384xf32, #tpu.memory_space<hbm>>
    tpu.enqueue_dma source(%arg16 : memref<16384xf32, #tpu.memory_space<vmem>>) target(%dma_start3A_103 : memref<16384xf32, #tpu.memory_space<hbm>>) target_semaphore(%arg20 : memref<!tpu.dma_semaphore, #tpu.memory_space<semaphore_mem>>)
    %add3A_104 = arith.constant 65536 : i32
    %add3A_105 = arith.addi %mul3A_2, %add3A_104 : i32
    %dma_start3A_106 = tpu.memref_slice %arg4[%add3A_105] : memref<4194304xf32, #tpu.memory_space<hbm>> -> memref<16384xf32, #tpu.memory_space<hbm>>
    %dma_start3A_107 = tpu.memref_slice %arg4[%add3A_105] : memref<4194304xf32, #tpu.memory_space<hbm>> -> memref<16384xf32, #tpu.memory_space<hbm>>
    tpu.enqueue_dma source(%dma_start3A_107 : memref<16384xf32, #tpu.memory_space<hbm>>) target(%arg14 : memref<16384xf32, #tpu.memory_space<vmem>>) target_semaphore(%arg18 : memref<!tpu.dma_semaphore, #tpu.memory_space<semaphore_mem>>)
    %add3A_108 = arith.constant 49152 : i32
    %add3A_109 = arith.addi %mul3A_2, %add3A_108 : i32
    %dma_wait3A_110 = tpu.memref_slice %arg4[%add3A_109] : memref<4194304xf32, #tpu.memory_space<hbm>> -> memref<16384xf32, #tpu.memory_space<hbm>>
    %dma_wait3A_111 = tpu.memref_slice %arg4[%add3A_109] : memref<4194304xf32, #tpu.memory_space<hbm>> -> memref<16384xf32, #tpu.memory_space<hbm>>
    tpu.wait_dma2 semaphore(%arg19 : memref<!tpu.dma_semaphore, #tpu.memory_space<semaphore_mem>>) src(%dma_wait3A_111 : memref<16384xf32, #tpu.memory_space<hbm>>) dst(%arg15 : memref<16384xf32, #tpu.memory_space<vmem>>)
    %add3A_112 = arith.constant 16384 : i32
    %add3A_113 = arith.addi %mul3A_2, %add3A_112 : i32
    %dma_wait3A_114 = tpu.memref_slice %arg5[%add3A_113] : memref<4194304xf32, #tpu.memory_space<hbm>> -> memref<16384xf32, #tpu.memory_space<hbm>>
    %dma_wait3A_115 = tpu.memref_slice %arg5[%add3A_113] : memref<4194304xf32, #tpu.memory_space<hbm>> -> memref<16384xf32, #tpu.memory_space<hbm>>
    tpu.wait_dma2 semaphore(%arg21 : memref<!tpu.dma_semaphore, #tpu.memory_space<semaphore_mem>>) src(%arg17 : memref<16384xf32, #tpu.memory_space<vmem>>) dst(%dma_wait3A_115 : memref<16384xf32, #tpu.memory_space<hbm>>)
    %parallel_loop3A_116 = arith.constant 0 : i32
    %parallel_loop3A_117 = arith.constant 1024 : i32
    %parallel_loop3A_118 = arith.constant 1 : i32
    scf.for %parallel_loop3A_203 = %parallel_loop3A_116 to %parallel_loop3A_117 step %parallel_loop3A_118  : i32 {
      %parallel_loop3A_204 = arith.constant 16 : i32
      %parallel_loop3A_205 = arith.muli %parallel_loop3A_203, %parallel_loop3A_204 : i32
      %parallel_loop3A_206 = arith.index_cast %parallel_loop3A_205 : i32 to index
      %parallel_loop3A_207 = tpu.vector_load %arg15[%parallel_loop3A_206] {strides = array<i32>} : memref<16384xf32, #tpu.memory_space<vmem>>, vector<16xf32>,
      %parallel_loop3A_208 = arith.constant 4.000000e+00 : f32
      %parallel_loop3A_209 = vector.broadcast %parallel_loop3A_208 : f32 to vector<16xf32>
      %parallel_loop3A_210 = arith.mulf %parallel_loop3A_207, %parallel_loop3A_209 : vector<16xf32>
      %parallel_loop3A_211 = arith.constant 1.600000e+01 : f32
      %parallel_loop3A_212 = vector.broadcast %parallel_loop3A_211 : f32 to vector<16xf32>
      %parallel_loop3A_213 = arith.addf %parallel_loop3A_210, %parallel_loop3A_212 : vector<16xf32>
      %parallel_loop3A_214 = arith.fptosi %parallel_loop3A_213 : vector<16xf32> to vector<16xi32>
      %parallel_loop3A_215 = arith.constant 0 : i32
      %parallel_loop3A_216 = arith.constant 31 : i32
      %parallel_loop3A_217 = vector.broadcast %parallel_loop3A_215 : i32 to vector<16xi32>
      %parallel_loop3A_218 = arith.maxsi %parallel_loop3A_217, %parallel_loop3A_214 : vector<16xi32>
      %parallel_loop3A_219 = vector.broadcast %parallel_loop3A_216 : i32 to vector<16xi32>
      %parallel_loop3A_220 = arith.minsi %parallel_loop3A_219, %parallel_loop3A_218 : vector<16xi32>
      %parallel_loop3A_221 = arith.sitofp %parallel_loop3A_220 : vector<16xi32> to vector<16xf32>
      %parallel_loop3A_222 = arith.subf %parallel_loop3A_213, %parallel_loop3A_221 : vector<16xf32>
      %parallel_loop3A_223 = tpu.vector_load_idx %arg13[%parallel_loop3A_220] : memref<32xf32, #tpu.memory_space<vmem>>[vector<16xi32>], vector<16xf32>,
      %parallel_loop3A_224 = arith.mulf %parallel_loop3A_223, %parallel_loop3A_222 : vector<16xf32>
      %parallel_loop3A_225 = tpu.vector_load_idx %arg12[%parallel_loop3A_220] : memref<32xf32, #tpu.memory_space<vmem>>[vector<16xi32>], vector<16xf32>,
      %parallel_loop3A_226 = arith.addf %parallel_loop3A_224, %parallel_loop3A_225 : vector<16xf32>
      %parallel_loop3A_227 = arith.mulf %parallel_loop3A_226, %parallel_loop3A_222 : vector<16xf32>
      %parallel_loop3A_228 = tpu.vector_load_idx %arg11[%parallel_loop3A_220] : memref<32xf32, #tpu.memory_space<vmem>>[vector<16xi32>], vector<16xf32>,
      %parallel_loop3A_229 = arith.addf %parallel_loop3A_227, %parallel_loop3A_228 : vector<16xf32>
      %parallel_loop3A_230 = arith.mulf %parallel_loop3A_229, %parallel_loop3A_222 : vector<16xf32>
      %parallel_loop3A_231 = tpu.vector_load_idx %arg10[%parallel_loop3A_220] : memref<32xf32, #tpu.memory_space<vmem>>[vector<16xi32>], vector<16xf32>,
      %parallel_loop3A_232 = arith.addf %parallel_loop3A_230, %parallel_loop3A_231 : vector<16xf32>
      %parallel_loop3A_233 = arith.mulf %parallel_loop3A_232, %parallel_loop3A_222 : vector<16xf32>
      %parallel_loop3A_234 = tpu.vector_load_idx %arg9[%parallel_loop3A_220] : memref<32xf32, #tpu.memory_space<vmem>>[vector<16xi32>], vector<16xf32>,
      %parallel_loop3A_235 = arith.addf %parallel_loop3A_233, %parallel_loop3A_234 : vector<16xf32>
      %parallel_loop3A_236 = arith.mulf %parallel_loop3A_235, %parallel_loop3A_222 : vector<16xf32>
      %parallel_loop3A_237 = tpu.vector_load_idx %arg8[%parallel_loop3A_220] : memref<32xf32, #tpu.memory_space<vmem>>[vector<16xi32>], vector<16xf32>,
      %parallel_loop3A_238 = arith.addf %parallel_loop3A_236, %parallel_loop3A_237 : vector<16xf32>
      %parallel_loop3A_239 = arith.index_cast %parallel_loop3A_205 : i32 to index
      %parallel_loop3A_240 = tpu.vector_load %arg17[%parallel_loop3A_239] {strides = array<i32>} : memref<16384xf32, #tpu.memory_space<vmem>>, vector<16xf32>,
      tpu.vector_store %arg17[%parallel_loop3A_239], %parallel_loop3A_238 {strides = array<i32>} : memref<16384xf32, #tpu.memory_space<vmem>>, vector<16xf32>,
    } {sc.loop_unroll_factor = 8 : i64, sc.parallel_access}
    %add3A_119 = arith.constant 49152 : i32
    %add3A_120 = arith.addi %mul3A_2, %add3A_119 : i32
    %dma_start3A_121 = tpu.memref_slice %arg5[%add3A_120] : memref<4194304xf32, #tpu.memory_space<hbm>> -> memref<16384xf32, #tpu.memory_space<hbm>>
    %dma_start3A_122 = tpu.memref_slice %arg5[%add3A_120] : memref<4194304xf32, #tpu.memory_space<hbm>> -> memref<16384xf32, #tpu.memory_space<hbm>>
    tpu.enqueue_dma source(%arg17 : memref<16384xf32, #tpu.memory_space<vmem>>) target(%dma_start3A_122 : memref<16384xf32, #tpu.memory_space<hbm>>) target_semaphore(%arg21 : memref<!tpu.dma_semaphore, #tpu.memory_space<semaphore_mem>>)
    %add3A_123 = arith.constant 81920 : i32
    %add3A_124 = arith.addi %mul3A_2, %add3A_123 : i32
    %dma_start3A_125 = tpu.memref_slice %arg4[%add3A_124] : memref<4194304xf32, #tpu.memory_space<hbm>> -> memref<16384xf32, #tpu.memory_space<hbm>>
    %dma_start3A_126 = tpu.memref_slice %arg4[%add3A_124] : memref<4194304xf32, #tpu.memory_space<hbm>> -> memref<16384xf32, #tpu.memory_space<hbm>>
    tpu.enqueue_dma source(%dma_start3A_126 : memref<16384xf32, #tpu.memory_space<hbm>>) target(%arg15 : memref<16384xf32, #tpu.memory_space<vmem>>) target_semaphore(%arg19 : memref<!tpu.dma_semaphore, #tpu.memory_space<semaphore_mem>>)
    %add3A_127 = arith.constant 65536 : i32
    %add3A_128 = arith.addi %mul3A_2, %add3A_127 : i32
    %dma_wait3A_129 = tpu.memref_slice %arg4[%add3A_128] : memref<4194304xf32, #tpu.memory_space<hbm>> -> memref<16384xf32, #tpu.memory_space<hbm>>
    %dma_wait3A_130 = tpu.memref_slice %arg4[%add3A_128] : memref<4194304xf32, #tpu.memory_space<hbm>> -> memref<16384xf32, #tpu.memory_space<hbm>>
    tpu.wait_dma2 semaphore(%arg18 : memref<!tpu.dma_semaphore, #tpu.memory_space<semaphore_mem>>) src(%dma_wait3A_130 : memref<16384xf32, #tpu.memory_space<hbm>>) dst(%arg14 : memref<16384xf32, #tpu.memory_space<vmem>>)
    %add3A_131 = arith.constant 32768 : i32
    %add3A_132 = arith.addi %mul3A_2, %add3A_131 : i32
    %dma_wait3A_133 = tpu.memref_slice %arg5[%add3A_132] : memref<4194304xf32, #tpu.memory_space<hbm>> -> memref<16384xf32, #tpu.memory_space<hbm>>
    %dma_wait3A_134 = tpu.memref_slice %arg5[%add3A_132] : memref<4194304xf32, #tpu.memory_space<hbm>> -> memref<16384xf32, #tpu.memory_space<hbm>>
    tpu.wait_dma2 semaphore(%arg20 : memref<!tpu.dma_semaphore, #tpu.memory_space<semaphore_mem>>) src(%arg16 : memref<16384xf32, #tpu.memory_space<vmem>>) dst(%dma_wait3A_134 : memref<16384xf32, #tpu.memory_space<hbm>>)
    %parallel_loop3A_135 = arith.constant 0 : i32
    %parallel_loop3A_136 = arith.constant 1024 : i32
    %parallel_loop3A_137 = arith.constant 1 : i32
    scf.for %parallel_loop3A_203 = %parallel_loop3A_135 to %parallel_loop3A_136 step %parallel_loop3A_137  : i32 {
      %parallel_loop3A_204 = arith.constant 16 : i32
      %parallel_loop3A_205 = arith.muli %parallel_loop3A_203, %parallel_loop3A_204 : i32
      %parallel_loop3A_206 = arith.index_cast %parallel_loop3A_205 : i32 to index
      %parallel_loop3A_207 = tpu.vector_load %arg14[%parallel_loop3A_206] {strides = array<i32>} : memref<16384xf32, #tpu.memory_space<vmem>>, vector<16xf32>,
      %parallel_loop3A_208 = arith.constant 4.000000e+00 : f32
      %parallel_loop3A_209 = vector.broadcast %parallel_loop3A_208 : f32 to vector<16xf32>
      %parallel_loop3A_210 = arith.mulf %parallel_loop3A_207, %parallel_loop3A_209 : vector<16xf32>
      %parallel_loop3A_211 = arith.constant 1.600000e+01 : f32
      %parallel_loop3A_212 = vector.broadcast %parallel_loop3A_211 : f32 to vector<16xf32>
      %parallel_loop3A_213 = arith.addf %parallel_loop3A_210, %parallel_loop3A_212 : vector<16xf32>
      %parallel_loop3A_214 = arith.fptosi %parallel_loop3A_213 : vector<16xf32> to vector<16xi32>
      %parallel_loop3A_215 = arith.constant 0 : i32
      %parallel_loop3A_216 = arith.constant 31 : i32
      %parallel_loop3A_217 = vector.broadcast %parallel_loop3A_215 : i32 to vector<16xi32>
      %parallel_loop3A_218 = arith.maxsi %parallel_loop3A_217, %parallel_loop3A_214 : vector<16xi32>
      %parallel_loop3A_219 = vector.broadcast %parallel_loop3A_216 : i32 to vector<16xi32>
      %parallel_loop3A_220 = arith.minsi %parallel_loop3A_219, %parallel_loop3A_218 : vector<16xi32>
      %parallel_loop3A_221 = arith.sitofp %parallel_loop3A_220 : vector<16xi32> to vector<16xf32>
      %parallel_loop3A_222 = arith.subf %parallel_loop3A_213, %parallel_loop3A_221 : vector<16xf32>
      %parallel_loop3A_223 = tpu.vector_load_idx %arg13[%parallel_loop3A_220] : memref<32xf32, #tpu.memory_space<vmem>>[vector<16xi32>], vector<16xf32>,
      %parallel_loop3A_224 = arith.mulf %parallel_loop3A_223, %parallel_loop3A_222 : vector<16xf32>
      %parallel_loop3A_225 = tpu.vector_load_idx %arg12[%parallel_loop3A_220] : memref<32xf32, #tpu.memory_space<vmem>>[vector<16xi32>], vector<16xf32>,
      %parallel_loop3A_226 = arith.addf %parallel_loop3A_224, %parallel_loop3A_225 : vector<16xf32>
      %parallel_loop3A_227 = arith.mulf %parallel_loop3A_226, %parallel_loop3A_222 : vector<16xf32>
      %parallel_loop3A_228 = tpu.vector_load_idx %arg11[%parallel_loop3A_220] : memref<32xf32, #tpu.memory_space<vmem>>[vector<16xi32>], vector<16xf32>,
      %parallel_loop3A_229 = arith.addf %parallel_loop3A_227, %parallel_loop3A_228 : vector<16xf32>
      %parallel_loop3A_230 = arith.mulf %parallel_loop3A_229, %parallel_loop3A_222 : vector<16xf32>
      %parallel_loop3A_231 = tpu.vector_load_idx %arg10[%parallel_loop3A_220] : memref<32xf32, #tpu.memory_space<vmem>>[vector<16xi32>], vector<16xf32>,
      %parallel_loop3A_232 = arith.addf %parallel_loop3A_230, %parallel_loop3A_231 : vector<16xf32>
      %parallel_loop3A_233 = arith.mulf %parallel_loop3A_232, %parallel_loop3A_222 : vector<16xf32>
      %parallel_loop3A_234 = tpu.vector_load_idx %arg9[%parallel_loop3A_220] : memref<32xf32, #tpu.memory_space<vmem>>[vector<16xi32>], vector<16xf32>,
      %parallel_loop3A_235 = arith.addf %parallel_loop3A_233, %parallel_loop3A_234 : vector<16xf32>
      %parallel_loop3A_236 = arith.mulf %parallel_loop3A_235, %parallel_loop3A_222 : vector<16xf32>
      %parallel_loop3A_237 = tpu.vector_load_idx %arg8[%parallel_loop3A_220] : memref<32xf32, #tpu.memory_space<vmem>>[vector<16xi32>], vector<16xf32>,
      %parallel_loop3A_238 = arith.addf %parallel_loop3A_236, %parallel_loop3A_237 : vector<16xf32>
      %parallel_loop3A_239 = arith.index_cast %parallel_loop3A_205 : i32 to index
      %parallel_loop3A_240 = tpu.vector_load %arg16[%parallel_loop3A_239] {strides = array<i32>} : memref<16384xf32, #tpu.memory_space<vmem>>, vector<16xf32>,
      tpu.vector_store %arg16[%parallel_loop3A_239], %parallel_loop3A_238 {strides = array<i32>} : memref<16384xf32, #tpu.memory_space<vmem>>, vector<16xf32>,
    } {sc.loop_unroll_factor = 8 : i64, sc.parallel_access}
    %add3A_138 = arith.constant 65536 : i32
    %add3A_139 = arith.addi %mul3A_2, %add3A_138 : i32
    %dma_start3A_140 = tpu.memref_slice %arg5[%add3A_139] : memref<4194304xf32, #tpu.memory_space<hbm>> -> memref<16384xf32, #tpu.memory_space<hbm>>
    %dma_start3A_141 = tpu.memref_slice %arg5[%add3A_139] : memref<4194304xf32, #tpu.memory_space<hbm>> -> memref<16384xf32, #tpu.memory_space<hbm>>
    tpu.enqueue_dma source(%arg16 : memref<16384xf32, #tpu.memory_space<vmem>>) target(%dma_start3A_141 : memref<16384xf32, #tpu.memory_space<hbm>>) target_semaphore(%arg20 : memref<!tpu.dma_semaphore, #tpu.memory_space<semaphore_mem>>)
    %add3A_142 = arith.constant 98304 : i32
    %add3A_143 = arith.addi %mul3A_2, %add3A_142 : i32
    %dma_start3A_144 = tpu.memref_slice %arg4[%add3A_143] : memref<4194304xf32, #tpu.memory_space<hbm>> -> memref<16384xf32, #tpu.memory_space<hbm>>
    %dma_start3A_145 = tpu.memref_slice %arg4[%add3A_143] : memref<4194304xf32, #tpu.memory_space<hbm>> -> memref<16384xf32, #tpu.memory_space<hbm>>
    tpu.enqueue_dma source(%dma_start3A_145 : memref<16384xf32, #tpu.memory_space<hbm>>) target(%arg14 : memref<16384xf32, #tpu.memory_space<vmem>>) target_semaphore(%arg18 : memref<!tpu.dma_semaphore, #tpu.memory_space<semaphore_mem>>)
    %add3A_146 = arith.constant 81920 : i32
    %add3A_147 = arith.addi %mul3A_2, %add3A_146 : i32
    %dma_wait3A_148 = tpu.memref_slice %arg4[%add3A_147] : memref<4194304xf32, #tpu.memory_space<hbm>> -> memref<16384xf32, #tpu.memory_space<hbm>>
    %dma_wait3A_149 = tpu.memref_slice %arg4[%add3A_147] : memref<4194304xf32, #tpu.memory_space<hbm>> -> memref<16384xf32, #tpu.memory_space<hbm>>
    tpu.wait_dma2 semaphore(%arg19 : memref<!tpu.dma_semaphore, #tpu.memory_space<semaphore_mem>>) src(%dma_wait3A_149 : memref<16384xf32, #tpu.memory_space<hbm>>) dst(%arg15 : memref<16384xf32, #tpu.memory_space<vmem>>)
    %add3A_150 = arith.constant 49152 : i32
    %add3A_151 = arith.addi %mul3A_2, %add3A_150 : i32
    %dma_wait3A_152 = tpu.memref_slice %arg5[%add3A_151] : memref<4194304xf32, #tpu.memory_space<hbm>> -> memref<16384xf32, #tpu.memory_space<hbm>>
    %dma_wait3A_153 = tpu.memref_slice %arg5[%add3A_151] : memref<4194304xf32, #tpu.memory_space<hbm>> -> memref<16384xf32, #tpu.memory_space<hbm>>
    tpu.wait_dma2 semaphore(%arg21 : memref<!tpu.dma_semaphore, #tpu.memory_space<semaphore_mem>>) src(%arg17 : memref<16384xf32, #tpu.memory_space<vmem>>) dst(%dma_wait3A_153 : memref<16384xf32, #tpu.memory_space<hbm>>)
    %parallel_loop3A_154 = arith.constant 0 : i32
    %parallel_loop3A_155 = arith.constant 1024 : i32
    %parallel_loop3A_156 = arith.constant 1 : i32
    scf.for %parallel_loop3A_203 = %parallel_loop3A_154 to %parallel_loop3A_155 step %parallel_loop3A_156  : i32 {
      %parallel_loop3A_204 = arith.constant 16 : i32
      %parallel_loop3A_205 = arith.muli %parallel_loop3A_203, %parallel_loop3A_204 : i32
      %parallel_loop3A_206 = arith.index_cast %parallel_loop3A_205 : i32 to index
      %parallel_loop3A_207 = tpu.vector_load %arg15[%parallel_loop3A_206] {strides = array<i32>} : memref<16384xf32, #tpu.memory_space<vmem>>, vector<16xf32>,
      %parallel_loop3A_208 = arith.constant 4.000000e+00 : f32
      %parallel_loop3A_209 = vector.broadcast %parallel_loop3A_208 : f32 to vector<16xf32>
      %parallel_loop3A_210 = arith.mulf %parallel_loop3A_207, %parallel_loop3A_209 : vector<16xf32>
      %parallel_loop3A_211 = arith.constant 1.600000e+01 : f32
      %parallel_loop3A_212 = vector.broadcast %parallel_loop3A_211 : f32 to vector<16xf32>
      %parallel_loop3A_213 = arith.addf %parallel_loop3A_210, %parallel_loop3A_212 : vector<16xf32>
      %parallel_loop3A_214 = arith.fptosi %parallel_loop3A_213 : vector<16xf32> to vector<16xi32>
      %parallel_loop3A_215 = arith.constant 0 : i32
      %parallel_loop3A_216 = arith.constant 31 : i32
      %parallel_loop3A_217 = vector.broadcast %parallel_loop3A_215 : i32 to vector<16xi32>
      %parallel_loop3A_218 = arith.maxsi %parallel_loop3A_217, %parallel_loop3A_214 : vector<16xi32>
      %parallel_loop3A_219 = vector.broadcast %parallel_loop3A_216 : i32 to vector<16xi32>
      %parallel_loop3A_220 = arith.minsi %parallel_loop3A_219, %parallel_loop3A_218 : vector<16xi32>
      %parallel_loop3A_221 = arith.sitofp %parallel_loop3A_220 : vector<16xi32> to vector<16xf32>
      %parallel_loop3A_222 = arith.subf %parallel_loop3A_213, %parallel_loop3A_221 : vector<16xf32>
      %parallel_loop3A_223 = tpu.vector_load_idx %arg13[%parallel_loop3A_220] : memref<32xf32, #tpu.memory_space<vmem>>[vector<16xi32>], vector<16xf32>,
      %parallel_loop3A_224 = arith.mulf %parallel_loop3A_223, %parallel_loop3A_222 : vector<16xf32>
      %parallel_loop3A_225 = tpu.vector_load_idx %arg12[%parallel_loop3A_220] : memref<32xf32, #tpu.memory_space<vmem>>[vector<16xi32>], vector<16xf32>,
      %parallel_loop3A_226 = arith.addf %parallel_loop3A_224, %parallel_loop3A_225 : vector<16xf32>
      %parallel_loop3A_227 = arith.mulf %parallel_loop3A_226, %parallel_loop3A_222 : vector<16xf32>
      %parallel_loop3A_228 = tpu.vector_load_idx %arg11[%parallel_loop3A_220] : memref<32xf32, #tpu.memory_space<vmem>>[vector<16xi32>], vector<16xf32>,
      %parallel_loop3A_229 = arith.addf %parallel_loop3A_227, %parallel_loop3A_228 : vector<16xf32>
      %parallel_loop3A_230 = arith.mulf %parallel_loop3A_229, %parallel_loop3A_222 : vector<16xf32>
      %parallel_loop3A_231 = tpu.vector_load_idx %arg10[%parallel_loop3A_220] : memref<32xf32, #tpu.memory_space<vmem>>[vector<16xi32>], vector<16xf32>,
      %parallel_loop3A_232 = arith.addf %parallel_loop3A_230, %parallel_loop3A_231 : vector<16xf32>
      %parallel_loop3A_233 = arith.mulf %parallel_loop3A_232, %parallel_loop3A_222 : vector<16xf32>
      %parallel_loop3A_234 = tpu.vector_load_idx %arg9[%parallel_loop3A_220] : memref<32xf32, #tpu.memory_space<vmem>>[vector<16xi32>], vector<16xf32>,
      %parallel_loop3A_235 = arith.addf %parallel_loop3A_233, %parallel_loop3A_234 : vector<16xf32>
      %parallel_loop3A_236 = arith.mulf %parallel_loop3A_235, %parallel_loop3A_222 : vector<16xf32>
      %parallel_loop3A_237 = tpu.vector_load_idx %arg8[%parallel_loop3A_220] : memref<32xf32, #tpu.memory_space<vmem>>[vector<16xi32>], vector<16xf32>,
      %parallel_loop3A_238 = arith.addf %parallel_loop3A_236, %parallel_loop3A_237 : vector<16xf32>
      %parallel_loop3A_239 = arith.index_cast %parallel_loop3A_205 : i32 to index
      %parallel_loop3A_240 = tpu.vector_load %arg17[%parallel_loop3A_239] {strides = array<i32>} : memref<16384xf32, #tpu.memory_space<vmem>>, vector<16xf32>,
      tpu.vector_store %arg17[%parallel_loop3A_239], %parallel_loop3A_238 {strides = array<i32>} : memref<16384xf32, #tpu.memory_space<vmem>>, vector<16xf32>,
    } {sc.loop_unroll_factor = 8 : i64, sc.parallel_access}
    %add3A_157 = arith.constant 81920 : i32
    %add3A_158 = arith.addi %mul3A_2, %add3A_157 : i32
    %dma_start3A_159 = tpu.memref_slice %arg5[%add3A_158] : memref<4194304xf32, #tpu.memory_space<hbm>> -> memref<16384xf32, #tpu.memory_space<hbm>>
    %dma_start3A_160 = tpu.memref_slice %arg5[%add3A_158] : memref<4194304xf32, #tpu.memory_space<hbm>> -> memref<16384xf32, #tpu.memory_space<hbm>>
    tpu.enqueue_dma source(%arg17 : memref<16384xf32, #tpu.memory_space<vmem>>) target(%dma_start3A_160 : memref<16384xf32, #tpu.memory_space<hbm>>) target_semaphore(%arg21 : memref<!tpu.dma_semaphore, #tpu.memory_space<semaphore_mem>>)
    %add3A_161 = arith.constant 114688 : i32
    %add3A_162 = arith.addi %mul3A_2, %add3A_161 : i32
    %dma_start3A_163 = tpu.memref_slice %arg4[%add3A_162] : memref<4194304xf32, #tpu.memory_space<hbm>> -> memref<16384xf32, #tpu.memory_space<hbm>>
    %dma_start3A_164 = tpu.memref_slice %arg4[%add3A_162] : memref<4194304xf32, #tpu.memory_space<hbm>> -> memref<16384xf32, #tpu.memory_space<hbm>>
    tpu.enqueue_dma source(%dma_start3A_164 : memref<16384xf32, #tpu.memory_space<hbm>>) target(%arg15 : memref<16384xf32, #tpu.memory_space<vmem>>) target_semaphore(%arg19 : memref<!tpu.dma_semaphore, #tpu.memory_space<semaphore_mem>>)
    %add3A_165 = arith.constant 98304 : i32
    %add3A_166 = arith.addi %mul3A_2, %add3A_165 : i32
    %dma_wait3A_167 = tpu.memref_slice %arg4[%add3A_166] : memref<4194304xf32, #tpu.memory_space<hbm>> -> memref<16384xf32, #tpu.memory_space<hbm>>
    %dma_wait3A_168 = tpu.memref_slice %arg4[%add3A_166] : memref<4194304xf32, #tpu.memory_space<hbm>> -> memref<16384xf32, #tpu.memory_space<hbm>>
    tpu.wait_dma2 semaphore(%arg18 : memref<!tpu.dma_semaphore, #tpu.memory_space<semaphore_mem>>) src(%dma_wait3A_168 : memref<16384xf32, #tpu.memory_space<hbm>>) dst(%arg14 : memref<16384xf32, #tpu.memory_space<vmem>>)
    %add3A_169 = arith.constant 65536 : i32
    %add3A_170 = arith.addi %mul3A_2, %add3A_169 : i32
    %dma_wait3A_171 = tpu.memref_slice %arg5[%add3A_170] : memref<4194304xf32, #tpu.memory_space<hbm>> -> memref<16384xf32, #tpu.memory_space<hbm>>
    %dma_wait3A_172 = tpu.memref_slice %arg5[%add3A_170] : memref<4194304xf32, #tpu.memory_space<hbm>> -> memref<16384xf32, #tpu.memory_space<hbm>>
    tpu.wait_dma2 semaphore(%arg20 : memref<!tpu.dma_semaphore, #tpu.memory_space<semaphore_mem>>) src(%arg16 : memref<16384xf32, #tpu.memory_space<vmem>>) dst(%dma_wait3A_172 : memref<16384xf32, #tpu.memory_space<hbm>>)
    %parallel_loop3A_173 = arith.constant 0 : i32
    %parallel_loop3A_174 = arith.constant 1024 : i32
    %parallel_loop3A_175 = arith.constant 1 : i32
    scf.for %parallel_loop3A_203 = %parallel_loop3A_173 to %parallel_loop3A_174 step %parallel_loop3A_175  : i32 {
      %parallel_loop3A_204 = arith.constant 16 : i32
      %parallel_loop3A_205 = arith.muli %parallel_loop3A_203, %parallel_loop3A_204 : i32
      %parallel_loop3A_206 = arith.index_cast %parallel_loop3A_205 : i32 to index
      %parallel_loop3A_207 = tpu.vector_load %arg14[%parallel_loop3A_206] {strides = array<i32>} : memref<16384xf32, #tpu.memory_space<vmem>>, vector<16xf32>,
      %parallel_loop3A_208 = arith.constant 4.000000e+00 : f32
      %parallel_loop3A_209 = vector.broadcast %parallel_loop3A_208 : f32 to vector<16xf32>
      %parallel_loop3A_210 = arith.mulf %parallel_loop3A_207, %parallel_loop3A_209 : vector<16xf32>
      %parallel_loop3A_211 = arith.constant 1.600000e+01 : f32
      %parallel_loop3A_212 = vector.broadcast %parallel_loop3A_211 : f32 to vector<16xf32>
      %parallel_loop3A_213 = arith.addf %parallel_loop3A_210, %parallel_loop3A_212 : vector<16xf32>
      %parallel_loop3A_214 = arith.fptosi %parallel_loop3A_213 : vector<16xf32> to vector<16xi32>
      %parallel_loop3A_215 = arith.constant 0 : i32
      %parallel_loop3A_216 = arith.constant 31 : i32
      %parallel_loop3A_217 = vector.broadcast %parallel_loop3A_215 : i32 to vector<16xi32>
      %parallel_loop3A_218 = arith.maxsi %parallel_loop3A_217, %parallel_loop3A_214 : vector<16xi32>
      %parallel_loop3A_219 = vector.broadcast %parallel_loop3A_216 : i32 to vector<16xi32>
      %parallel_loop3A_220 = arith.minsi %parallel_loop3A_219, %parallel_loop3A_218 : vector<16xi32>
      %parallel_loop3A_221 = arith.sitofp %parallel_loop3A_220 : vector<16xi32> to vector<16xf32>
      %parallel_loop3A_222 = arith.subf %parallel_loop3A_213, %parallel_loop3A_221 : vector<16xf32>
      %parallel_loop3A_223 = tpu.vector_load_idx %arg13[%parallel_loop3A_220] : memref<32xf32, #tpu.memory_space<vmem>>[vector<16xi32>], vector<16xf32>,
      %parallel_loop3A_224 = arith.mulf %parallel_loop3A_223, %parallel_loop3A_222 : vector<16xf32>
      %parallel_loop3A_225 = tpu.vector_load_idx %arg12[%parallel_loop3A_220] : memref<32xf32, #tpu.memory_space<vmem>>[vector<16xi32>], vector<16xf32>,
      %parallel_loop3A_226 = arith.addf %parallel_loop3A_224, %parallel_loop3A_225 : vector<16xf32>
      %parallel_loop3A_227 = arith.mulf %parallel_loop3A_226, %parallel_loop3A_222 : vector<16xf32>
      %parallel_loop3A_228 = tpu.vector_load_idx %arg11[%parallel_loop3A_220] : memref<32xf32, #tpu.memory_space<vmem>>[vector<16xi32>], vector<16xf32>,
      %parallel_loop3A_229 = arith.addf %parallel_loop3A_227, %parallel_loop3A_228 : vector<16xf32>
      %parallel_loop3A_230 = arith.mulf %parallel_loop3A_229, %parallel_loop3A_222 : vector<16xf32>
      %parallel_loop3A_231 = tpu.vector_load_idx %arg10[%parallel_loop3A_220] : memref<32xf32, #tpu.memory_space<vmem>>[vector<16xi32>], vector<16xf32>,
      %parallel_loop3A_232 = arith.addf %parallel_loop3A_230, %parallel_loop3A_231 : vector<16xf32>
      %parallel_loop3A_233 = arith.mulf %parallel_loop3A_232, %parallel_loop3A_222 : vector<16xf32>
      %parallel_loop3A_234 = tpu.vector_load_idx %arg9[%parallel_loop3A_220] : memref<32xf32, #tpu.memory_space<vmem>>[vector<16xi32>], vector<16xf32>,
      %parallel_loop3A_235 = arith.addf %parallel_loop3A_233, %parallel_loop3A_234 : vector<16xf32>
      %parallel_loop3A_236 = arith.mulf %parallel_loop3A_235, %parallel_loop3A_222 : vector<16xf32>
      %parallel_loop3A_237 = tpu.vector_load_idx %arg8[%parallel_loop3A_220] : memref<32xf32, #tpu.memory_space<vmem>>[vector<16xi32>], vector<16xf32>,
      %parallel_loop3A_238 = arith.addf %parallel_loop3A_236, %parallel_loop3A_237 : vector<16xf32>
      %parallel_loop3A_239 = arith.index_cast %parallel_loop3A_205 : i32 to index
      %parallel_loop3A_240 = tpu.vector_load %arg16[%parallel_loop3A_239] {strides = array<i32>} : memref<16384xf32, #tpu.memory_space<vmem>>, vector<16xf32>,
      tpu.vector_store %arg16[%parallel_loop3A_239], %parallel_loop3A_238 {strides = array<i32>} : memref<16384xf32, #tpu.memory_space<vmem>>, vector<16xf32>,
    } {sc.loop_unroll_factor = 8 : i64, sc.parallel_access}
    %add3A_176 = arith.constant 98304 : i32
    %add3A_177 = arith.addi %mul3A_2, %add3A_176 : i32
    %dma_start3A_178 = tpu.memref_slice %arg5[%add3A_177] : memref<4194304xf32, #tpu.memory_space<hbm>> -> memref<16384xf32, #tpu.memory_space<hbm>>
    %dma_start3A_179 = tpu.memref_slice %arg5[%add3A_177] : memref<4194304xf32, #tpu.memory_space<hbm>> -> memref<16384xf32, #tpu.memory_space<hbm>>
    tpu.enqueue_dma source(%arg16 : memref<16384xf32, #tpu.memory_space<vmem>>) target(%dma_start3A_179 : memref<16384xf32, #tpu.memory_space<hbm>>) target_semaphore(%arg20 : memref<!tpu.dma_semaphore, #tpu.memory_space<semaphore_mem>>)
    %add3A_180 = arith.constant 114688 : i32
    %add3A_181 = arith.addi %mul3A_2, %add3A_180 : i32
    %dma_wait3A_182 = tpu.memref_slice %arg4[%add3A_181] : memref<4194304xf32, #tpu.memory_space<hbm>> -> memref<16384xf32, #tpu.memory_space<hbm>>
    %dma_wait3A_183 = tpu.memref_slice %arg4[%add3A_181] : memref<4194304xf32, #tpu.memory_space<hbm>> -> memref<16384xf32, #tpu.memory_space<hbm>>
    tpu.wait_dma2 semaphore(%arg19 : memref<!tpu.dma_semaphore, #tpu.memory_space<semaphore_mem>>) src(%dma_wait3A_183 : memref<16384xf32, #tpu.memory_space<hbm>>) dst(%arg15 : memref<16384xf32, #tpu.memory_space<vmem>>)
    %add3A_184 = arith.constant 81920 : i32
    %add3A_185 = arith.addi %mul3A_2, %add3A_184 : i32
    %dma_wait3A_186 = tpu.memref_slice %arg5[%add3A_185] : memref<4194304xf32, #tpu.memory_space<hbm>> -> memref<16384xf32, #tpu.memory_space<hbm>>
    %dma_wait3A_187 = tpu.memref_slice %arg5[%add3A_185] : memref<4194304xf32, #tpu.memory_space<hbm>> -> memref<16384xf32, #tpu.memory_space<hbm>>
    tpu.wait_dma2 semaphore(%arg21 : memref<!tpu.dma_semaphore, #tpu.memory_space<semaphore_mem>>) src(%arg17 : memref<16384xf32, #tpu.memory_space<vmem>>) dst(%dma_wait3A_187 : memref<16384xf32, #tpu.memory_space<hbm>>)
    %parallel_loop3A_188 = arith.constant 0 : i32
    %parallel_loop3A_189 = arith.constant 1024 : i32
    %parallel_loop3A_190 = arith.constant 1 : i32
    scf.for %parallel_loop3A_203 = %parallel_loop3A_188 to %parallel_loop3A_189 step %parallel_loop3A_190  : i32 {
      %parallel_loop3A_204 = arith.constant 16 : i32
      %parallel_loop3A_205 = arith.muli %parallel_loop3A_203, %parallel_loop3A_204 : i32
      %parallel_loop3A_206 = arith.index_cast %parallel_loop3A_205 : i32 to index
      %parallel_loop3A_207 = tpu.vector_load %arg15[%parallel_loop3A_206] {strides = array<i32>} : memref<16384xf32, #tpu.memory_space<vmem>>, vector<16xf32>,
      %parallel_loop3A_208 = arith.constant 4.000000e+00 : f32
      %parallel_loop3A_209 = vector.broadcast %parallel_loop3A_208 : f32 to vector<16xf32>
      %parallel_loop3A_210 = arith.mulf %parallel_loop3A_207, %parallel_loop3A_209 : vector<16xf32>
      %parallel_loop3A_211 = arith.constant 1.600000e+01 : f32
      %parallel_loop3A_212 = vector.broadcast %parallel_loop3A_211 : f32 to vector<16xf32>
      %parallel_loop3A_213 = arith.addf %parallel_loop3A_210, %parallel_loop3A_212 : vector<16xf32>
      %parallel_loop3A_214 = arith.fptosi %parallel_loop3A_213 : vector<16xf32> to vector<16xi32>
      %parallel_loop3A_215 = arith.constant 0 : i32
      %parallel_loop3A_216 = arith.constant 31 : i32
      %parallel_loop3A_217 = vector.broadcast %parallel_loop3A_215 : i32 to vector<16xi32>
      %parallel_loop3A_218 = arith.maxsi %parallel_loop3A_217, %parallel_loop3A_214 : vector<16xi32>
      %parallel_loop3A_219 = vector.broadcast %parallel_loop3A_216 : i32 to vector<16xi32>
      %parallel_loop3A_220 = arith.minsi %parallel_loop3A_219, %parallel_loop3A_218 : vector<16xi32>
      %parallel_loop3A_221 = arith.sitofp %parallel_loop3A_220 : vector<16xi32> to vector<16xf32>
      %parallel_loop3A_222 = arith.subf %parallel_loop3A_213, %parallel_loop3A_221 : vector<16xf32>
      %parallel_loop3A_223 = tpu.vector_load_idx %arg13[%parallel_loop3A_220] : memref<32xf32, #tpu.memory_space<vmem>>[vector<16xi32>], vector<16xf32>,
      %parallel_loop3A_224 = arith.mulf %parallel_loop3A_223, %parallel_loop3A_222 : vector<16xf32>
      %parallel_loop3A_225 = tpu.vector_load_idx %arg12[%parallel_loop3A_220] : memref<32xf32, #tpu.memory_space<vmem>>[vector<16xi32>], vector<16xf32>,
      %parallel_loop3A_226 = arith.addf %parallel_loop3A_224, %parallel_loop3A_225 : vector<16xf32>
      %parallel_loop3A_227 = arith.mulf %parallel_loop3A_226, %parallel_loop3A_222 : vector<16xf32>
      %parallel_loop3A_228 = tpu.vector_load_idx %arg11[%parallel_loop3A_220] : memref<32xf32, #tpu.memory_space<vmem>>[vector<16xi32>], vector<16xf32>,
      %parallel_loop3A_229 = arith.addf %parallel_loop3A_227, %parallel_loop3A_228 : vector<16xf32>
      %parallel_loop3A_230 = arith.mulf %parallel_loop3A_229, %parallel_loop3A_222 : vector<16xf32>
      %parallel_loop3A_231 = tpu.vector_load_idx %arg10[%parallel_loop3A_220] : memref<32xf32, #tpu.memory_space<vmem>>[vector<16xi32>], vector<16xf32>,
      %parallel_loop3A_232 = arith.addf %parallel_loop3A_230, %parallel_loop3A_231 : vector<16xf32>
      %parallel_loop3A_233 = arith.mulf %parallel_loop3A_232, %parallel_loop3A_222 : vector<16xf32>
      %parallel_loop3A_234 = tpu.vector_load_idx %arg9[%parallel_loop3A_220] : memref<32xf32, #tpu.memory_space<vmem>>[vector<16xi32>], vector<16xf32>,
      %parallel_loop3A_235 = arith.addf %parallel_loop3A_233, %parallel_loop3A_234 : vector<16xf32>
      %parallel_loop3A_236 = arith.mulf %parallel_loop3A_235, %parallel_loop3A_222 : vector<16xf32>
      %parallel_loop3A_237 = tpu.vector_load_idx %arg8[%parallel_loop3A_220] : memref<32xf32, #tpu.memory_space<vmem>>[vector<16xi32>], vector<16xf32>,
      %parallel_loop3A_238 = arith.addf %parallel_loop3A_236, %parallel_loop3A_237 : vector<16xf32>
      %parallel_loop3A_239 = arith.index_cast %parallel_loop3A_205 : i32 to index
      %parallel_loop3A_240 = tpu.vector_load %arg17[%parallel_loop3A_239] {strides = array<i32>} : memref<16384xf32, #tpu.memory_space<vmem>>, vector<16xf32>,
      tpu.vector_store %arg17[%parallel_loop3A_239], %parallel_loop3A_238 {strides = array<i32>} : memref<16384xf32, #tpu.memory_space<vmem>>, vector<16xf32>,
    } {sc.loop_unroll_factor = 8 : i64, sc.parallel_access}
    %add3A_191 = arith.constant 114688 : i32
    %add3A_192 = arith.addi %mul3A_2, %add3A_191 : i32
    %dma_start3A_193 = tpu.memref_slice %arg5[%add3A_192] : memref<4194304xf32, #tpu.memory_space<hbm>> -> memref<16384xf32, #tpu.memory_space<hbm>>
    %dma_start3A_194 = tpu.memref_slice %arg5[%add3A_192] : memref<4194304xf32, #tpu.memory_space<hbm>> -> memref<16384xf32, #tpu.memory_space<hbm>>
    tpu.enqueue_dma source(%arg17 : memref<16384xf32, #tpu.memory_space<vmem>>) target(%dma_start3A_194 : memref<16384xf32, #tpu.memory_space<hbm>>) target_semaphore(%arg21 : memref<!tpu.dma_semaphore, #tpu.memory_space<semaphore_mem>>)
    %add3A_195 = arith.constant 98304 : i32
    %add3A_196 = arith.addi %mul3A_2, %add3A_195 : i32
    %dma_wait3A_197 = tpu.memref_slice %arg5[%add3A_196] : memref<4194304xf32, #tpu.memory_space<hbm>> -> memref<16384xf32, #tpu.memory_space<hbm>>
    %dma_wait3A_198 = tpu.memref_slice %arg5[%add3A_196] : memref<4194304xf32, #tpu.memory_space<hbm>> -> memref<16384xf32, #tpu.memory_space<hbm>>
    tpu.wait_dma2 semaphore(%arg20 : memref<!tpu.dma_semaphore, #tpu.memory_space<semaphore_mem>>) src(%arg16 : memref<16384xf32, #tpu.memory_space<vmem>>) dst(%dma_wait3A_198 : memref<16384xf32, #tpu.memory_space<hbm>>)
    %add3A_199 = arith.constant 114688 : i32
    %add3A_200 = arith.addi %mul3A_2, %add3A_199 : i32
    %dma_wait3A_201 = tpu.memref_slice %arg5[%add3A_200] : memref<4194304xf32, #tpu.memory_space<hbm>> -> memref<16384xf32, #tpu.memory_space<hbm>>
    %dma_wait3A_202 = tpu.memref_slice %arg5[%add3A_200] : memref<4194304xf32, #tpu.memory_space<hbm>> -> memref<16384xf32, #tpu.memory_space<hbm>>
    tpu.wait_dma2 semaphore(%arg21 : memref<!tpu.dma_semaphore, #tpu.memory_space<semaphore_mem>>) src(%arg17 : memref<16384xf32, #tpu.memory_space<vmem>>) dst(%dma_wait3A_202 : memref<16384xf32, #tpu.memory_space<hbm>>)
    return
  }
}

</mosaic_0001>

<sc_bundles>
// kernel: kernel.3.cloned.1.call-start
scs
__scs_entry_jumppad:
0x0: {  	(pc) =	sbr.rel $0x88, $3  }
0x1: {  	(tag) =	ssettag $0x0;
	lr =	simm.s32 $0x1  }
0x2: {  	[smem:$0x3F9E] =	sst lr;
	_ =	strace $0xD0000000  }
0x3: {  	_ = 	snop  }
0x4: {  	_ = 	snop  }
0x5: {  	_ = 	snop  }
0x6: {  	_ = 	snop  }
0x7: {  	_ = 	snop  }
__scs_overlays_trampoline_lowered:
0x8: {  	[smem:$0x3FAD] =	sst s0  }
0x9: {  	[smem:$0x3FAE] =	sst s1  }
0xa: {  	[smem:$0x3FAF] =	sst s2  }
0xb: {  	[smem:$0x3FB0] =	sst s3  }
0xc: {  	[smem:$0x3FB1] =	sst s4  }
0xd: {  	[smem:$0x3FB2] =	sst s5  }
0xe: {  	[smem:$0x3FB3] =	sst s6  }
0xf: {  	[smem:$0x3FB4] =	sst s7  }
0x10: {  	[smem:$0x3FB5] =	sst s8  }
0x11: {  	[smem:$0x3FB6] =	sst s9;
	s0 =	simm.s32 @!p0 $0x0  }
0x12: {  	s1 =	sld [smem:$0x3F9C];
	s0 =	simm.s32 @p0 $0x1  }
0x13: {  	[smem:$0x3FB7] =	sst s0;
	s0 =	simm.s32 @!p1 $0x0  }
0x14: {  	s2 =	sld [smem:$0x3F9B];
	s0 =	simm.s32 @p1 $0x1  }
0x15: {  	[smem:$0x3FB8] =	sst s0;
	s0 =	simm.s32 @!p2 $0x0  }
0x16: {  	s3 =	sld [smem:$0x3FDB];
	s0 =	simm.s32 @p2 $0x1  }
0x17: {  	s4 =	simm.s32 $0x1BF5;
	[smem:$0x3FBA] =	sst s0  }
0x18: {  	s0 =	sld [smem:$0x3F9D];
	_ =	swait.ge [sflag:s4], $0x0  }
0x19: {  	s7 =	sld [smem:$0x3F9E]  }
0x1a: {  	s8 =	sadd.s32 $0xFFFFE003, lr  }
0x1b: {  	s9 =	sadd.s32 $0xFFFFFEF7, lr;
	s5 =	simm.s32 $0xFFFFFFFF;
	p2 =	slt.u32 s8, $0xFFFFF086  }
0x1c: {  	p1 =	slt.u32 s9, $0xF7A;
	s5 =	simm.s32 @!p2 $0x0  }
0x1d: {  	s5 =	simm.s32 @p1 $0x1;
	p0 =	seq.s32 s7, s2  }
0x1e: {  	s7 =	smul.u32 @!p0 $0xF7A, s2;
	p2 =	seq.s32 @!p0 s5, $0x0  }
0x1f: {  	s9 =	smul.u32 $0xF7A, s1;
	s8 =	simm.s32 @!p0 $0x1BF5;
	p2 =	por !p2, p0  }
0x20: {  	[sflag:s8] =	ssyncset.s32 @!p0 $0xFFFFF086;
	s6 =	sadd.s32 @!p0 s3, s7;
	s7 =	simm.s32 @!p0 $0x108  }
0x21: {  	s3 =	sadd.s32 s3, s9;
	s6 =	sadd.s32 @!p0 $0x88, s6;
	s7 =	simm.s32 @p2 $0x1082  }
0x22: {  	[simem:s7], [sflag:s8] =	dma.local @!p0 [hbm:s6], $0xF7A  }
0x23: {  	s9 =	sor.u32 $0xD0000000, s2;
	s6 =	simm.s32 $0x108;
	_ =	swait.ge @!p0 [sflag:s8], $0x0  }
0x24: {  	s3 =	sadd.s32 $0x88, s3;
	s6 =	simm.s32 @!p1 $0x1082;
	[sflag:s4] =	ssyncset.s32 $0xFFFFF086  }
0x25: {  	[simem:s6], [sflag:s4] =	dma.local [hbm:s3], $0xF7A  }
0x26: {  	[smem:$0x3F9E] =	sst s1;
	(tag) =	ssettag s2;
	_ =	strace s9  }
0x27: {  	s1 =	sld [smem:$0x3FAE]  }
0x28: {  	s2 =	sld [smem:$0x3FAF]  }
0x29: {  	s4 =	sld [smem:$0x3FB1]  }
0x2a: {  	p0 =	seq.s32 s5, $0x0;
	s5 =	sld [smem:$0x3FB2]  }
0x2b: {  	s6 =	sld [smem:$0x3FB3]  }
0x2c: {  	s7 =	sld [smem:$0x3FB4]  }
0x2d: {  	s3 =	simm.s32 $0x108;
	s8 =	sld [smem:$0x3FB5]  }
0x2e: {  	s3 =	simm.s32 @!p0 $0x1082;
	s9 =	sld [smem:$0x3FB6]  }
0x2f: {  	lr =	sadd.s32 s0, s3;
	s0 =	sld [smem:$0x3FAD]  }
0x30: {  	s3 =	sld [smem:$0x3FB0]  }
0x31: {  	[smem:$0x3FB9] =	sst s10  }
0x32: {  	s10 =	sld [smem:$0x3FB7];
	_ =	sdelay $0x3  }
0x33: {  	p0 =	seq.s32 s10, $0x1;
	s10 =	sld [smem:$0x3FB9];
	_ =	sdelay $0x3  }
0x34: {  	[smem:$0x3FB9] =	sst s10  }
0x35: {  	s10 =	sld [smem:$0x3FB8];
	_ =	sdelay $0x3  }
0x36: {  	p1 =	seq.s32 s10, $0x1;
	s10 =	sld [smem:$0x3FB9];
	_ =	sdelay $0x3  }
0x37: {  	[smem:$0x3FB9] =	sst s10  }
0x38: {  	s10 =	sld [smem:$0x3FBA]  }
0x39: {  	_ = 	snop;
	(pc) =	sbr.ind lr, $3  }
0x3a: {  	_ = 	snop  }
0x3b: {  	_ = 	snop  }
0x3c: {  	p2 =	seq.s32 s10, $0x1;
	s10 =	sld [smem:$0x3FB9]  }
0x3d: {  	_ =	shalt  }
0x3e: {  	_ =	shalt  }
0x3f: {  	_ =	shalt  }
0x40: {  	_ =	shalt  }
0x41: {  	_ =	shalt  }
0x42: {  	_ =	shalt  }
0x43: {  	_ =	shalt  }
0x44: {  	_ =	shalt  }
0x45: {  	_ =	shalt  }
0x46: {  	_ =	shalt  }
0x47: {  	_ =	shalt  }
0x48: {  	_ =	shalt  }
0x49: {  	_ =	shalt  }
0x4a: {  	_ =	shalt  }
0x4b: {  	_ =	shalt  }
0x4c: {  	_ =	shalt  }
0x4d: {  	_ =	shalt  }
0x4e: {  	_ =	shalt  }
0x4f: {  	_ =	shalt  }
0x50: {  	_ =	shalt  }
0x51: {  	_ =	shalt  }
0x52: {  	_ =	shalt  }
0x53: {  	_ =	shalt  }
0x54: {  	_ =	shalt  }
0x55: {  	_ =	shalt  }
0x56: {  	_ =	shalt  }
0x57: {  	_ =	shalt  }
0x58: {  	_ =	shalt  }
0x59: {  	_ =	shalt  }
0x5a: {  	_ =	shalt  }
0x5b: {  	_ =	shalt  }
0x5c: {  	_ =	shalt  }
0x5d: {  	_ =	shalt  }
0x5e: {  	_ =	shalt  }
0x5f: {  	_ =	shalt  }
0x60: {  	_ =	shalt  }
0x61: {  	_ =	shalt  }
0x62: {  	_ =	shalt  }
0x63: {  	_ =	shalt  }
0x64: {  	_ =	shalt  }
0x65: {  	_ =	shalt  }
0x66: {  	_ =	shalt  }
0x67: {  	_ =	shalt  }
0x68: {  	_ =	shalt  }
0x69: {  	_ =	shalt  }
0x6a: {  	_ =	shalt  }
0x6b: {  	_ =	shalt  }
0x6c: {  	_ =	shalt  }
0x6d: {  	_ =	shalt  }
0x6e: {  	_ =	shalt  }
0x6f: {  	_ =	shalt  }
0x70: {  	_ =	shalt  }
0x71: {  	_ =	shalt  }
0x72: {  	_ =	shalt  }
0x73: {  	_ =	shalt  }
0x74: {  	_ =	shalt  }
0x75: {  	_ =	shalt  }
0x76: {  	_ =	shalt  }
0x77: {  	_ =	shalt  }
0x78: {  	_ =	shalt  }
0x79: {  	_ =	shalt  }
0x7a: {  	_ =	shalt  }
0x7b: {  	_ =	shalt  }
0x7c: {  	_ =	shalt  }
0x7d: {  	_ =	shalt  }
0x7e: {  	_ =	shalt  }
0x7f: {  	_ =	shalt  }
0x80: {  	_ =	shalt  }
0x81: {  	_ =	shalt  }
0x82: {  	_ =	shalt  }
0x83: {  	_ =	shalt  }
0x84: {  	_ =	shalt  }
0x85: {  	_ =	shalt  }
0x86: {  	_ =	shalt  }
0x87: {  	_ =	shalt  }
.Lfunc_end0:
.L_simem_size_0:
called_computation_lowered:
.L_overlay_start_0:
0x88: {  	s2 =	sld [smem:$0x3FD9]  }
0x89: {  	s3 =	sld [smem:$0x3FFE];
	_ =	sdelay $0x1  }
0x8a: {  	s1 =	srdreg.scid  }
0x8b: {  	s0 =	sand.u32 $0x1, s1  }
0x8c: {  	s17 =	sshll.u32 s0, $0xA;
	s2 =	sadd.s32 s3, s2  }
0x8d: {  	s2 =	sadd.s32 s2, s17  }
0x8e: {  	[smem:$0x3FC5] =	sst s2  }
0x8f: {  	_ = 	snop  }
0x90: {  	s2 =	sld [smem:$0x3FC9]  }
0x91: {  	s18 =	sld [smem:$0x3FD0];
	(tm) =	ssettm $0x1  }
0x92: {  	s4 =	sld [smem:$0x3FFB];
	_ =	sdelay $0x3  }
0x93: {  	_ =	strace s4  }
0x94: {  	s4 =	sld [smem:$0x3FFC];
	_ =	sdelay $0x3  }
0x95: {  	_ =	strace s4  }
0x96: {  	s4 =	sld [smem:$0x3FFD];
	_ =	sdelay $0x3  }
0x97: {  	_ =	strace s4  }
0x98: {  	_ =	strace $0x8FFFFFFF  }
0x99: {  	s19 =	sld [smem:$0x3FDB];
	_ =	sdelay $0x1  }
0x9a: {  	s5 =	simm.s32 $_scs_section_size  }
0x9b: {  	s6 =	simm.s32 $_size__tile_overlayer_lowered;
	s7 =	simm.s32 $_tile_overlayer_lowered  }
0x9c: {  	s22 =	simm.s32 $0x1BFF;
	s21 =	sshll.u32 s7, $0x1;
	s4 =	sadd.s32 s5, s19  }
0x9d: {  	s8 =	simm.s32 $0x0;
	s20 =	sshll.u32 s6, $0x1;
	s6 =	sadd.s32 s21, s4  }
0x9e: {  	[timem:s8], [sflag:s22] =	dma.local [hbm:s6], s20  }
0x9f: {  	_ =	swait.ge [sflag:s22], s20  }
0xa0: {  	s5 =	ssub.s32 $0x0, s20;
	[sflag:s22] =	ssyncset.done $0x0  }
0xa1: {  	[sflag:s22] =	ssyncadd.s32 s5;
	_ =	sdelay $0x1  }
0xa2: {  	s23 =	simm.s32 $0x1B8B  }
0xa3: {  	_ =	swait.ge [sflag:s23], $0x1  }
0xa4: {  	[sflag:s23] =	ssyncset.done $0x0  }
0xa5: {  	s25 =	simm.s32 $0x1B8E;
	s24 =	sld [smem:$0x3FFE];
	[sflag:s23] =	ssyncadd.s32 $0xFFFFFFFF  }
0xa6: {  	s26 =	simm.s32 $execute0_lowered;
	[smem:$0x3FD2] =	sst s25  }
0xa7: {  	s6 =	sshll.u32 s26, $0x1;
	_ =	strace $0x80000046;
	[dreg:$0x1] =	wrdreg $0xFFFFFFFF  }
0xa8: {  	s28 =	simm.s32 $_size_execute0_lowered;
	s4 =	sadd.s32 s4, s6;
	[dreg:$0x0] =	wrdreg $0x0  }
0xa9: {  	s6 =	sshll.u32 s28, $0x1;
	[dreg:$0x2] =	wrdreg s4  }
0xaa: {  	[dreg:$0x3] =	wrdreg s6  }
0xab: {  	[dreg:$0x4] =	wrdreg $0xC0  }
0xac: {  	_ =	task [dreg:s8], $0x5FFFF  }
0xad: {  	[dreg:$0x1] =	wrdreg $0xFFFFFFFF  }
0xae: {  	[dreg:$0x0] =	wrdreg $0x60  }
0xaf: {  	[dreg:$0x2] =	wrdreg s24  }
0xb0: {  	[dreg:$0x3] =	wrdreg s2  }
0xb1: {  	[dreg:$0x4] =	wrdreg s18  }
0xb2: {  	[dreg:$0x5] =	wrdreg $0x9  }
0xb3: {  	_ =	task.clear_ibuf [dreg:s8], $0x6FFFF;
	_ =	strace $0x90000046  }
0xb4: {  	s29 =	simm.s32 $0x9;
	_ =	strace $0x80000048  }
0xb5: {  	_ =	swait.ge [sflag:s29], $0x1  }
0xb6: {  	[sflag:s29] =	ssyncadd.s32 $0xFFFFFFFF  }
0xb7: {  	_ =	strace $0x90000048  }
0xb8: {  	_ =	sfence  }
0xb9: {  	s30 =	sld [smem:$0x0];
	_ =	sdelay $0x2  }
0xba: {  	s31 =	sshll.u32 s1, $0xD;
	s1 =	sshrl.u32 s1, $0x2  }
0xbb: {  	s3 =	sand.u32 $0x4000, s31;
	s1 =	sadd.s32 s1, s30  }
0xbc: {  	s0 =	sor.u32 s3, s0;
	s1 =	sshll.u32 s1, $0x11  }
0xbd: {  	s0 =	sor.u32 s1, s0  }
0xbe: {  	s0 =	sadd.s32 $0x8F2B, s0  }
0xbf: {  	[sflag:s0] =	ssyncadd.remote.s32 $0x1  }
0xc0: {  	_ =	sfence.sel $0xFFFF  }
0xc1: {  	[dreg:$0x0] =	wrdreg $0xFFFFFFFF;
	(pc) =	sbr.abs _section_cstart, $3  }
0xc2: {  	[dreg:$0x1] =	wrdreg $0xFFFFFFFF  }
0xc3: {  	_ =	task.clear_ibuf [dreg:s8], $0x2FFFF;
	_ =	strace $0x9FFFFFFF  }
0xc4: {  	(tm) =	ssettm $0x7FFFFFFF  }
0xc5: {  	_ =	shalt  }
tec
execute0_lowered:
.L_overlay_start_1:
0x0: {  	(tag) =	ssettag $0x1  }
0x1: {  	s0 =	rddreg [dreg:$0x0]  }
0x2: {  	s2 =	rddreg [dreg:$0x1]  }
0x3: {  	s3 =	rddreg [dreg:$0x2]  }
0x4: {  	s1 =	simm.s32 $0x0;
	s4 =	srdreg.scid;
	s6 =	stileid.u32  }
0x5: {  	s28 =	simm.s32 $0x3F00;
	s29 =	simm.s32 $0x3E80;
	s30 =	simm.s32 $0x3E00  }
0x6: {  	s31 =	simm.s32 $0x3D80;
	s8 =	simm.s32 $0x0;
	[smem:$0x7FF] =	sst s1  }
0x7: {  	s5 =	sadd.s32 $0x600, s0;
	s4 =	sand.u32 $0x1, s4;
	s6 =	sshll.u32 s6, $0xF  }
0x8: {  	s0 =	sadd.s32 $0x400, s0;
	_ =	strace $0x80000047;
	s14 =	ssub.s32 $0x2, s4  }
0x9: {  	[dreg:$0x4] =	wrdreg s5;
	s4 =	sshll.u32 s4, $0xE;
	s15 =	sshrl.u32 s14, $0x1  }
0xa: {  	[dreg:$0x5] =	wrdreg s0;
	s4 =	sor.u32 s4, s6;
	s0 =	ssub.s32 s14, s15  }
0xb: {  	s16 =	sadd.s32 s2, s4;
	s17 =	sor.u32 $0x800, s4;
	s19 =	sadd.s32 s3, s4  }
0xc: {  	s20 =	sor.u32 $0x1000, s4;
	s21 =	sor.u32 $0x1800, s4;
	s23 =	sor.u32 $0x2000, s4  }
0xd: {  	s25 =	sor.u32 $0x2800, s4;
	s26 =	sor.u32 $0x3000, s4;
	[dreg:$0x6] =	wrdreg s16  }
0xe: {  	s4 =	sor.u32 $0x3800, s4;
	s18 =	sadd.s32 s2, s17;
	[dreg:$0x8] =	wrdreg s19  }
0xf: {  	s7 =	sadd.s32 s2, s20;
	s5 =	sadd.s32 s3, s17;
	s22 =	sadd.s32 s2, s21  }
0x10: {  	s6 =	sadd.s32 s3, s20;
	s24 =	sadd.s32 s2, s23;
	[dreg:$0x7] =	wrdreg s18  }
0x11: {  	s14 =	sadd.s32 s2, s25;
	s15 =	sadd.s32 s3, s23;
	[dreg:$0x9] =	wrdreg s7  }
0x12: {  	s16 =	sadd.s32 s2, s26;
	s17 =	sadd.s32 s3, s25;
	[dreg:$0xa] =	wrdreg s5  }
0x13: {  	s19 =	sadd.s32 s3, s26;
	s20 =	sadd.s32 s3, s4;
	[dreg:$0xb] =	wrdreg s22  }
0x14: {  	s23 =	simm.s32 $0x7F80;
	s25 =	simm.s32 $0x3C00;
	[dreg:$0xc] =	wrdreg s6  }
0x15: {  	s26 =	simm.s32 $0x1;
	[dreg:$0xd] =	wrdreg s24;
	s5 =	sadd.s32 s3, s21  }
0x16: {  	s18 =	sadd.s32 s2, s4;
	s21 =	smax.u32 s0, $0x1;
	s22 =	simm.s32 $0x3F80  }
0x17: {  	s24 =	simm.s32 $0x5;
	s0 =	simm.s32 $0x3D00;
	s2 =	simm.s32 $0x3C80  }
0x18: {  	s3 =	simm.s32 $0xBF80;
	s4 =	simm.s32 $0x2;
	s6 =	simm.s32 $0x3  }
0x19: {  	s7 =	simm.s32 $0x4;
	[dreg:$0xe] =	wrdreg s5;
	s5 =	simm.s32 $0xFF80  }
.LBB2_1:
0x1a: {  	s9 =	rddreg [dreg:$0x6]  }
0x1b: {  	[tilespmem:s22], [sflag:$0x1] =	stream.linear.gather [hbm4b:s9+s1], $0x4000, $0x38;
	[tilespmem:$0x13F80] =	vst v63  }
0x1c: {  	s10 =	rddreg [dreg:$0x7]  }
0x1d: {  	[tilespmem:s23], [sflag:$0x2] =	stream.linear.gather [hbm4b:s10+s1], $0x4000, $0x38;
	[tilespmem:$0x13F80] =	vst v63  }
0x1e: {  	s11 =	rddreg [dreg:$0x4]  }
0x1f: {  	[tilespmem:s1], [sflag:$0x5] =	stream.linear.gather [hbm4b:s11+s1], $0x3C00, $0x38;
	[tilespmem:$0x13F80] =	vst v63  }
0x20: {  	_ =	swait.ge [sflag:s24], $0x3C00  }
0x21: {  	[sflag:s24] =	ssyncset.done $0x0  }
0x22: {  	s12 =	rddreg [dreg:$0x5];
	[sflag:s24] =	ssyncadd.s32 $0xFFFFC400  }
0x23: {  	[tilespmem:s25], [sflag:$0x5] =	stream.linear.gather [hbm4b:s12+s1], $0x80, $0x38;
	[tilespmem:$0x13F80] =	vst v63  }
0x24: {  	_ =	swait.ge [sflag:s24], $0x80  }
0x25: {  	[sflag:s24] =	ssyncset.done $0x0  }
0x26: {  	s9 =	simm.s32 $0x120;
	[sflag:s24] =	ssyncadd.s32 $0xFFFFFF80  }
0x27: {  	v2 =	vld [tilespmem:s9+$0x60]  }
0x28: {  	v3 =	vld [tilespmem:s9+$0x70]  }
0x29: {  	v4 =	vld [tilespmem:s9+$0x80]  }
0x2a: {  	v6 =	vld [tilespmem:s9+$0x90]  }
0x2b: {  	v10 =	vld [tilespmem:s9+$0xA0]  }
0x2c: {  	v11 =	vld [tilespmem:s9+$0xB0]  }
0x2d: {  	v5 =	vld [tilespmem:s9+$0xFFFFFEE0]  }
0x2e: {  	v0 =	vmov s1;
	v7 =	vld [tilespmem:s9+$0xFFFFFEF0]  }
0x2f: {  	v8 =	vld [tilespmem:s9+$0xFFFFFF00]  }
0x30: {  	v9 =	vld [tilespmem:s9+$0xFFFFFF10]  }
0x31: {  	v12 =	vld [tilespmem:s9+$0xFFFFFF20]  }
0x32: {  	v13 =	vld [tilespmem:s9+$0xFFFFFF30]  }
0x33: {  	v1 =	vld.idx.msk [tilespmem:v0+s25+$0x0], $0xffff  }
0x34: {  	s10 =	simm.s32 $0x2;
	v14 =	vld [tilespmem:s9+$0xFFFFFF40]  }
0x35: {  	v0 =	vmov s10;
	v15 =	vld [tilespmem:s9+$0xFFFFFF50]  }
0x36: {  	s13 =	simm.s32 $0x1;
	v16 =	vld [tilespmem:s9+$0xFFFFFF70]  }
0x37: {  	v22 =	vmov s13;
	v19 =	vld [tilespmem:s9+$0xFFFFFF80]  }
0x38: {  	v25 =	vld [tilespmem:s9+$0xFFFFFF90]  }
0x39: {  	v31 =	vld [tilespmem:s9+$0xC0];
	v23 =	vmul.f32 v5, v1  }
0x3a: {  	v0 =	vld.idx.msk [tilespmem:v0+s25+$0x0], $0xffff;
	v24 =	vmul.f32 v7, v1;
	v29 =	vmul.f32 v8, v1  }
0x3b: {  	v30 =	vmul.f32 v9, v1;
	v20 =	vmul.f32 v12, v1;
	v12 =	vld [tilespmem:s9+$0xFFFFFFA0]  }
0x3c: {  	v21 =	vmul.f32 v13, v1;
	v17 =	vmul.f32 v14, v1;
	v5 =	vld.idx.msk [tilespmem:v22+s25+$0x0], $0xffff  }
0x3d: {  	v18 =	vmul.f32 v15, v1;
	v9 =	vmul.f32 v16, v1;
	v13 =	vld [tilespmem:s9+$0xFFFFFFB0]  }
0x3e: {  	v7 =	vmul.f32 v19, v1;
	v8 =	vmul.f32 v25, v1;
	v15 =	vld [tilespmem:s9+$0xFFFFFFC0]  }
0x3f: {  	v27 =	vmul.f32 v2, v0;
	v28 =	vmul.f32 v3, v0  }
0x40: {  	v25 =	vmul.f32 v4, v0;
	v26 =	vmul.f32 v6, v0  }
0x41: {  	v14 =	vimm.f32 $0.0e+00;
	v19 =	vmul.f32 v10, v0;
	v22 =	vmul.f32 v11, v0  }
0x42: {  	s10 =	simm.s32 $0x180;
	v35 =	vld [tilespmem:s9+$0xFFFFFFD0];
	v38 =	vadd.f32 v23, v14;
	v16 =	vmul.f32 v31, v0;
	v36 =	vmul.f32 v12, v5  }
0x43: {  	v32 =	vld [tilespmem:s9+$0xD0];
	s11 =	sand.u32 $0xFFC0, s10;
	v24 =	vadd.f32 v24, v14;
	v37 =	vmul.f32 v13, v5;
	v23 =	vmul.f32 v15, v5  }
0x44: {  	v31 =	vld [tilespmem:s11+$0x80];
	v15 =	vimm.f32 $0.0e+00;
	v10 =	vimm.f32 $0.0e+00;
	v11 =	vimm.f32 $0.0e+00  }
0x45: {  	v34 =	vld [tilespmem:s9+$0xFFFFFFE0];
	v12 =	vimm.f32 $0.0e+00;
	v13 =	vimm.f32 $0.0e+00;
	v6 =	vimm.f32 $0.0e+00  }
0x46: {  	v33 =	vld [tilespmem:s9+$0xFFFFFFF0];
	s11 =	simm.s32 $0x3;
	v4 =	vimm.f32 $0.0e+00;
	v3 =	vimm.f32 $0.0e+00;
	v2 =	vimm.f32 $0.0e+00  }
.LBB2_2:
0x47: {  	p0 =	slt.u32 s11, $0x3F;
	v14 =	vadd.f32 v29, v14;
	v15 =	vadd.f32 v30, v15;
	v29 =	vmul.f32 v35, v5;
	v30 =	vld [tilespmem:s9+$0x0]  }
0x48: {  	s12 =	sadd.s32 $0xFFFFFF40, s10;
	v35 =	vadd.f32 v36, v38;
	v24 =	vadd.f32 v37, v24;
	v36 =	vld [tilespmem:s9+$0x10];
	v32 =	vmul.f32 v32, v0  }
0x49: {  	s13 =	sadd.s32 $0xFFFFFE80, s10;
	s12 =	sand.u32 $0xFFC0, s12;
	v14 =	vadd.f32 v23, v14;
	v15 =	vadd.f32 v29, v15;
	v29 =	vmul.f32 v31, v0;
	v31 =	vld [tilespmem:s9+$0xF0]  }
0x4a: {  	s13 =	sand.u32 $0x7FC0, s13;
	v34 =	vmul.f32 v34, v5;
	v37 =	vld [tilespmem:s12+$0x80];
	v23 =	vadd.f32 v27, v35;
	v24 =	vadd.f32 v28, v24  }
0x4b: {  	v27 =	vld [tilespmem:s13+$0x80];
	v28 =	vmul.f32 v33, v5;
	v14 =	vadd.f32 v25, v14;
	v15 =	vadd.f32 v26, v15  }
0x4c: {  	v10 =	vadd.f32 v20, v10;
	v11 =	vadd.f32 v21, v11;
	v20 =	vmul.f32 v30, v5;
	v21 =	vld [tilespmem:s9+$0x30]  }
0x4d: {  	v12 =	vadd.f32 v17, v12;
	v13 =	vadd.f32 v18, v13;
	v17 =	vmul.f32 v36, v5;
	v18 =	vld [tilespmem:s9+$0x40]  }
0x4e: {  	v10 =	vadd.f32 v34, v10;
	v11 =	vadd.f32 v28, v11;
	v25 =	vld [tilespmem:s9+$0x50];
	v26 =	vmul.f32 v31, v0  }
0x4f: {  	v12 =	vadd.f32 v20, v12;
	v13 =	vadd.f32 v17, v13;
	v17 =	vmul.f32 v37, v5;
	v20 =	vld [tilespmem:s9+$0x100]  }
0x50: {  	v10 =	vadd.f32 v19, v10;
	v11 =	vadd.f32 v22, v11;
	v1 =	vmul.f32 v27, v1;
	v19 =	vld [tilespmem:s9+$0x110];
	s9 =	sadd.s32 $0x240, s9  }
0x51: {  	v12 =	vadd.f32 v16, v12;
	v22 =	vld [tilespmem:s9+$0x60];
	v21 =	vmul.f32 v21, v5;
	v13 =	vadd.f32 v32, v13  }
0x52: {  	v4 =	vadd.f32 v9, v4;
	v16 =	vld [tilespmem:s9+$0x70];
	v1 =	vadd.f32 v1, v6;
	v6 =	vmul.f32 v18, v5  }
0x53: {  	v3 =	vadd.f32 v7, v3;
	v2 =	vadd.f32 v8, v2;
	v31 =	vld [tilespmem:s9+$0x80];
	v5 =	vmul.f32 v25, v5  }
0x54: {  	v4 =	vadd.f32 v21, v4;
	v32 =	vld [tilespmem:s9+$0x90];
	v1 =	vadd.f32 v17, v1;
	v7 =	vmul.f32 v20, v0  }
0x55: {  	v3 =	vadd.f32 v6, v3;
	v33 =	vld [tilespmem:s9+$0xA0];
	v2 =	vadd.f32 v5, v2;
	v0 =	vmul.f32 v19, v0  }
0x56: {  	v4 =	vadd.f32 v26, v4;
	v34 =	vld [tilespmem:s9+$0xB0];
	v6 =	vadd.f32 v29, v1  }
0x57: {  	v3 =	vadd.f32 v7, v3;
	v5 =	vld [tilespmem:s9+$0xFFFFFEE0];
	v2 =	vadd.f32 v0, v2  }
0x58: {  	v0 =	vmov s11;
	v7 =	vld [tilespmem:s9+$0xFFFFFEF0]  }
0x59: {  	v8 =	vld [tilespmem:s9+$0xFFFFFF00]  }
0x5a: {  	v9 =	vld [tilespmem:s9+$0xFFFFFF10]  }
0x5b: {  	v17 =	vld [tilespmem:s9+$0xFFFFFF20]  }
0x5c: {  	s12 =	sadd.s32 $0x2, s11;
	v18 =	vld [tilespmem:s9+$0xFFFFFF30]  }
0x5d: {  	v1 =	vld.idx.msk [tilespmem:v0+s25+$0x0], $0xffff;
	v0 =	vmov s12  }
0x5e: {  	v19 =	vld [tilespmem:s9+$0xFFFFFF40]  }
0x5f: {  	v25 =	vld [tilespmem:s9+$0xFFFFFF50]  }
0x60: {  	s12 =	sadd.s32 $0x1, s11;
	v26 =	vld [tilespmem:s9+$0xFFFFFF70]  }
0x61: {  	v28 =	vmov s12;
	v27 =	vld [tilespmem:s9+$0xFFFFFF80]  }
0x62: {  	v0 =	vld.idx.msk [tilespmem:v0+s25+$0x0], $0xffff  }
0x63: {  	v38 =	vmul.f32 v5, v1;
	v39 =	vmul.f32 v7, v1;
	v35 =	vld [tilespmem:s9+$0xFFFFFF90]  }
0x64: {  	v29 =	vmul.f32 v8, v1;
	v30 =	vmul.f32 v9, v1;
	v36 =	vld [tilespmem:s9+$0xC0]  }
0x65: {  	v20 =	vmul.f32 v17, v1;
	v21 =	vmul.f32 v18, v1;
	v37 =	vld [tilespmem:s9+$0xFFFFFFA0]  }
0x66: {  	v17 =	vmul.f32 v19, v1;
	v18 =	vmul.f32 v25, v1;
	v5 =	vld.idx.msk [tilespmem:v28+s25+$0x0], $0xffff  }
0x67: {  	v9 =	vmul.f32 v26, v1;
	v7 =	vmul.f32 v27, v1;
	v40 =	vld [tilespmem:s9+$0xFFFFFFB0]  }
0x68: {  	v27 =	vmul.f32 v22, v0;
	v8 =	vmul.f32 v35, v1;
	v41 =	vld [tilespmem:s9+$0xFFFFFFC0]  }
.Ltmp0:
0x69: {  	s10 =	sadd.s32 $0x240, s10;
	v28 =	vmul.f32 v16, v0;
	v25 =	vmul.f32 v31, v0;
	v35 =	vld [tilespmem:s9+$0xFFFFFFD0];
	(pc) =	sbr.rel @p0 .LBB2_2-.Ltmp0, $4  }
0x6a: {  	s12 =	sand.u32 $0xFFC0, s10;
	v26 =	vmul.f32 v32, v0;
	v19 =	vmul.f32 v33, v0;
	v32 =	vld [tilespmem:s9+$0xD0]  }
0x6b: {  	v22 =	vmul.f32 v34, v0;
	v16 =	vmul.f32 v36, v0;
	v31 =	vld [tilespmem:s12+$0x80]  }
0x6c: {  	v36 =	vmul.f32 v37, v5;
	v37 =	vmul.f32 v40, v5;
	v34 =	vld [tilespmem:s9+$0xFFFFFFE0]  }
0x6d: {  	s11 =	sadd.s32 $0x3, s11;
	v38 =	vadd.f32 v38, v23;
	v24 =	vadd.f32 v39, v24;
	v23 =	vmul.f32 v41, v5;
	v33 =	vld [tilespmem:s9+$0xFFFFFFF0]  }
0x6e: {  	v39 =	vld [tilespmem:s9+$0x0];
	v14 =	vadd.f32 v29, v14;
	v15 =	vadd.f32 v30, v15  }
0x6f: {  	v40 =	vld [tilespmem:s9+$0x10];
	v10 =	vadd.f32 v20, v10;
	v11 =	vadd.f32 v21, v11  }
0x70: {  	s12 =	sadd.s32 $0xFFFFFE80, s10;
	v45 =	vld [tilespmem:s9+$0xF0];
	v12 =	vadd.f32 v17, v12;
	v13 =	vadd.f32 v18, v13  }
0x71: {  	s11 =	sadd.s32 $0xFFFFFF40, s10;
	v49 =	vld [tilespmem:s9+$0x30];
	v4 =	vadd.f32 v9, v4;
	v3 =	vadd.f32 v7, v3;
	s10 =	sand.u32 $0x7FC0, s12  }
0x72: {  	v44 =	vmul.f32 v35, v5;
	v46 =	vadd.f32 v36, v38;
	v14 =	vadd.f32 v23, v14;
	v23 =	vld [tilespmem:s10+$0x80]  }
0x73: {  	v21 =	vld [tilespmem:s9+$0x50];
	v2 =	vadd.f32 v8, v2;
	s11 =	sand.u32 $0xFFC0, s11;
	v24 =	vadd.f32 v37, v24;
	v32 =	vmul.f32 v32, v0  }
0x74: {  	v47 =	vld [tilespmem:s11+$0x80];
	v15 =	vadd.f32 v44, v15;
	v48 =	vmul.f32 v34, v5;
	v27 =	vadd.f32 v27, v46  }
0x75: {  	v18 =	vld [tilespmem:s9+$0x100];
	v24 =	vadd.f32 v28, v24;
	v33 =	vmul.f32 v33, v5;
	v14 =	vadd.f32 v25, v14  }
0x76: {  	v15 =	vadd.f32 v26, v15;
	v25 =	vld [tilespmem:s9+$0x40];
	v20 =	vmul.f32 v39, v5;
	v17 =	vmul.f32 v40, v5  }
0x77: {  	v50 =	vld [tilespmem:s9+$0x110];
	v10 =	vadd.f32 v48, v10;
	[tilespmem:$0x3C80] =	vst v27;
	v11 =	vadd.f32 v33, v11;
	v1 =	vmul.f32 v23, v1  }
0x78: {  	v26 =	vmul.f32 v31, v0;
	[tilespmem:$0x3C90] =	vst v24;
	v12 =	vadd.f32 v20, v12;
	v13 =	vadd.f32 v17, v13  }
0x79: {  	[tilespmem:$0x3D00] =	vst v14;
	v10 =	vadd.f32 v19, v10;
	v19 =	vmul.f32 v47, v5;
	v1 =	vadd.f32 v1, v6  }
0x7a: {  	[tilespmem:$0x3D10] =	vst v15;
	v17 =	vmul.f32 v45, v0;
	v11 =	vadd.f32 v22, v11;
	v6 =	vmul.f32 v49, v5  }
0x7b: {  	v12 =	vadd.f32 v16, v12;
	v9 =	vmul.f32 v25, v5;
	[tilespmem:$0x3D80] =	vst v10;
	v1 =	vadd.f32 v19, v1  }
0x7c: {  	v13 =	vadd.f32 v32, v13;
	v5 =	vmul.f32 v21, v5;
	[tilespmem:$0x3D90] =	vst v11;
	v4 =	vadd.f32 v6, v4  }
0x7d: {  	v6 =	vmul.f32 v18, v0;
	v3 =	vadd.f32 v9, v3;
	[tilespmem:$0x3E00] =	vst v12;
	v1 =	vadd.f32 v26, v1  }
0x7e: {  	v2 =	vadd.f32 v5, v2;
	v0 =	vmul.f32 v50, v0;
	[tilespmem:$0x3E10] =	vst v13;
	v4 =	vadd.f32 v17, v4  }
0x7f: {  	v3 =	vadd.f32 v6, v3;
	[tilespmem:$0x3E80] =	vst v1  }
0x80: {  	v0 =	vadd.f32 v0, v2;
	[tilespmem:$0x3E90] =	vst v4  }
0x81: {  	[tilespmem:$0x3F00] =	vst v3  }
0x82: {  	[tilespmem:$0x3F10] =	vst v0  }
0x83: {  	_ =	swait.ge [sflag:s26], $0x4000  }
0x84: {  	[sflag:s26] =	ssyncset.done $0x0  }
0x85: {  	s13 =	simm.s32 $0x3FC0;
	[sflag:s26] =	ssyncadd.s32 $0xFFFFC000  }
0x86: {  	v0 =	vld [tilespmem:s13+$0x30]  }
0x87: {  	v1 =	vld [tilespmem:s13+$0xFFFFFFD0]  }
0x88: {  	v2 =	vld [tilespmem:s13+$0xFFFFFFE0]  }
0x89: {  	v3 =	vld [tilespmem:s13+$0xFFFFFFF0]  }
0x8a: {  	v4 =	vld [tilespmem:s13+$0x0]  }
0x8b: {  	v5 =	vld [tilespmem:s13+$0x10]  }
0x8c: {  	v6 =	vld [tilespmem:s13+$0xFFFFFFC0]  }
0x8d: {  	v7 =	vld [tilespmem:s13+$0x20];
	v0 =	vmul.f32 $4.000000000e+00, v0;
	v1 =	vmul.f32 $4.000000000e+00, v1  }
0x8e: {  	v2 =	vmul.f32 $4.000000000e+00, v2  }
0x8f: {  	v3 =	vmul.f32 $4.000000000e+00, v3;
	v0 =	vadd.f32 $1.600000000e+01, v0;
	v9 =	vadd.f32 $1.600000000e+01, v1  }
0x90: {  	v1 =	vmul.f32 $4.000000000e+00, v4;
	v10 =	vadd.f32 $1.600000000e+01, v2;
	v2 =	vmul.f32 $4.000000000e+00, v5  }
0x91: {  	v11 =	vadd.f32 $1.600000000e+01, v3;
	v5 =	vmul.f32 $4.000000000e+00, v6;
	v4 =	vtrunc.f32 v0  }
0x92: {  	v3 =	vtrunc.f32 v9;
	v12 =	vadd.f32 $1.600000000e+01, v1;
	v1 =	vmul.f32 $4.000000000e+00, v7  }
0x93: {  	v13 =	vadd.f32 $1.600000000e+01, v2;
	v2 =	vtrunc.f32 v10;
	v4 =	vcvt.f32.s32 v4  }
0x94: {  	v7 =	vadd.f32 $1.600000000e+01, v5;
	v3 =	vcvt.f32.s32 v3;
	v2 =	vcvt.f32.s32 v2  }
0x95: {  	v14 =	vadd.f32 $1.600000000e+01, v1;
	v1 =	vtrunc.f32 v11;
	vm0 =	vgt.s32 v4, $0x0  }
0x96: {  	v5 =	vtrunc.f32 v12;
	v8 =	vtrunc.f32 v7;
	v4 =	vnsel vm0, $0x0, v4  }
0x97: {  	v6 =	vtrunc.f32 v13;
	v8 =	vcvt.f32.s32 v8;
	v15 =	vmin.u32 v4, $0x1F  }
0x98: {  	v1 =	vcvt.f32.s32 v1;
	v16 =	vcvt.f32.s32 v5;
	vm1 =	vgt.s32 v3, $0x0  }
0x99: {  	v17 =	vcvt.f32.s32 v6;
	vm12 =	vgt.s32 v2, $0x0;
	v3 =	vnsel vm1, $0x0, v3  }
0x9a: {  	v2 =	vnsel vm12, $0x0, v2;
	v4 =	vtrunc.f32 v14;
	vm11 =	vgt.s32 v8, $0x0  }
0x9b: {  	vm13 =	vgt.s32 v1, $0x0;
	v18 =	vcvt.f32.s32 v4;
	v4 =	vmin.u32 v2, $0x1F  }
0x9c: {  	vm14 =	vgt.s32 v16, $0x0;
	vm2 =	vgt.s32 v17, $0x0;
	v5 =	vnsel vm11, $0x0, v8;
	v8 =	vld.idx.msk [tilespmem:v15+s28+$0x0], $0xffff  }
0x9d: {  	v6 =	vmin.u32 v5, $0x1F;
	v5 =	vmin.u32 v3, $0x1F;
	v3 =	vcvt.s32.f32 v15;
	v19 =	vld.idx.msk [tilespmem:v15+s29+$0x0], $0xffff  }
0x9e: {  	v1 =	vnsel vm13, $0x0, v1;
	v2 =	vnsel vm2, $0x0, v17;
	vm15 =	vgt.s32 v18, $0x0;
	v20 =	vld.idx.msk [tilespmem:v15+s30+$0x0], $0xffff  }
0x9f: {  	v21 =	vsub.f32 v0, v3;
	v0 =	vnsel vm14, $0x0, v16;
	v3 =	vmin.u32 v1, $0x1F;
	v16 =	vld.idx.msk [tilespmem:v15+s31+$0x0], $0xffff  }
0xa0: {  	v1 =	vmin.u32 v0, $0x1F;
	v0 =	vmin.u32 v2, $0x1F;
	v2 =	vnsel vm15, $0x0, v18;
	v18 =	vld.idx.msk [tilespmem:v4+s28+$0x0], $0xffff  }
0xa1: {  	v55 =	vld.idx.msk [tilespmem:v4+s29+$0x0], $0xffff;
	v8 =	vmul.f32 v21, v8  }
0xa2: {  	v17 =	vld.idx.msk [tilespmem:v6+s28+$0x0], $0xffff  }
0xa3: {  	v22 =	vld.idx.msk [tilespmem:v5+s28+$0x0], $0xffff;
	v8 =	vadd.f32 v8, v19  }
0xa4: {  	v26 =	vld.idx.msk [tilespmem:v6+s29+$0x0], $0xffff  }
0xa5: {  	v52 =	vld.idx.msk [tilespmem:v5+s29+$0x0], $0xffff;
	v8 =	vmul.f32 v8, v21  }
0xa6: {  	v60 =	vld.idx.msk [tilespmem:v6+s30+$0x0], $0xffff  }
0xa7: {  	v61 =	vld.idx.msk [tilespmem:v5+s30+$0x0], $0xffff;
	v8 =	vadd.f32 v8, v20  }
0xa8: {  	v2 =	vmin.u32 v2, $0x1F;
	v23 =	vld.idx.msk [tilespmem:v3+s28+$0x0], $0xffff  }
0xa9: {  	v53 =	vcvt.s32.f32 v4;
	v24 =	vld.idx.msk [tilespmem:v1+s28+$0x0], $0xffff;
	v8 =	vmul.f32 v8, v21  }
0xaa: {  	v27 =	vcvt.s32.f32 v6;
	v51 =	vcvt.s32.f32 v5;
	v19 =	vld.idx.msk [tilespmem:v15+s0+$0x0], $0xffff  }
0xab: {  	v54 =	vcvt.s32.f32 v3;
	v56 =	vcvt.s32.f32 v0;
	v25 =	vld.idx.msk [tilespmem:v0+s28+$0x0], $0xffff;
	v16 =	vadd.f32 v8, v16  }
0xac: {  	v59 =	vcvt.s32.f32 v2;
	v58 =	vld.idx.msk [tilespmem:v1+s29+$0x0], $0xffff;
	v8 =	vsub.f32 v7, v27;
	v27 =	vcvt.s32.f32 v1  }
0xad: {  	v20 =	vld.idx.msk [tilespmem:v2+s28+$0x0], $0xffff;
	v7 =	vsub.f32 v9, v51;
	v9 =	vsub.f32 v10, v53;
	v16 =	vmul.f32 v16, v21  }
0xae: {  	v15 =	vld.idx.msk [tilespmem:v15+s2+$0x0], $0xffff;
	v10 =	vsub.f32 v11, v54;
	v11 =	vsub.f32 v12, v27;
	v17 =	vmul.f32 v8, v17  }
0xaf: {  	v57 =	vld.idx.msk [tilespmem:v3+s29+$0x0], $0xffff;
	v22 =	vmul.f32 v7, v22;
	v12 =	vsub.f32 v13, v56;
	v16 =	vadd.f32 v16, v19  }
0xb0: {  	v27 =	vld.idx.msk [tilespmem:v0+s29+$0x0], $0xffff;
	v18 =	vmul.f32 v9, v18;
	v23 =	vmul.f32 v10, v23;
	v13 =	vsub.f32 v14, v59  }
0xb1: {  	v19 =	vld.idx.msk [tilespmem:v2+s29+$0x0], $0xffff;
	v24 =	vmul.f32 v11, v24;
	v17 =	vadd.f32 v17, v26;
	v14 =	vmul.f32 v16, v21  }
0xb2: {  	v62 =	vld.idx.msk [tilespmem:v3+s30+$0x0], $0xffff;
	v20 =	vmul.f32 v13, v20;
	v16 =	vmul.f32 v12, v25;
	v21 =	vadd.f32 v22, v52  }
0xb3: {  	v25 =	vld.idx.msk [tilespmem:v4+s30+$0x0], $0xffff;
	v17 =	vmul.f32 v17, v8;
	v24 =	vadd.f32 v24, v58;
	v22 =	vadd.f32 v14, v15  }
0xb4: {  	v15 =	vadd.f32 v18, v55;
	v18 =	vmul.f32 v21, v7;
	v21 =	vadd.f32 v23, v57;
	v14 =	vld.idx.msk [tilespmem:v1+s30+$0x0], $0xffff  }
0xb5: {  	v26 =	vadd.f32 v16, v27;
	v63 =	vadd.f32 v17, v60;
	v16 =	vld.idx.msk [tilespmem:v2+s30+$0x0], $0xffff  }
0xb6: {  	v19 =	vadd.f32 v20, v19;
	v20 =	vmul.f32 v24, v11;
	v23 =	vmul.f32 v15, v9;
	v15 =	vld.idx.msk [tilespmem:v0+s30+$0x0], $0xffff  }
0xb7: {  	s10 =	simm.s32 $0xBFC0;
	v17 =	vld.idx.msk [tilespmem:v6+s31+$0x0], $0xffff;
	v27 =	vmul.f32 v21, v10;
	v21 =	vmul.f32 v26, v12;
	v18 =	vadd.f32 v18, v61  }
0xb8: {  	[tilespmem:s10+$0x30] =	vst v22;
	v24 =	vmul.f32 v19, v13;
	v19 =	vld.idx.msk [tilespmem:v5+s31+$0x0], $0xffff;
	v26 =	vadd.f32 v23, v25  }
0xb9: {  	s12 =	simm.s32 $0x4040;
	s11 =	simm.s32 $0x0;
	s9 =	simm.s32 $0xBFC0;
	v22 =	vmul.f32 v63, v8;
	v23 =	vmul.f32 v18, v7;
	v18 =	vld.idx.msk [tilespmem:v4+s31+$0x0], $0xffff;
	v25 =	vadd.f32 v27, v62  }
.LBB2_4:
0xba: {  	v27 =	vld [tilespmem:s12+$0x30];
	s11 =	sadd.s32 $0x8, s11;
	v26 =	vmul.f32 v26, v9;
	v14 =	vadd.f32 v20, v14  }
0xbb: {  	v15 =	vadd.f32 v21, v15;
	v20 =	vld [tilespmem:s12+$0xFFFFFFD0];
	p0 =	slt.u32 s11, $0x3F8;
	v25 =	vmul.f32 v25, v10  }
0xbc: {  	v21 =	vld [tilespmem:s12+$0xFFFFFFE0];
	v28 =	vmul.f32 v14, v11;
	v14 =	vadd.f32 v24, v16  }
0xbd: {  	v17 =	vadd.f32 v22, v17;
	v22 =	vmul.f32 v15, v12;
	v16 =	vld [tilespmem:s12+$0xFFFFFFF0]  }
0xbe: {  	v15 =	vadd.f32 v23, v19;
	v24 =	vld [tilespmem:s12+$0x0];
	v19 =	vmul.f32 v14, v13  }
0xbf: {  	v17 =	vmul.f32 v17, v8;
	v18 =	vadd.f32 v26, v18;
	v23 =	vld [tilespmem:s12+$0x10];
	v27 =	vmul.f32 $4.000000000e+00, v27  }
0xc0: {  	v14 =	vmul.f32 v15, v7;
	v20 =	vmul.f32 $4.000000000e+00, v20;
	v26 =	vld [tilespmem:s12+$0x20]  }
0xc1: {  	v15 =	vmul.f32 v18, v9;
	v29 =	vld [tilespmem:s12+$0xFFFFFFC0];
	v21 =	vmul.f32 $4.000000000e+00, v21;
	v27 =	vadd.f32 $1.600000000e+01, v27  }
0xc2: {  	v18 =	vadd.f32 $1.600000000e+01, v20;
	v16 =	vmul.f32 $4.000000000e+00, v16;
	v20 =	vld.idx.msk [tilespmem:v3+s31+$0x0], $0xffff  }
0xc3: {  	v21 =	vadd.f32 $1.600000000e+01, v21;
	v24 =	vmul.f32 $4.000000000e+00, v24;
	v30 =	vtrunc.f32 v27;
	v31 =	vld.idx.msk [tilespmem:v1+s31+$0x0], $0xffff  }
0xc4: {  	v16 =	vadd.f32 $1.600000000e+01, v16;
	v23 =	vmul.f32 $4.000000000e+00, v23;
	v30 =	vcvt.f32.s32 v30;
	v32 =	vld.idx.msk [tilespmem:v0+s31+$0x0], $0xffff  }
0xc5: {  	v33 =	vtrunc.f32 v18;
	v24 =	vadd.f32 $1.600000000e+01, v24;
	v26 =	vmul.f32 $4.000000000e+00, v26;
	v34 =	vld.idx.msk [tilespmem:v2+s31+$0x0], $0xffff  }
0xc6: {  	v29 =	vmul.f32 $4.000000000e+00, v29;
	v23 =	vadd.f32 $1.600000000e+01, v23;
	vm0 =	vgt.s32 v30, $0x0;
	v35 =	vld.idx.msk [tilespmem:v6+s0+$0x0], $0xffff  }
0xc7: {  	v36 =	vtrunc.f32 v21;
	v26 =	vadd.f32 $1.600000000e+01, v26;
	v30 =	vnsel vm0, $0x0, v30;
	v37 =	vld.idx.msk [tilespmem:v5+s0+$0x0], $0xffff  }
0xc8: {  	v38 =	vtrunc.f32 v16;
	v29 =	vadd.f32 $1.600000000e+01, v29;
	v30 =	vmin.u32 v30, $0x1F;
	v39 =	vld.idx.msk [tilespmem:v4+s0+$0x0], $0xffff  }
0xc9: {  	v40 =	vtrunc.f32 v24;
	v20 =	vadd.f32 v25, v20;
	v41 =	vtrunc.f32 v23;
	v25 =	vld.idx.msk [tilespmem:v3+s0+$0x0], $0xffff  }
0xca: {  	v28 =	vadd.f32 v28, v31;
	v43 =	vtrunc.f32 v26;
	v42 =	vtrunc.f32 v29;
	v31 =	vld.idx.msk [tilespmem:v1+s0+$0x0], $0xffff  }
0xcb: {  	v33 =	vcvt.f32.s32 v33;
	v22 =	vadd.f32 v22, v32;
	v42 =	vcvt.f32.s32 v42;
	v32 =	vld.idx.msk [tilespmem:v0+s0+$0x0], $0xffff  }
0xcc: {  	v36 =	vcvt.f32.s32 v36;
	v38 =	vcvt.f32.s32 v38;
	v19 =	vadd.f32 v19, v34;
	v34 =	vld.idx.msk [tilespmem:v2+s0+$0x0], $0xffff  }
0xcd: {  	v40 =	vcvt.f32.s32 v40;
	v41 =	vcvt.f32.s32 v41;
	vm0 =	vgt.s32 v42, $0x0;
	v44 =	vld.idx.msk [tilespmem:v30+s28+$0x0], $0xffff  }
0xce: {  	vm1 =	vgt.s32 v33, $0x0;
	vm2 =	vgt.s32 v36, $0x0;
	v43 =	vcvt.f32.s32 v43;
	v45 =	vld.idx.msk [tilespmem:v6+s2+$0x0], $0xffff  }
0xcf: {  	vm3 =	vgt.s32 v38, $0x0;
	vm4 =	vgt.s32 v40, $0x0;
	v6 =	vcvt.s32.f32 v30;
	v46 =	vld.idx.msk [tilespmem:v30+s29+$0x0], $0xffff  }
0xd0: {  	vm5 =	vgt.s32 v43, $0x0;
	v42 =	vnsel vm0, $0x0, v42;
	vm0 =	vgt.s32 v41, $0x0;
	v47 =	vld.idx.msk [tilespmem:v5+s2+$0x0], $0xffff  }
0xd1: {  	v5 =	vnsel vm1, $0x0, v33;
	v33 =	vnsel vm2, $0x0, v36;
	v27 =	vsub.f32 v27, v6;
	v36 =	vld.idx.msk [tilespmem:v4+s2+$0x0], $0xffff  }
0xd2: {  	v38 =	vnsel vm3, $0x0, v38;
	v40 =	vnsel vm4, $0x0, v40;
	v41 =	vnsel vm0, $0x0, v41;
	v48 =	vld.idx.msk [tilespmem:v3+s2+$0x0], $0xffff  }
0xd3: {  	v6 =	vmin.u32 v42, $0x1F;
	v42 =	vnsel vm5, $0x0, v43;
	v43 =	vmul.f32 v27, v44;
	v44 =	vld.idx.msk [tilespmem:v30+s30+$0x0], $0xffff  }
0xd4: {  	v5 =	vmin.u32 v5, $0x1F;
	v4 =	vmin.u32 v33, $0x1F;
	v3 =	vmin.u32 v38, $0x1F;
	v33 =	vld.idx.msk [tilespmem:v1+s2+$0x0], $0xffff  }
0xd5: {  	v1 =	vmin.u32 v40, $0x1F;
	v38 =	vadd.f32 v43, v46;
	v40 =	vld.idx.msk [tilespmem:v0+s2+$0x0], $0xffff;
	v0 =	vmin.u32 v41, $0x1F  }
0xd6: {  	v43 =	vcvt.s32.f32 v5;
	v41 =	vcvt.s32.f32 v6;
	v46 =	vld.idx.msk [tilespmem:v2+s2+$0x0], $0xffff;
	v2 =	vmin.u32 v42, $0x1F  }
0xd7: {  	v17 =	vadd.f32 v17, v35;
	v42 =	vcvt.s32.f32 v4;
	v38 =	vmul.f32 v38, v27;
	v49 =	vld.idx.msk [tilespmem:v30+s31+$0x0], $0xffff  }
0xd8: {  	v50 =	vcvt.s32.f32 v1;
	v29 =	vsub.f32 v29, v41;
	v41 =	vcvt.s32.f32 v3;
	v35 =	vld.idx.msk [tilespmem:v6+s28+$0x0], $0xffff  }
0xd9: {  	v52 =	vcvt.s32.f32 v0;
	v53 =	vcvt.s32.f32 v2;
	v38 =	vadd.f32 v38, v44;
	v51 =	vld.idx.msk [tilespmem:v5+s28+$0x0], $0xffff  }
0xda: {  	v20 =	vmul.f32 v20, v10;
	v18 =	vsub.f32 v18, v43;
	v21 =	vsub.f32 v21, v42;
	v42 =	vld.idx.msk [tilespmem:v4+s28+$0x0], $0xffff  }
0xdb: {  	v24 =	vsub.f32 v24, v50;
	v16 =	vsub.f32 v16, v41;
	v38 =	vmul.f32 v38, v27;
	v41 =	vld.idx.msk [tilespmem:v30+s0+$0x0], $0xffff  }
0xdc: {  	v28 =	vmul.f32 v28, v11;
	v23 =	vsub.f32 v23, v52;
	v26 =	vsub.f32 v26, v53;
	v43 =	vld.idx.msk [tilespmem:v3+s28+$0x0], $0xffff  }
0xdd: {  	v22 =	vmul.f32 v22, v12;
	v19 =	vmul.f32 v19, v13;
	v38 =	vadd.f32 v38, v49;
	v44 =	vld.idx.msk [tilespmem:v1+s28+$0x0], $0xffff  }
0xde: {  	v14 =	vadd.f32 v14, v37;
	v15 =	vadd.f32 v15, v39;
	v35 =	vmul.f32 v29, v35;
	v49 =	vld.idx.msk [tilespmem:v0+s28+$0x0], $0xffff  }
0xdf: {  	v20 =	vadd.f32 v20, v25;
	v37 =	vmul.f32 v18, v51;
	v38 =	vmul.f32 v38, v27;
	v30 =	vld.idx.msk [tilespmem:v30+s2+$0x0], $0xffff  }
0xe0: {  	v28 =	vadd.f32 v28, v31;
	v22 =	vadd.f32 v22, v32;
	v25 =	vmul.f32 v21, v42;
	v39 =	vld.idx.msk [tilespmem:v2+s28+$0x0], $0xffff  }
0xe1: {  	v17 =	vmul.f32 v17, v8;
	v19 =	vadd.f32 v19, v34;
	v32 =	vadd.f32 v38, v41;
	v31 =	vld.idx.msk [tilespmem:v6+s29+$0x0], $0xffff  }
0xe2: {  	v14 =	vmul.f32 v14, v7;
	v7 =	vmovc v18;
	v8 =	vmov v29;
	v38 =	vmul.f32 v16, v43;
	v34 =	vld.idx.msk [tilespmem:v5+s29+$0x0], $0xffff  }
0xe3: {  	v17 =	vadd.f32 v17, v45;
	v29 =	vmul.f32 v24, v44;
	v27 =	vmul.f32 v32, v27;
	v18 =	vld.idx.msk [tilespmem:v4+s29+$0x0], $0xffff  }
0xe4: {  	v42 =	vadd.f32 v14, v47;
	v43 =	vmul.f32 v15, v9;
	v41 =	vmul.f32 v23, v49;
	v32 =	vld.idx.msk [tilespmem:v3+s29+$0x0], $0xffff  }
0xe5: {  	v11 =	vmul.f32 v28, v11;
	v44 =	vmul.f32 v20, v10;
	v15 =	vadd.f32 v27, v30;
	v14 =	vld.idx.msk [tilespmem:v1+s29+$0x0], $0xffff  }
0xe6: {  	s10 =	sadd.s32 $0x80, s10;
	v12 =	vmul.f32 v22, v12;
	v28 =	vadd.f32 v43, v36;
	v27 =	vmul.f32 v26, v39;
	v20 =	vld.idx.msk [tilespmem:v0+s29+$0x0], $0xffff  }
0xe7: {  	v13 =	vmul.f32 v19, v13;
	v9 =	vmov v21;
	v22 =	vadd.f32 v35, v31;
	v30 =	vld.idx.msk [tilespmem:v2+s29+$0x0], $0xffff;
	[tilespmem:s10+$0x30] =	vst v15  }
0xe8: {  	v10 =	vmov v16;
	v15 =	vadd.f32 v37, v34;
	v19 =	vld.idx.msk [tilespmem:v6+s30+$0x0], $0xffff;
	[tilespmem:s9+$0xFFFFFFC0] =	vst v17;
	v17 =	vadd.f32 v44, v48  }
0xe9: {  	v16 =	vmul.f32 v22, v8;
	v18 =	vadd.f32 v25, v18;
	v25 =	vadd.f32 v11, v33;
	v22 =	vld.idx.msk [tilespmem:v5+s30+$0x0], $0xffff  }
0xea: {  	v31 =	vmul.f32 v15, v7;
	v15 =	vadd.f32 v38, v32;
	v32 =	vadd.f32 v12, v40;
	v33 =	vld.idx.msk [tilespmem:v4+s30+$0x0], $0xffff  }
0xeb: {  	v18 =	vmul.f32 v18, v9;
	v21 =	vadd.f32 v29, v14;
	v29 =	vadd.f32 v13, v46;
	v34 =	vld.idx.msk [tilespmem:v3+s30+$0x0], $0xffff  }
0xec: {  	v11 =	vmov v24;
	v35 =	vmul.f32 v15, v10;
	v36 =	vadd.f32 v41, v20;
	v14 =	vld.idx.msk [tilespmem:v1+s30+$0x0], $0xffff;
	[tilespmem:s9+$0xFFFFFFD0] =	vst v42  }
.Ltmp1:
0xed: {  	v12 =	vmov v23;
	v20 =	vmul.f32 v21, v11;
	v24 =	vadd.f32 v27, v30;
	v15 =	vld.idx.msk [tilespmem:v0+s30+$0x0], $0xffff;
	[tilespmem:s9+$0xFFFFFFE0] =	vst v28;
	(pc) =	sbr.rel @p0 .LBB2_4-.Ltmp1, $4  }
0xee: {  	v13 =	vmov v26;
	v19 =	vadd.f32 v16, v19;
	v21 =	vmul.f32 v36, v12;
	v16 =	vld.idx.msk [tilespmem:v2+s30+$0x0], $0xffff;
	[tilespmem:s9+$0xFFFFFFF0] =	vst v17  }
0xef: {  	v23 =	vadd.f32 v31, v22;
	v24 =	vmul.f32 v24, v13;
	v17 =	vld.idx.msk [tilespmem:v6+s31+$0x0], $0xffff;
	[tilespmem:s9+$0x0] =	vst v25  }
0xf0: {  	v22 =	vmul.f32 v19, v8;
	v26 =	vadd.f32 v18, v33;
	v19 =	vld.idx.msk [tilespmem:v5+s31+$0x0], $0xffff;
	[tilespmem:s9+$0x10] =	vst v32  }
0xf1: {  	s12 =	sadd.s32 $0x80, s12;
	v23 =	vmul.f32 v23, v7;
	v25 =	vadd.f32 v35, v34;
	v18 =	vld.idx.msk [tilespmem:v4+s31+$0x0], $0xffff;
	[tilespmem:s9+$0x20] =	vst v29;
	s9 =	smov.u32 s10  }
0xf2: {  	_ =	sdelay $0x3  }
0xf3: {  	v27 =	vld.idx.msk [tilespmem:v3+s31+$0x0], $0xffff  }
0xf4: {  	v28 =	vld.idx.msk [tilespmem:v1+s31+$0x0], $0xffff  }
0xf5: {  	v29 =	vld.idx.msk [tilespmem:v0+s31+$0x0], $0xffff  }
0xf6: {  	v30 =	vld.idx.msk [tilespmem:v2+s31+$0x0], $0xffff  }
0xf7: {  	v31 =	vld.idx.msk [tilespmem:v6+s0+$0x0], $0xffff  }
0xf8: {  	v32 =	vld.idx.msk [tilespmem:v5+s0+$0x0], $0xffff  }
0xf9: {  	v14 =	vadd.f32 v20, v14;
	v20 =	vld.idx.msk [tilespmem:v4+s0+$0x0], $0xffff  }
0xfa: {  	v26 =	vmul.f32 v26, v9;
	v15 =	vadd.f32 v21, v15;
	v21 =	vld.idx.msk [tilespmem:v3+s0+$0x0], $0xffff;
	v16 =	vadd.f32 v24, v16  }
0xfb: {  	v6 =	vld.idx.msk [tilespmem:v6+s2+$0x0], $0xffff;
	v24 =	vmul.f32 v25, v10;
	v14 =	vmul.f32 v14, v11;
	v17 =	vadd.f32 v22, v17  }
0xfc: {  	v5 =	vld.idx.msk [tilespmem:v5+s2+$0x0], $0xffff;
	v15 =	vmul.f32 v15, v12;
	v19 =	vadd.f32 v23, v19;
	v16 =	vmul.f32 v16, v13  }
0xfd: {  	v4 =	vld.idx.msk [tilespmem:v4+s2+$0x0], $0xffff;
	v17 =	vmul.f32 v17, v8;
	v18 =	vadd.f32 v26, v18;
	v24 =	vadd.f32 v24, v27  }
0xfe: {  	v22 =	vld.idx.msk [tilespmem:v1+s0+$0x0], $0xffff;
	v19 =	vmul.f32 v19, v7;
	v14 =	vadd.f32 v14, v28;
	v15 =	vadd.f32 v15, v29  }
0xff: {  	v23 =	vld.idx.msk [tilespmem:v0+s0+$0x0], $0xffff;
	v16 =	vadd.f32 v16, v30;
	v18 =	vmul.f32 v18, v9;
	v17 =	vadd.f32 v17, v31  }
0x100: {  	v25 =	vld.idx.msk [tilespmem:v2+s0+$0x0], $0xffff;
	v24 =	vmul.f32 v24, v10;
	v14 =	vmul.f32 v14, v11;
	v19 =	vadd.f32 v19, v32  }
0x101: {  	v3 =	vld.idx.msk [tilespmem:v3+s2+$0x0], $0xffff;
	v15 =	vmul.f32 v15, v12;
	v18 =	vadd.f32 v18, v20;
	v8 =	vmul.f32 v17, v8  }
0x102: {  	v1 =	vld.idx.msk [tilespmem:v1+s2+$0x0], $0xffff;
	v16 =	vmul.f32 v16, v13;
	v17 =	vadd.f32 v24, v21;
	v7 =	vmul.f32 v19, v7  }
0x103: {  	v0 =	vld.idx.msk [tilespmem:v0+s2+$0x0], $0xffff;
	v14 =	vadd.f32 v14, v22;
	v6 =	vadd.f32 v8, v6;
	v8 =	vmul.f32 v18, v9  }
0x104: {  	v2 =	vld.idx.msk [tilespmem:v2+s2+$0x0], $0xffff;
	v9 =	vadd.f32 v15, v23;
	v5 =	vadd.f32 v7, v5;
	v7 =	vmul.f32 v17, v10  }
0x105: {  	v10 =	vadd.f32 v16, v25;
	v11 =	vmul.f32 v14, v11;
	v4 =	vadd.f32 v8, v4;
	[tilespmem:s9+$0xFFFFFFC0] =	vst v6  }
0x106: {  	v6 =	vmul.f32 v9, v12;
	v3 =	vadd.f32 v7, v3;
	[tilespmem:s9+$0xFFFFFFD0] =	vst v5  }
0x107: {  	v5 =	vmul.f32 v10, v13;
	v1 =	vadd.f32 v11, v1;
	[tilespmem:s9+$0xFFFFFFE0] =	vst v4  }
0x108: {  	v0 =	vadd.f32 v6, v0;
	[tilespmem:s9+$0xFFFFFFF0] =	vst v3  }
0x109: {  	v2 =	vadd.f32 v5, v2;
	[tilespmem:s9+$0x0] =	vst v1  }
0x10a: {  	[tilespmem:s9+$0x10] =	vst v0  }
0x10b: {  	[tilespmem:s9+$0x20] =	vst v2  }
0x10c: {  	s9 =	rddreg [dreg:$0x8]  }
0x10d: {  	[hbm4b:s9+s1] =	stream.linear.scatter [tilespmem:s3], [sflag:$0x3], $0x4000, $0x38;
	[tilespmem:$0x13F80] =	vst v63  }
0x10e: {  	s12 =	rddreg [dreg:$0x9]  }
0x10f: {  	[tilespmem:s22], [sflag:$0x1] =	stream.linear.gather [hbm4b:s12+s1], $0x4000, $0x38;
	[tilespmem:$0x13F80] =	vst v63  }
0x110: {  	_ =	swait.ge [sflag:s4], $0x4000  }
0x111: {  	[sflag:s4] =	ssyncset.done $0x0  }
0x112: {  	s13 =	simm.s32 $0x7FC0;
	[sflag:s4] =	ssyncadd.s32 $0xFFFFC000  }
0x113: {  	v0 =	vld [tilespmem:s13+$0x30]  }
0x114: {  	v1 =	vld [tilespmem:s13+$0xFFFFFFD0]  }
0x115: {  	v2 =	vld [tilespmem:s13+$0xFFFFFFE0]  }
0x116: {  	v3 =	vld [tilespmem:s13+$0xFFFFFFF0]  }
0x117: {  	v4 =	vld [tilespmem:s13+$0x0]  }
0x118: {  	v5 =	vld [tilespmem:s13+$0x10];
	v0 =	vmul.f32 $4.000000000e+00, v0  }
0x119: {  	v6 =	vld [tilespmem:s13+$0x20]  }
0x11a: {  	v1 =	vmul.f32 $4.000000000e+00, v1;
	v0 =	vadd.f32 $1.600000000e+01, v0  }
0x11b: {  	v7 =	vld [tilespmem:s13+$0xFFFFFFC0];
	v2 =	vmul.f32 $4.000000000e+00, v2;
	v3 =	vmul.f32 $4.000000000e+00, v3  }
0x11c: {  	v9 =	vadd.f32 $1.600000000e+01, v1;
	v1 =	vmul.f32 $4.000000000e+00, v4;
	v4 =	vtrunc.f32 v0  }
0x11d: {  	v10 =	vadd.f32 $1.600000000e+01, v2;
	v4 =	vcvt.f32.s32 v4  }
0x11e: {  	v2 =	vmul.f32 $4.000000000e+00, v5;
	v11 =	vadd.f32 $1.600000000e+01, v3;
	v5 =	vmul.f32 $4.000000000e+00, v6  }
0x11f: {  	v3 =	vtrunc.f32 v9;
	v12 =	vadd.f32 $1.600000000e+01, v1;
	vm0 =	vgt.s32 v4, $0x0  }
0x120: {  	v1 =	vmul.f32 $4.000000000e+00, v7;
	v13 =	vadd.f32 $1.600000000e+01, v2;
	v4 =	vnsel vm0, $0x0, v4  }
0x121: {  	v2 =	vtrunc.f32 v10;
	v14 =	vadd.f32 $1.600000000e+01, v5;
	v8 =	vmin.u32 v4, $0x1F  }
0x122: {  	v3 =	vcvt.f32.s32 v3;
	v2 =	vcvt.f32.s32 v2;
	v7 =	vadd.f32 $1.600000000e+01, v1  }
0x123: {  	v1 =	vtrunc.f32 v11;
	v5 =	vtrunc.f32 v13  }
0x124: {  	v15 =	vtrunc.f32 v14;
	v6 =	vtrunc.f32 v7  }
0x125: {  	v1 =	vcvt.f32.s32 v1;
	vm1 =	vgt.s32 v3, $0x0;
	v6 =	vcvt.f32.s32 v6  }
0x126: {  	v17 =	vcvt.f32.s32 v5;
	vm2 =	vgt.s32 v2, $0x0;
	v3 =	vnsel vm1, $0x0, v3;
	v18 =	vld.idx.msk [tilespmem:v8+s28+$0x0], $0xffff  }
0x127: {  	v4 =	vtrunc.f32 v12;
	v19 =	vcvt.s32.f32 v8;
	vm11 =	vgt.s32 v6, $0x0  }
0x128: {  	v5 =	vmin.u32 v3, $0x1F;
	v16 =	vcvt.f32.s32 v4;
	v4 =	vnsel vm11, $0x0, v6;
	v20 =	vld.idx.msk [tilespmem:v8+s29+$0x0], $0xffff  }
0x129: {  	v2 =	vnsel vm2, $0x0, v2;
	v19 =	vsub.f32 v0, v19;
	v6 =	vmin.u32 v4, $0x1F  }
0x12a: {  	vm12 =	vgt.s32 v1, $0x0;
	vm13 =	vgt.s32 v16, $0x0;
	v4 =	vmin.u32 v2, $0x1F;
	v21 =	vld.idx.msk [tilespmem:v8+s30+$0x0], $0xffff  }
0x12b: {  	v0 =	vnsel vm12, $0x0, v1;
	v1 =	vnsel vm13, $0x0, v16;
	v22 =	vld.idx.msk [tilespmem:v8+s0+$0x0], $0xffff;
	v16 =	vmul.f32 v19, v18  }
0x12c: {  	v15 =	vcvt.f32.s32 v15;
	v3 =	vmin.u32 v0, $0x1F;
	v25 =	vld.idx.msk [tilespmem:v8+s2+$0x0], $0xffff  }
0x12d: {  	vm14 =	vgt.s32 v17, $0x0;
	v54 =	vld.idx.msk [tilespmem:v5+s29+$0x0], $0xffff;
	v16 =	vadd.f32 v16, v20  }
0x12e: {  	vm15 =	vgt.s32 v15, $0x0;
	v0 =	vnsel vm14, $0x0, v17;
	v17 =	vld.idx.msk [tilespmem:v6+s28+$0x0], $0xffff  }
0x12f: {  	v2 =	vmin.u32 v1, $0x1F;
	v1 =	vnsel vm15, $0x0, v15;
	v15 =	vld.idx.msk [tilespmem:v4+s28+$0x0], $0xffff;
	v16 =	vmul.f32 v16, v19  }
0x130: {  	v0 =	vmin.u32 v0, $0x1F;
	v18 =	vld.idx.msk [tilespmem:v8+s31+$0x0], $0xffff  }
0x131: {  	v23 =	vld.idx.msk [tilespmem:v3+s28+$0x0], $0xffff;
	v16 =	vadd.f32 v16, v21  }
0x132: {  	v57 =	vld.idx.msk [tilespmem:v4+s29+$0x0], $0xffff  }
0x133: {  	v33 =	vld.idx.msk [tilespmem:v3+s29+$0x0], $0xffff;
	v16 =	vmul.f32 v16, v19  }
0x134: {  	v1 =	vmin.u32 v1, $0x1F;
	v62 =	vld.idx.msk [tilespmem:v3+s30+$0x0], $0xffff  }
0x135: {  	v27 =	vcvt.s32.f32 v5;
	v24 =	vld.idx.msk [tilespmem:v0+s28+$0x0], $0xffff;
	v8 =	vadd.f32 v16, v18;
	v18 =	vcvt.s32.f32 v6  }
0x136: {  	v55 =	vcvt.s32.f32 v4;
	v58 =	vcvt.s32.f32 v2;
	v20 =	vld.idx.msk [tilespmem:v5+s28+$0x0], $0xffff  }
0x137: {  	v21 =	vld.idx.msk [tilespmem:v2+s28+$0x0], $0xffff;
	v56 =	vmul.f32 v8, v19;
	v8 =	vsub.f32 v7, v18;
	v18 =	vcvt.s32.f32 v3  }
0x138: {  	v16 =	vld.idx.msk [tilespmem:v6+s29+$0x0], $0xffff;
	v7 =	vsub.f32 v9, v27;
	v27 =	vcvt.s32.f32 v0;
	v9 =	vsub.f32 v10, v55  }
0x139: {  	v60 =	vcvt.s32.f32 v1;
	v26 =	vld.idx.msk [tilespmem:v1+s28+$0x0], $0xffff;
	v22 =	vadd.f32 v56, v22;
	v10 =	vsub.f32 v11, v18  }
0x13a: {  	v59 =	vld.idx.msk [tilespmem:v2+s29+$0x0], $0xffff;
	v11 =	vsub.f32 v12, v58;
	v17 =	vmul.f32 v8, v17;
	v13 =	vsub.f32 v13, v27  }
0x13b: {  	v18 =	vld.idx.msk [tilespmem:v0+s29+$0x0], $0xffff;
	v12 =	vsub.f32 v14, v60;
	v14 =	vmul.f32 v7, v20;
	v15 =	vmul.f32 v9, v15  }
0x13c: {  	v20 =	vld.idx.msk [tilespmem:v6+s30+$0x0], $0xffff;
	v19 =	vmul.f32 v22, v19;
	v23 =	vmul.f32 v10, v23  }
0x13d: {  	v22 =	vld.idx.msk [tilespmem:v1+s29+$0x0], $0xffff;
	v16 =	vadd.f32 v17, v16;
	v21 =	vmul.f32 v11, v21;
	v24 =	vmul.f32 v13, v24  }
0x13e: {  	v17 =	vld.idx.msk [tilespmem:v5+s30+$0x0], $0xffff;
	v26 =	vmul.f32 v12, v26;
	v19 =	vadd.f32 v19, v25;
	v25 =	vadd.f32 v14, v54  }
0x13f: {  	v27 =	vld.idx.msk [tilespmem:v4+s30+$0x0], $0xffff;
	v61 =	vadd.f32 v15, v57;
	v23 =	vadd.f32 v23, v33;
	v16 =	vmul.f32 v16, v8  }
0x140: {  	v15 =	vld.idx.msk [tilespmem:v0+s30+$0x0], $0xffff;
	v21 =	vadd.f32 v21, v59;
	v18 =	vadd.f32 v24, v18;
	v24 =	vmul.f32 v25, v7  }
0x141: {  	v14 =	vld.idx.msk [tilespmem:v2+s30+$0x0], $0xffff;
	v25 =	vmul.f32 v61, v9;
	v63 =	vmul.f32 v23, v10  }
0x142: {  	s10 =	simm.s32 $0xFFC0;
	v23 =	vadd.f32 v16, v20;
	v16 =	vld.idx.msk [tilespmem:v1+s30+$0x0], $0xffff;
	v20 =	vmul.f32 v21, v11;
	v22 =	vadd.f32 v26, v22  }
0x143: {  	[tilespmem:s10+$0x30] =	vst v19;
	v19 =	vld.idx.msk [tilespmem:v5+s31+$0x0], $0xffff;
	v21 =	vmul.f32 v18, v13;
	v18 =	vadd.f32 v24, v17  }
0x144: {  	v17 =	vld.idx.msk [tilespmem:v6+s31+$0x0], $0xffff;
	v26 =	vadd.f32 v25, v27;
	v24 =	vmul.f32 v22, v12  }
0x145: {  	s11 =	simm.s32 $0x0;
	s9 =	simm.s32 $0xFFC0;
	s12 =	simm.s32 $0x8040;
	v25 =	vadd.f32 v63, v62;
	v22 =	vmul.f32 v23, v8;
	v23 =	vmul.f32 v18, v7;
	v18 =	vld.idx.msk [tilespmem:v4+s31+$0x0], $0xffff  }
.LBB2_6:
0x146: {  	v27 =	vld [tilespmem:s12+$0x30];
	s11 =	sadd.s32 $0x8, s11;
	v26 =	vmul.f32 v26, v9;
	v14 =	vadd.f32 v20, v14  }
0x147: {  	v15 =	vadd.f32 v21, v15;
	v20 =	vld [tilespmem:s12+$0xFFFFFFD0];
	p0 =	slt.u32 s11, $0x3F8;
	v25 =	vmul.f32 v25, v10  }
0x148: {  	v21 =	vld [tilespmem:s12+$0xFFFFFFE0];
	v28 =	vmul.f32 v14, v11;
	v14 =	vadd.f32 v24, v16  }
0x149: {  	v17 =	vadd.f32 v22, v17;
	v22 =	vmul.f32 v15, v13;
	v16 =	vld [tilespmem:s12+$0xFFFFFFF0]  }
0x14a: {  	v15 =	vadd.f32 v23, v19;
	v24 =	vld [tilespmem:s12+$0x0];
	v19 =	vmul.f32 v14, v12  }
0x14b: {  	v17 =	vmul.f32 v17, v8;
	v18 =	vadd.f32 v26, v18;
	v23 =	vld [tilespmem:s12+$0x10];
	v27 =	vmul.f32 $4.000000000e+00, v27  }
0x14c: {  	v14 =	vmul.f32 v15, v7;
	v20 =	vmul.f32 $4.000000000e+00, v20;
	v26 =	vld [tilespmem:s12+$0x20]  }
0x14d: {  	v15 =	vmul.f32 v18, v9;
	v29 =	vld [tilespmem:s12+$0xFFFFFFC0];
	v21 =	vmul.f32 $4.000000000e+00, v21;
	v27 =	vadd.f32 $1.600000000e+01, v27  }
0x14e: {  	v18 =	vadd.f32 $1.600000000e+01, v20;
	v16 =	vmul.f32 $4.000000000e+00, v16;
	v20 =	vld.idx.msk [tilespmem:v3+s31+$0x0], $0xffff  }
0x14f: {  	v21 =	vadd.f32 $1.600000000e+01, v21;
	v24 =	vmul.f32 $4.000000000e+00, v24;
	v30 =	vtrunc.f32 v27;
	v31 =	vld.idx.msk [tilespmem:v2+s31+$0x0], $0xffff  }
0x150: {  	v16 =	vadd.f32 $1.600000000e+01, v16;
	v23 =	vmul.f32 $4.000000000e+00, v23;
	v30 =	vcvt.f32.s32 v30;
	v32 =	vld.idx.msk [tilespmem:v0+s31+$0x0], $0xffff  }
0x151: {  	v33 =	vtrunc.f32 v18;
	v24 =	vadd.f32 $1.600000000e+01, v24;
	v26 =	vmul.f32 $4.000000000e+00, v26;
	v34 =	vld.idx.msk [tilespmem:v1+s31+$0x0], $0xffff  }
0x152: {  	v29 =	vmul.f32 $4.000000000e+00, v29;
	v23 =	vadd.f32 $1.600000000e+01, v23;
	vm0 =	vgt.s32 v30, $0x0;
	v35 =	vld.idx.msk [tilespmem:v6+s0+$0x0], $0xffff  }
0x153: {  	v36 =	vtrunc.f32 v21;
	v26 =	vadd.f32 $1.600000000e+01, v26;
	v30 =	vnsel vm0, $0x0, v30;
	v37 =	vld.idx.msk [tilespmem:v5+s0+$0x0], $0xffff  }
0x154: {  	v38 =	vtrunc.f32 v16;
	v29 =	vadd.f32 $1.600000000e+01, v29;
	v30 =	vmin.u32 v30, $0x1F;
	v39 =	vld.idx.msk [tilespmem:v4+s0+$0x0], $0xffff  }
0x155: {  	v40 =	vtrunc.f32 v24;
	v20 =	vadd.f32 v25, v20;
	v41 =	vtrunc.f32 v23;
	v25 =	vld.idx.msk [tilespmem:v3+s0+$0x0], $0xffff  }
0x156: {  	v28 =	vadd.f32 v28, v31;
	v43 =	vtrunc.f32 v26;
	v42 =	vtrunc.f32 v29;
	v31 =	vld.idx.msk [tilespmem:v2+s0+$0x0], $0xffff  }
0x157: {  	v33 =	vcvt.f32.s32 v33;
	v22 =	vadd.f32 v22, v32;
	v42 =	vcvt.f32.s32 v42;
	v32 =	vld.idx.msk [tilespmem:v0+s0+$0x0], $0xffff  }
0x158: {  	v36 =	vcvt.f32.s32 v36;
	v38 =	vcvt.f32.s32 v38;
	v19 =	vadd.f32 v19, v34;
	v34 =	vld.idx.msk [tilespmem:v1+s0+$0x0], $0xffff  }
0x159: {  	v40 =	vcvt.f32.s32 v40;
	v41 =	vcvt.f32.s32 v41;
	vm0 =	vgt.s32 v42, $0x0;
	v44 =	vld.idx.msk [tilespmem:v30+s28+$0x0], $0xffff  }
0x15a: {  	vm1 =	vgt.s32 v33, $0x0;
	vm2 =	vgt.s32 v36, $0x0;
	v43 =	vcvt.f32.s32 v43;
	v45 =	vld.idx.msk [tilespmem:v6+s2+$0x0], $0xffff  }
0x15b: {  	vm3 =	vgt.s32 v38, $0x0;
	vm4 =	vgt.s32 v40, $0x0;
	v6 =	vcvt.s32.f32 v30;
	v46 =	vld.idx.msk [tilespmem:v30+s29+$0x0], $0xffff  }
0x15c: {  	vm5 =	vgt.s32 v43, $0x0;
	v42 =	vnsel vm0, $0x0, v42;
	vm0 =	vgt.s32 v41, $0x0;
	v47 =	vld.idx.msk [tilespmem:v5+s2+$0x0], $0xffff  }
0x15d: {  	v5 =	vnsel vm1, $0x0, v33;
	v33 =	vnsel vm2, $0x0, v36;
	v27 =	vsub.f32 v27, v6;
	v36 =	vld.idx.msk [tilespmem:v4+s2+$0x0], $0xffff  }
0x15e: {  	v38 =	vnsel vm3, $0x0, v38;
	v40 =	vnsel vm4, $0x0, v40;
	v41 =	vnsel vm0, $0x0, v41;
	v48 =	vld.idx.msk [tilespmem:v3+s2+$0x0], $0xffff  }
0x15f: {  	v6 =	vmin.u32 v42, $0x1F;
	v42 =	vnsel vm5, $0x0, v43;
	v43 =	vmul.f32 v27, v44;
	v44 =	vld.idx.msk [tilespmem:v30+s30+$0x0], $0xffff  }
0x160: {  	v5 =	vmin.u32 v5, $0x1F;
	v4 =	vmin.u32 v33, $0x1F;
	v3 =	vmin.u32 v38, $0x1F;
	v33 =	vld.idx.msk [tilespmem:v2+s2+$0x0], $0xffff  }
0x161: {  	v2 =	vmin.u32 v40, $0x1F;
	v38 =	vadd.f32 v43, v46;
	v40 =	vld.idx.msk [tilespmem:v0+s2+$0x0], $0xffff;
	v0 =	vmin.u32 v41, $0x1F  }
0x162: {  	v43 =	vcvt.s32.f32 v5;
	v41 =	vcvt.s32.f32 v6;
	v46 =	vld.idx.msk [tilespmem:v1+s2+$0x0], $0xffff;
	v1 =	vmin.u32 v42, $0x1F  }
0x163: {  	v17 =	vadd.f32 v17, v35;
	v42 =	vcvt.s32.f32 v4;
	v38 =	vmul.f32 v38, v27;
	v49 =	vld.idx.msk [tilespmem:v30+s31+$0x0], $0xffff  }
0x164: {  	v50 =	vcvt.s32.f32 v2;
	v29 =	vsub.f32 v29, v41;
	v41 =	vcvt.s32.f32 v3;
	v35 =	vld.idx.msk [tilespmem:v6+s28+$0x0], $0xffff  }
0x165: {  	v52 =	vcvt.s32.f32 v0;
	v53 =	vcvt.s32.f32 v1;
	v38 =	vadd.f32 v38, v44;
	v51 =	vld.idx.msk [tilespmem:v5+s28+$0x0], $0xffff  }
0x166: {  	v20 =	vmul.f32 v20, v10;
	v18 =	vsub.f32 v18, v43;
	v21 =	vsub.f32 v21, v42;
	v42 =	vld.idx.msk [tilespmem:v4+s28+$0x0], $0xffff  }
0x167: {  	v24 =	vsub.f32 v24, v50;
	v16 =	vsub.f32 v16, v41;
	v38 =	vmul.f32 v38, v27;
	v41 =	vld.idx.msk [tilespmem:v30+s0+$0x0], $0xffff  }
0x168: {  	v28 =	vmul.f32 v28, v11;
	v23 =	vsub.f32 v23, v52;
	v26 =	vsub.f32 v26, v53;
	v43 =	vld.idx.msk [tilespmem:v3+s28+$0x0], $0xffff  }
0x169: {  	v22 =	vmul.f32 v22, v13;
	v19 =	vmul.f32 v19, v12;
	v38 =	vadd.f32 v38, v49;
	v44 =	vld.idx.msk [tilespmem:v2+s28+$0x0], $0xffff  }
0x16a: {  	v14 =	vadd.f32 v14, v37;
	v15 =	vadd.f32 v15, v39;
	v35 =	vmul.f32 v29, v35;
	v49 =	vld.idx.msk [tilespmem:v0+s28+$0x0], $0xffff  }
0x16b: {  	v20 =	vadd.f32 v20, v25;
	v37 =	vmul.f32 v18, v51;
	v38 =	vmul.f32 v38, v27;
	v30 =	vld.idx.msk [tilespmem:v30+s2+$0x0], $0xffff  }
0x16c: {  	v28 =	vadd.f32 v28, v31;
	v22 =	vadd.f32 v22, v32;
	v25 =	vmul.f32 v21, v42;
	v39 =	vld.idx.msk [tilespmem:v1+s28+$0x0], $0xffff  }
0x16d: {  	v17 =	vmul.f32 v17, v8;
	v19 =	vadd.f32 v19, v34;
	v32 =	vadd.f32 v38, v41;
	v31 =	vld.idx.msk [tilespmem:v6+s29+$0x0], $0xffff  }
0x16e: {  	v14 =	vmul.f32 v14, v7;
	v7 =	vmovc v18;
	v8 =	vmov v29;
	v38 =	vmul.f32 v16, v43;
	v34 =	vld.idx.msk [tilespmem:v5+s29+$0x0], $0xffff  }
0x16f: {  	v17 =	vadd.f32 v17, v45;
	v29 =	vmul.f32 v24, v44;
	v27 =	vmul.f32 v32, v27;
	v18 =	vld.idx.msk [tilespmem:v4+s29+$0x0], $0xffff  }
0x170: {  	v42 =	vadd.f32 v14, v47;
	v43 =	vmul.f32 v15, v9;
	v41 =	vmul.f32 v23, v49;
	v32 =	vld.idx.msk [tilespmem:v3+s29+$0x0], $0xffff  }
0x171: {  	v11 =	vmul.f32 v28, v11;
	v44 =	vmul.f32 v20, v10;
	v15 =	vadd.f32 v27, v30;
	v14 =	vld.idx.msk [tilespmem:v2+s29+$0x0], $0xffff  }
0x172: {  	s10 =	sadd.s32 $0x80, s10;
	v13 =	vmul.f32 v22, v13;
	v28 =	vadd.f32 v43, v36;
	v27 =	vmul.f32 v26, v39;
	v20 =	vld.idx.msk [tilespmem:v0+s29+$0x0], $0xffff  }
0x173: {  	v12 =	vmul.f32 v19, v12;
	v9 =	vmov v21;
	v22 =	vadd.f32 v35, v31;
	v30 =	vld.idx.msk [tilespmem:v1+s29+$0x0], $0xffff;
	[tilespmem:s10+$0x30] =	vst v15  }
0x174: {  	v10 =	vmov v16;
	v15 =	vadd.f32 v37, v34;
	v19 =	vld.idx.msk [tilespmem:v6+s30+$0x0], $0xffff;
	[tilespmem:s9+$0xFFFFFFC0] =	vst v17;
	v17 =	vadd.f32 v44, v48  }
0x175: {  	v16 =	vmul.f32 v22, v8;
	v18 =	vadd.f32 v25, v18;
	v25 =	vadd.f32 v11, v33;
	v22 =	vld.idx.msk [tilespmem:v5+s30+$0x0], $0xffff  }
0x176: {  	v31 =	vmul.f32 v15, v7;
	v15 =	vadd.f32 v38, v32;
	v32 =	vadd.f32 v13, v40;
	v33 =	vld.idx.msk [tilespmem:v4+s30+$0x0], $0xffff  }
0x177: {  	v18 =	vmul.f32 v18, v9;
	v21 =	vadd.f32 v29, v14;
	v29 =	vadd.f32 v12, v46;
	v34 =	vld.idx.msk [tilespmem:v3+s30+$0x0], $0xffff  }
0x178: {  	v11 =	vmov v24;
	v35 =	vmul.f32 v15, v10;
	v36 =	vadd.f32 v41, v20;
	v14 =	vld.idx.msk [tilespmem:v2+s30+$0x0], $0xffff;
	[tilespmem:s9+$0xFFFFFFD0] =	vst v42  }
.Ltmp2:
0x179: {  	v13 =	vmov v23;
	v20 =	vmul.f32 v21, v11;
	v24 =	vadd.f32 v27, v30;
	v15 =	vld.idx.msk [tilespmem:v0+s30+$0x0], $0xffff;
	[tilespmem:s9+$0xFFFFFFE0] =	vst v28;
	(pc) =	sbr.rel @p0 .LBB2_6-.Ltmp2, $4  }
0x17a: {  	v12 =	vmov v26;
	v19 =	vadd.f32 v16, v19;
	v21 =	vmul.f32 v36, v13;
	v16 =	vld.idx.msk [tilespmem:v1+s30+$0x0], $0xffff;
	[tilespmem:s9+$0xFFFFFFF0] =	vst v17  }
0x17b: {  	v23 =	vadd.f32 v31, v22;
	v24 =	vmul.f32 v24, v12;
	v17 =	vld.idx.msk [tilespmem:v6+s31+$0x0], $0xffff;
	[tilespmem:s9+$0x0] =	vst v25  }
0x17c: {  	v22 =	vmul.f32 v19, v8;
	v26 =	vadd.f32 v18, v33;
	v19 =	vld.idx.msk [tilespmem:v5+s31+$0x0], $0xffff;
	[tilespmem:s9+$0x10] =	vst v32  }
0x17d: {  	s12 =	sadd.s32 $0x80, s12;
	v23 =	vmul.f32 v23, v7;
	v25 =	vadd.f32 v35, v34;
	v18 =	vld.idx.msk [tilespmem:v4+s31+$0x0], $0xffff;
	[tilespmem:s9+$0x20] =	vst v29;
	s9 =	smov.u32 s10  }
0x17e: {  	_ =	sdelay $0x3  }
0x17f: {  	v27 =	vld.idx.msk [tilespmem:v3+s31+$0x0], $0xffff  }
0x180: {  	v28 =	vld.idx.msk [tilespmem:v2+s31+$0x0], $0xffff  }
0x181: {  	v29 =	vld.idx.msk [tilespmem:v0+s31+$0x0], $0xffff  }
0x182: {  	v30 =	vld.idx.msk [tilespmem:v1+s31+$0x0], $0xffff  }
0x183: {  	v31 =	vld.idx.msk [tilespmem:v6+s0+$0x0], $0xffff  }
0x184: {  	v32 =	vld.idx.msk [tilespmem:v5+s0+$0x0], $0xffff  }
0x185: {  	v14 =	vadd.f32 v20, v14;
	v20 =	vld.idx.msk [tilespmem:v4+s0+$0x0], $0xffff  }
0x186: {  	v26 =	vmul.f32 v26, v9;
	v15 =	vadd.f32 v21, v15;
	v21 =	vld.idx.msk [tilespmem:v3+s0+$0x0], $0xffff;
	v16 =	vadd.f32 v24, v16  }
0x187: {  	v6 =	vld.idx.msk [tilespmem:v6+s2+$0x0], $0xffff;
	v24 =	vmul.f32 v25, v10;
	v14 =	vmul.f32 v14, v11;
	v17 =	vadd.f32 v22, v17  }
0x188: {  	v5 =	vld.idx.msk [tilespmem:v5+s2+$0x0], $0xffff;
	v15 =	vmul.f32 v15, v13;
	v19 =	vadd.f32 v23, v19;
	v16 =	vmul.f32 v16, v12  }
0x189: {  	v4 =	vld.idx.msk [tilespmem:v4+s2+$0x0], $0xffff;
	v17 =	vmul.f32 v17, v8;
	v18 =	vadd.f32 v26, v18;
	v24 =	vadd.f32 v24, v27  }
0x18a: {  	v22 =	vld.idx.msk [tilespmem:v2+s0+$0x0], $0xffff;
	v19 =	vmul.f32 v19, v7;
	v14 =	vadd.f32 v14, v28;
	v15 =	vadd.f32 v15, v29  }
0x18b: {  	v23 =	vld.idx.msk [tilespmem:v0+s0+$0x0], $0xffff;
	v16 =	vadd.f32 v16, v30;
	v18 =	vmul.f32 v18, v9;
	v17 =	vadd.f32 v17, v31  }
0x18c: {  	v25 =	vld.idx.msk [tilespmem:v1+s0+$0x0], $0xffff;
	v24 =	vmul.f32 v24, v10;
	v14 =	vmul.f32 v14, v11;
	v19 =	vadd.f32 v19, v32  }
0x18d: {  	v3 =	vld.idx.msk [tilespmem:v3+s2+$0x0], $0xffff;
	v15 =	vmul.f32 v15, v13;
	v18 =	vadd.f32 v18, v20;
	v8 =	vmul.f32 v17, v8  }
0x18e: {  	v2 =	vld.idx.msk [tilespmem:v2+s2+$0x0], $0xffff;
	v16 =	vmul.f32 v16, v12;
	v17 =	vadd.f32 v24, v21;
	v7 =	vmul.f32 v19, v7  }
0x18f: {  	v0 =	vld.idx.msk [tilespmem:v0+s2+$0x0], $0xffff;
	v14 =	vadd.f32 v14, v22;
	v6 =	vadd.f32 v8, v6;
	v8 =	vmul.f32 v18, v9  }
0x190: {  	v1 =	vld.idx.msk [tilespmem:v1+s2+$0x0], $0xffff;
	v9 =	vadd.f32 v15, v23;
	v5 =	vadd.f32 v7, v5;
	v7 =	vmul.f32 v17, v10  }
0x191: {  	v10 =	vadd.f32 v16, v25;
	v11 =	vmul.f32 v14, v11;
	v4 =	vadd.f32 v8, v4;
	[tilespmem:s9+$0xFFFFFFC0] =	vst v6  }
0x192: {  	v6 =	vmul.f32 v9, v13;
	v3 =	vadd.f32 v7, v3;
	[tilespmem:s9+$0xFFFFFFD0] =	vst v5  }
0x193: {  	v5 =	vmul.f32 v10, v12;
	v2 =	vadd.f32 v11, v2;
	[tilespmem:s9+$0xFFFFFFE0] =	vst v4  }
0x194: {  	v0 =	vadd.f32 v6, v0;
	[tilespmem:s9+$0xFFFFFFF0] =	vst v3  }
0x195: {  	v1 =	vadd.f32 v5, v1;
	[tilespmem:s9+$0x0] =	vst v2  }
0x196: {  	[tilespmem:s9+$0x10] =	vst v0  }
0x197: {  	[tilespmem:s9+$0x20] =	vst v1  }
0x198: {  	s9 =	rddreg [dreg:$0xa]  }
0x199: {  	[hbm4b:s9+s1] =	stream.linear.scatter [tilespmem:s5], [sflag:$0x4], $0x4000, $0x38;
	[tilespmem:$0x13F80] =	vst v63  }
0x19a: {  	s12 =	rddreg [dreg:$0xb]  }
0x19b: {  	[tilespmem:s23], [sflag:$0x2] =	stream.linear.gather [hbm4b:s12+s1], $0x4000, $0x38;
	[tilespmem:$0x13F80] =	vst v63  }
0x19c: {  	_ =	swait.ge [sflag:s26], $0x4000  }
0x19d: {  	[sflag:s26] =	ssyncset.done $0x0  }
0x19e: {  	[sflag:s26] =	ssyncadd.s32 $0xFFFFC000  }
0x19f: {  	_ =	swait.ge [sflag:s6], $0x4000  }
0x1a0: {  	[sflag:s6] =	ssyncset.done $0x0  }
0x1a1: {  	s13 =	simm.s32 $0x3FC0;
	[sflag:s6] =	ssyncadd.s32 $0xFFFFC000  }
0x1a2: {  	v0 =	vld [tilespmem:s13+$0x30]  }
0x1a3: {  	v1 =	vld [tilespmem:s13+$0xFFFFFFD0]  }
0x1a4: {  	v2 =	vld [tilespmem:s13+$0xFFFFFFE0]  }
0x1a5: {  	v3 =	vld [tilespmem:s13+$0xFFFFFFF0]  }
0x1a6: {  	v4 =	vld [tilespmem:s13+$0x0]  }
0x1a7: {  	v5 =	vld [tilespmem:s13+$0x10];
	v0 =	vmul.f32 $4.000000000e+00, v0  }
0x1a8: {  	v6 =	vld [tilespmem:s13+$0x20]  }
0x1a9: {  	v1 =	vmul.f32 $4.000000000e+00, v1;
	v0 =	vadd.f32 $1.600000000e+01, v0  }
0x1aa: {  	v7 =	vld [tilespmem:s13+$0xFFFFFFC0];
	v2 =	vmul.f32 $4.000000000e+00, v2;
	v3 =	vmul.f32 $4.000000000e+00, v3  }
0x1ab: {  	v9 =	vadd.f32 $1.600000000e+01, v1;
	v1 =	vmul.f32 $4.000000000e+00, v4;
	v4 =	vtrunc.f32 v0  }
0x1ac: {  	v10 =	vadd.f32 $1.600000000e+01, v2;
	v4 =	vcvt.f32.s32 v4  }
0x1ad: {  	v2 =	vmul.f32 $4.000000000e+00, v5;
	v11 =	vadd.f32 $1.600000000e+01, v3;
	v5 =	vmul.f32 $4.000000000e+00, v6  }
0x1ae: {  	v3 =	vtrunc.f32 v9;
	v12 =	vadd.f32 $1.600000000e+01, v1;
	vm0 =	vgt.s32 v4, $0x0  }
0x1af: {  	v1 =	vmul.f32 $4.000000000e+00, v7;
	v13 =	vadd.f32 $1.600000000e+01, v2;
	v4 =	vnsel vm0, $0x0, v4  }
0x1b0: {  	v2 =	vtrunc.f32 v10;
	v14 =	vadd.f32 $1.600000000e+01, v5;
	v8 =	vmin.u32 v4, $0x1F  }
0x1b1: {  	v3 =	vcvt.f32.s32 v3;
	v2 =	vcvt.f32.s32 v2;
	v7 =	vadd.f32 $1.600000000e+01, v1  }
0x1b2: {  	v1 =	vtrunc.f32 v11;
	v5 =	vtrunc.f32 v13  }
0x1b3: {  	v15 =	vtrunc.f32 v14;
	v6 =	vtrunc.f32 v7  }
0x1b4: {  	v1 =	vcvt.f32.s32 v1;
	vm1 =	vgt.s32 v3, $0x0;
	v6 =	vcvt.f32.s32 v6  }
0x1b5: {  	v17 =	vcvt.f32.s32 v5;
	vm2 =	vgt.s32 v2, $0x0;
	v3 =	vnsel vm1, $0x0, v3;
	v18 =	vld.idx.msk [tilespmem:v8+s28+$0x0], $0xffff  }
0x1b6: {  	v4 =	vtrunc.f32 v12;
	v19 =	vcvt.s32.f32 v8;
	vm11 =	vgt.s32 v6, $0x0  }
0x1b7: {  	v5 =	vmin.u32 v3, $0x1F;
	v16 =	vcvt.f32.s32 v4;
	v4 =	vnsel vm11, $0x0, v6;
	v20 =	vld.idx.msk [tilespmem:v8+s29+$0x0], $0xffff  }
0x1b8: {  	v2 =	vnsel vm2, $0x0, v2;
	v19 =	vsub.f32 v0, v19;
	v6 =	vmin.u32 v4, $0x1F  }
0x1b9: {  	vm12 =	vgt.s32 v1, $0x0;
	vm13 =	vgt.s32 v16, $0x0;
	v4 =	vmin.u32 v2, $0x1F;
	v21 =	vld.idx.msk [tilespmem:v8+s30+$0x0], $0xffff  }
0x1ba: {  	v0 =	vnsel vm12, $0x0, v1;
	v1 =	vnsel vm13, $0x0, v16;
	v22 =	vld.idx.msk [tilespmem:v8+s0+$0x0], $0xffff;
	v16 =	vmul.f32 v19, v18  }
0x1bb: {  	v15 =	vcvt.f32.s32 v15;
	v3 =	vmin.u32 v0, $0x1F;
	v25 =	vld.idx.msk [tilespmem:v8+s2+$0x0], $0xffff  }
0x1bc: {  	vm14 =	vgt.s32 v17, $0x0;
	v54 =	vld.idx.msk [tilespmem:v5+s29+$0x0], $0xffff;
	v16 =	vadd.f32 v16, v20  }
0x1bd: {  	vm15 =	vgt.s32 v15, $0x0;
	v0 =	vnsel vm14, $0x0, v17;
	v17 =	vld.idx.msk [tilespmem:v6+s28+$0x0], $0xffff  }
0x1be: {  	v2 =	vmin.u32 v1, $0x1F;
	v1 =	vnsel vm15, $0x0, v15;
	v15 =	vld.idx.msk [tilespmem:v4+s28+$0x0], $0xffff;
	v16 =	vmul.f32 v16, v19  }
0x1bf: {  	v0 =	vmin.u32 v0, $0x1F;
	v18 =	vld.idx.msk [tilespmem:v8+s31+$0x0], $0xffff  }
0x1c0: {  	v23 =	vld.idx.msk [tilespmem:v3+s28+$0x0], $0xffff;
	v16 =	vadd.f32 v16, v21  }
0x1c1: {  	v57 =	vld.idx.msk [tilespmem:v4+s29+$0x0], $0xffff  }
0x1c2: {  	v33 =	vld.idx.msk [tilespmem:v3+s29+$0x0], $0xffff;
	v16 =	vmul.f32 v16, v19  }
0x1c3: {  	v1 =	vmin.u32 v1, $0x1F;
	v62 =	vld.idx.msk [tilespmem:v3+s30+$0x0], $0xffff  }
0x1c4: {  	v27 =	vcvt.s32.f32 v5;
	v24 =	vld.idx.msk [tilespmem:v0+s28+$0x0], $0xffff;
	v8 =	vadd.f32 v16, v18;
	v18 =	vcvt.s32.f32 v6  }
0x1c5: {  	v55 =	vcvt.s32.f32 v4;
	v58 =	vcvt.s32.f32 v2;
	v20 =	vld.idx.msk [tilespmem:v5+s28+$0x0], $0xffff  }
0x1c6: {  	v21 =	vld.idx.msk [tilespmem:v2+s28+$0x0], $0xffff;
	v56 =	vmul.f32 v8, v19;
	v8 =	vsub.f32 v7, v18;
	v18 =	vcvt.s32.f32 v3  }
0x1c7: {  	v16 =	vld.idx.msk [tilespmem:v6+s29+$0x0], $0xffff;
	v7 =	vsub.f32 v9, v27;
	v27 =	vcvt.s32.f32 v0;
	v9 =	vsub.f32 v10, v55  }
0x1c8: {  	v60 =	vcvt.s32.f32 v1;
	v26 =	vld.idx.msk [tilespmem:v1+s28+$0x0], $0xffff;
	v22 =	vadd.f32 v56, v22;
	v10 =	vsub.f32 v11, v18  }
0x1c9: {  	v59 =	vld.idx.msk [tilespmem:v2+s29+$0x0], $0xffff;
	v11 =	vsub.f32 v12, v58;
	v17 =	vmul.f32 v8, v17;
	v13 =	vsub.f32 v13, v27  }
0x1ca: {  	v18 =	vld.idx.msk [tilespmem:v0+s29+$0x0], $0xffff;
	v12 =	vsub.f32 v14, v60;
	v14 =	vmul.f32 v7, v20;
	v15 =	vmul.f32 v9, v15  }
0x1cb: {  	v20 =	vld.idx.msk [tilespmem:v6+s30+$0x0], $0xffff;
	v19 =	vmul.f32 v22, v19;
	v23 =	vmul.f32 v10, v23  }
0x1cc: {  	v22 =	vld.idx.msk [tilespmem:v1+s29+$0x0], $0xffff;
	v16 =	vadd.f32 v17, v16;
	v21 =	vmul.f32 v11, v21;
	v24 =	vmul.f32 v13, v24  }
0x1cd: {  	v17 =	vld.idx.msk [tilespmem:v5+s30+$0x0], $0xffff;
	v26 =	vmul.f32 v12, v26;
	v19 =	vadd.f32 v19, v25;
	v25 =	vadd.f32 v14, v54  }
0x1ce: {  	v27 =	vld.idx.msk [tilespmem:v4+s30+$0x0], $0xffff;
	v61 =	vadd.f32 v15, v57;
	v23 =	vadd.f32 v23, v33;
	v16 =	vmul.f32 v16, v8  }
0x1cf: {  	v15 =	vld.idx.msk [tilespmem:v0+s30+$0x0], $0xffff;
	v21 =	vadd.f32 v21, v59;
	v18 =	vadd.f32 v24, v18;
	v24 =	vmul.f32 v25, v7  }
0x1d0: {  	v14 =	vld.idx.msk [tilespmem:v2+s30+$0x0], $0xffff;
	v25 =	vmul.f32 v61, v9;
	v63 =	vmul.f32 v23, v10  }
0x1d1: {  	s10 =	simm.s32 $0xBFC0;
	v23 =	vadd.f32 v16, v20;
	v16 =	vld.idx.msk [tilespmem:v1+s30+$0x0], $0xffff;
	v20 =	vmul.f32 v21, v11;
	v22 =	vadd.f32 v26, v22  }
0x1d2: {  	[tilespmem:s10+$0x30] =	vst v19;
	v19 =	vld.idx.msk [tilespmem:v5+s31+$0x0], $0xffff;
	v21 =	vmul.f32 v18, v13;
	v18 =	vadd.f32 v24, v17  }
0x1d3: {  	v17 =	vld.idx.msk [tilespmem:v6+s31+$0x0], $0xffff;
	v26 =	vadd.f32 v25, v27;
	v24 =	vmul.f32 v22, v12  }
0x1d4: {  	s11 =	simm.s32 $0x0;
	s9 =	simm.s32 $0xBFC0;
	s12 =	simm.s32 $0x4040;
	v25 =	vadd.f32 v63, v62;
	v22 =	vmul.f32 v23, v8;
	v23 =	vmul.f32 v18, v7;
	v18 =	vld.idx.msk [tilespmem:v4+s31+$0x0], $0xffff  }
.LBB2_8:
0x1d5: {  	v27 =	vld [tilespmem:s12+$0x30];
	s11 =	sadd.s32 $0x8, s11;
	v26 =	vmul.f32 v26, v9;
	v14 =	vadd.f32 v20, v14  }
0x1d6: {  	v15 =	vadd.f32 v21, v15;
	v20 =	vld [tilespmem:s12+$0xFFFFFFD0];
	p0 =	slt.u32 s11, $0x3F8;
	v25 =	vmul.f32 v25, v10  }
0x1d7: {  	v21 =	vld [tilespmem:s12+$0xFFFFFFE0];
	v28 =	vmul.f32 v14, v11;
	v14 =	vadd.f32 v24, v16  }
0x1d8: {  	v17 =	vadd.f32 v22, v17;
	v22 =	vmul.f32 v15, v13;
	v16 =	vld [tilespmem:s12+$0xFFFFFFF0]  }
0x1d9: {  	v15 =	vadd.f32 v23, v19;
	v24 =	vld [tilespmem:s12+$0x0];
	v19 =	vmul.f32 v14, v12  }
0x1da: {  	v17 =	vmul.f32 v17, v8;
	v18 =	vadd.f32 v26, v18;
	v23 =	vld [tilespmem:s12+$0x10];
	v27 =	vmul.f32 $4.000000000e+00, v27  }
0x1db: {  	v14 =	vmul.f32 v15, v7;
	v20 =	vmul.f32 $4.000000000e+00, v20;
	v26 =	vld [tilespmem:s12+$0x20]  }
0x1dc: {  	v15 =	vmul.f32 v18, v9;
	v29 =	vld [tilespmem:s12+$0xFFFFFFC0];
	v21 =	vmul.f32 $4.000000000e+00, v21;
	v27 =	vadd.f32 $1.600000000e+01, v27  }
0x1dd: {  	v18 =	vadd.f32 $1.600000000e+01, v20;
	v16 =	vmul.f32 $4.000000000e+00, v16;
	v20 =	vld.idx.msk [tilespmem:v3+s31+$0x0], $0xffff  }
0x1de: {  	v21 =	vadd.f32 $1.600000000e+01, v21;
	v24 =	vmul.f32 $4.000000000e+00, v24;
	v30 =	vtrunc.f32 v27;
	v31 =	vld.idx.msk [tilespmem:v2+s31+$0x0], $0xffff  }
0x1df: {  	v16 =	vadd.f32 $1.600000000e+01, v16;
	v23 =	vmul.f32 $4.000000000e+00, v23;
	v30 =	vcvt.f32.s32 v30;
	v32 =	vld.idx.msk [tilespmem:v0+s31+$0x0], $0xffff  }
0x1e0: {  	v33 =	vtrunc.f32 v18;
	v24 =	vadd.f32 $1.600000000e+01, v24;
	v26 =	vmul.f32 $4.000000000e+00, v26;
	v34 =	vld.idx.msk [tilespmem:v1+s31+$0x0], $0xffff  }
0x1e1: {  	v29 =	vmul.f32 $4.000000000e+00, v29;
	v23 =	vadd.f32 $1.600000000e+01, v23;
	vm0 =	vgt.s32 v30, $0x0;
	v35 =	vld.idx.msk [tilespmem:v6+s0+$0x0], $0xffff  }
0x1e2: {  	v36 =	vtrunc.f32 v21;
	v26 =	vadd.f32 $1.600000000e+01, v26;
	v30 =	vnsel vm0, $0x0, v30;
	v37 =	vld.idx.msk [tilespmem:v5+s0+$0x0], $0xffff  }
0x1e3: {  	v38 =	vtrunc.f32 v16;
	v29 =	vadd.f32 $1.600000000e+01, v29;
	v30 =	vmin.u32 v30, $0x1F;
	v39 =	vld.idx.msk [tilespmem:v4+s0+$0x0], $0xffff  }
0x1e4: {  	v40 =	vtrunc.f32 v24;
	v20 =	vadd.f32 v25, v20;
	v41 =	vtrunc.f32 v23;
	v25 =	vld.idx.msk [tilespmem:v3+s0+$0x0], $0xffff  }
0x1e5: {  	v28 =	vadd.f32 v28, v31;
	v43 =	vtrunc.f32 v26;
	v42 =	vtrunc.f32 v29;
	v31 =	vld.idx.msk [tilespmem:v2+s0+$0x0], $0xffff  }
0x1e6: {  	v33 =	vcvt.f32.s32 v33;
	v22 =	vadd.f32 v22, v32;
	v42 =	vcvt.f32.s32 v42;
	v32 =	vld.idx.msk [tilespmem:v0+s0+$0x0], $0xffff  }
0x1e7: {  	v36 =	vcvt.f32.s32 v36;
	v38 =	vcvt.f32.s32 v38;
	v19 =	vadd.f32 v19, v34;
	v34 =	vld.idx.msk [tilespmem:v1+s0+$0x0], $0xffff  }
0x1e8: {  	v40 =	vcvt.f32.s32 v40;
	v41 =	vcvt.f32.s32 v41;
	vm0 =	vgt.s32 v42, $0x0;
	v44 =	vld.idx.msk [tilespmem:v30+s28+$0x0], $0xffff  }
0x1e9: {  	vm1 =	vgt.s32 v33, $0x0;
	vm2 =	vgt.s32 v36, $0x0;
	v43 =	vcvt.f32.s32 v43;
	v45 =	vld.idx.msk [tilespmem:v6+s2+$0x0], $0xffff  }
0x1ea: {  	vm3 =	vgt.s32 v38, $0x0;
	vm4 =	vgt.s32 v40, $0x0;
	v6 =	vcvt.s32.f32 v30;
	v46 =	vld.idx.msk [tilespmem:v30+s29+$0x0], $0xffff  }
0x1eb: {  	vm5 =	vgt.s32 v43, $0x0;
	v42 =	vnsel vm0, $0x0, v42;
	vm0 =	vgt.s32 v41, $0x0;
	v47 =	vld.idx.msk [tilespmem:v5+s2+$0x0], $0xffff  }
0x1ec: {  	v5 =	vnsel vm1, $0x0, v33;
	v33 =	vnsel vm2, $0x0, v36;
	v27 =	vsub.f32 v27, v6;
	v36 =	vld.idx.msk [tilespmem:v4+s2+$0x0], $0xffff  }
0x1ed: {  	v38 =	vnsel vm3, $0x0, v38;
	v40 =	vnsel vm4, $0x0, v40;
	v41 =	vnsel vm0, $0x0, v41;
	v48 =	vld.idx.msk [tilespmem:v3+s2+$0x0], $0xffff  }
0x1ee: {  	v6 =	vmin.u32 v42, $0x1F;
	v42 =	vnsel vm5, $0x0, v43;
	v43 =	vmul.f32 v27, v44;
	v44 =	vld.idx.msk [tilespmem:v30+s30+$0x0], $0xffff  }
0x1ef: {  	v5 =	vmin.u32 v5, $0x1F;
	v4 =	vmin.u32 v33, $0x1F;
	v3 =	vmin.u32 v38, $0x1F;
	v33 =	vld.idx.msk [tilespmem:v2+s2+$0x0], $0xffff  }
0x1f0: {  	v2 =	vmin.u32 v40, $0x1F;
	v38 =	vadd.f32 v43, v46;
	v40 =	vld.idx.msk [tilespmem:v0+s2+$0x0], $0xffff;
	v0 =	vmin.u32 v41, $0x1F  }
0x1f1: {  	v43 =	vcvt.s32.f32 v5;
	v41 =	vcvt.s32.f32 v6;
	v46 =	vld.idx.msk [tilespmem:v1+s2+$0x0], $0xffff;
	v1 =	vmin.u32 v42, $0x1F  }
0x1f2: {  	v17 =	vadd.f32 v17, v35;
	v42 =	vcvt.s32.f32 v4;
	v38 =	vmul.f32 v38, v27;
	v49 =	vld.idx.msk [tilespmem:v30+s31+$0x0], $0xffff  }
0x1f3: {  	v50 =	vcvt.s32.f32 v2;
	v29 =	vsub.f32 v29, v41;
	v41 =	vcvt.s32.f32 v3;
	v35 =	vld.idx.msk [tilespmem:v6+s28+$0x0], $0xffff  }
0x1f4: {  	v52 =	vcvt.s32.f32 v0;
	v53 =	vcvt.s32.f32 v1;
	v38 =	vadd.f32 v38, v44;
	v51 =	vld.idx.msk [tilespmem:v5+s28+$0x0], $0xffff  }
0x1f5: {  	v20 =	vmul.f32 v20, v10;
	v18 =	vsub.f32 v18, v43;
	v21 =	vsub.f32 v21, v42;
	v42 =	vld.idx.msk [tilespmem:v4+s28+$0x0], $0xffff  }
0x1f6: {  	v24 =	vsub.f32 v24, v50;
	v16 =	vsub.f32 v16, v41;
	v38 =	vmul.f32 v38, v27;
	v41 =	vld.idx.msk [tilespmem:v30+s0+$0x0], $0xffff  }
0x1f7: {  	v28 =	vmul.f32 v28, v11;
	v23 =	vsub.f32 v23, v52;
	v26 =	vsub.f32 v26, v53;
	v43 =	vld.idx.msk [tilespmem:v3+s28+$0x0], $0xffff  }
0x1f8: {  	v22 =	vmul.f32 v22, v13;
	v19 =	vmul.f32 v19, v12;
	v38 =	vadd.f32 v38, v49;
	v44 =	vld.idx.msk [tilespmem:v2+s28+$0x0], $0xffff  }
0x1f9: {  	v14 =	vadd.f32 v14, v37;
	v15 =	vadd.f32 v15, v39;
	v35 =	vmul.f32 v29, v35;
	v49 =	vld.idx.msk [tilespmem:v0+s28+$0x0], $0xffff  }
0x1fa: {  	v20 =	vadd.f32 v20, v25;
	v37 =	vmul.f32 v18, v51;
	v38 =	vmul.f32 v38, v27;
	v30 =	vld.idx.msk [tilespmem:v30+s2+$0x0], $0xffff  }
0x1fb: {  	v28 =	vadd.f32 v28, v31;
	v22 =	vadd.f32 v22, v32;
	v25 =	vmul.f32 v21, v42;
	v39 =	vld.idx.msk [tilespmem:v1+s28+$0x0], $0xffff  }
0x1fc: {  	v17 =	vmul.f32 v17, v8;
	v19 =	vadd.f32 v19, v34;
	v32 =	vadd.f32 v38, v41;
	v31 =	vld.idx.msk [tilespmem:v6+s29+$0x0], $0xffff  }
0x1fd: {  	v14 =	vmul.f32 v14, v7;
	v7 =	vmovc v18;
	v8 =	vmov v29;
	v38 =	vmul.f32 v16, v43;
	v34 =	vld.idx.msk [tilespmem:v5+s29+$0x0], $0xffff  }
0x1fe: {  	v17 =	vadd.f32 v17, v45;
	v29 =	vmul.f32 v24, v44;
	v27 =	vmul.f32 v32, v27;
	v18 =	vld.idx.msk [tilespmem:v4+s29+$0x0], $0xffff  }
0x1ff: {  	v42 =	vadd.f32 v14, v47;
	v43 =	vmul.f32 v15, v9;
	v41 =	vmul.f32 v23, v49;
	v32 =	vld.idx.msk [tilespmem:v3+s29+$0x0], $0xffff  }
0x200: {  	v11 =	vmul.f32 v28, v11;
	v44 =	vmul.f32 v20, v10;
	v15 =	vadd.f32 v27, v30;
	v14 =	vld.idx.msk [tilespmem:v2+s29+$0x0], $0xffff  }
0x201: {  	s10 =	sadd.s32 $0x80, s10;
	v13 =	vmul.f32 v22, v13;
	v28 =	vadd.f32 v43, v36;
	v27 =	vmul.f32 v26, v39;
	v20 =	vld.idx.msk [tilespmem:v0+s29+$0x0], $0xffff  }
0x202: {  	v12 =	vmul.f32 v19, v12;
	v9 =	vmov v21;
	v22 =	vadd.f32 v35, v31;
	v30 =	vld.idx.msk [tilespmem:v1+s29+$0x0], $0xffff;
	[tilespmem:s10+$0x30] =	vst v15  }
0x203: {  	v10 =	vmov v16;
	v15 =	vadd.f32 v37, v34;
	v19 =	vld.idx.msk [tilespmem:v6+s30+$0x0], $0xffff;
	[tilespmem:s9+$0xFFFFFFC0] =	vst v17;
	v17 =	vadd.f32 v44, v48  }
0x204: {  	v16 =	vmul.f32 v22, v8;
	v18 =	vadd.f32 v25, v18;
	v25 =	vadd.f32 v11, v33;
	v22 =	vld.idx.msk [tilespmem:v5+s30+$0x0], $0xffff  }
0x205: {  	v31 =	vmul.f32 v15, v7;
	v15 =	vadd.f32 v38, v32;
	v32 =	vadd.f32 v13, v40;
	v33 =	vld.idx.msk [tilespmem:v4+s30+$0x0], $0xffff  }
0x206: {  	v18 =	vmul.f32 v18, v9;
	v21 =	vadd.f32 v29, v14;
	v29 =	vadd.f32 v12, v46;
	v34 =	vld.idx.msk [tilespmem:v3+s30+$0x0], $0xffff  }
0x207: {  	v11 =	vmov v24;
	v35 =	vmul.f32 v15, v10;
	v36 =	vadd.f32 v41, v20;
	v14 =	vld.idx.msk [tilespmem:v2+s30+$0x0], $0xffff;
	[tilespmem:s9+$0xFFFFFFD0] =	vst v42  }
.Ltmp3:
0x208: {  	v13 =	vmov v23;
	v20 =	vmul.f32 v21, v11;
	v24 =	vadd.f32 v27, v30;
	v15 =	vld.idx.msk [tilespmem:v0+s30+$0x0], $0xffff;
	[tilespmem:s9+$0xFFFFFFE0] =	vst v28;
	(pc) =	sbr.rel @p0 .LBB2_8-.Ltmp3, $4  }
0x209: {  	v12 =	vmov v26;
	v19 =	vadd.f32 v16, v19;
	v21 =	vmul.f32 v36, v13;
	v16 =	vld.idx.msk [tilespmem:v1+s30+$0x0], $0xffff;
	[tilespmem:s9+$0xFFFFFFF0] =	vst v17  }
0x20a: {  	v23 =	vadd.f32 v31, v22;
	v24 =	vmul.f32 v24, v12;
	v17 =	vld.idx.msk [tilespmem:v6+s31+$0x0], $0xffff;
	[tilespmem:s9+$0x0] =	vst v25  }
0x20b: {  	v22 =	vmul.f32 v19, v8;
	v26 =	vadd.f32 v18, v33;
	v19 =	vld.idx.msk [tilespmem:v5+s31+$0x0], $0xffff;
	[tilespmem:s9+$0x10] =	vst v32  }
0x20c: {  	s12 =	sadd.s32 $0x80, s12;
	v23 =	vmul.f32 v23, v7;
	v25 =	vadd.f32 v35, v34;
	v18 =	vld.idx.msk [tilespmem:v4+s31+$0x0], $0xffff;
	[tilespmem:s9+$0x20] =	vst v29;
	s9 =	smov.u32 s10  }
0x20d: {  	_ =	sdelay $0x3  }
0x20e: {  	v27 =	vld.idx.msk [tilespmem:v3+s31+$0x0], $0xffff  }
0x20f: {  	v28 =	vld.idx.msk [tilespmem:v2+s31+$0x0], $0xffff  }
0x210: {  	v29 =	vld.idx.msk [tilespmem:v0+s31+$0x0], $0xffff  }
0x211: {  	v30 =	vld.idx.msk [tilespmem:v1+s31+$0x0], $0xffff  }
0x212: {  	v31 =	vld.idx.msk [tilespmem:v6+s0+$0x0], $0xffff  }
0x213: {  	v32 =	vld.idx.msk [tilespmem:v5+s0+$0x0], $0xffff  }
0x214: {  	v14 =	vadd.f32 v20, v14;
	v20 =	vld.idx.msk [tilespmem:v4+s0+$0x0], $0xffff  }
0x215: {  	v26 =	vmul.f32 v26, v9;
	v15 =	vadd.f32 v21, v15;
	v21 =	vld.idx.msk [tilespmem:v3+s0+$0x0], $0xffff;
	v16 =	vadd.f32 v24, v16  }
0x216: {  	v6 =	vld.idx.msk [tilespmem:v6+s2+$0x0], $0xffff;
	v24 =	vmul.f32 v25, v10;
	v14 =	vmul.f32 v14, v11;
	v17 =	vadd.f32 v22, v17  }
0x217: {  	v5 =	vld.idx.msk [tilespmem:v5+s2+$0x0], $0xffff;
	v15 =	vmul.f32 v15, v13;
	v19 =	vadd.f32 v23, v19;
	v16 =	vmul.f32 v16, v12  }
0x218: {  	v4 =	vld.idx.msk [tilespmem:v4+s2+$0x0], $0xffff;
	v17 =	vmul.f32 v17, v8;
	v18 =	vadd.f32 v26, v18;
	v24 =	vadd.f32 v24, v27  }
0x219: {  	v22 =	vld.idx.msk [tilespmem:v2+s0+$0x0], $0xffff;
	v19 =	vmul.f32 v19, v7;
	v14 =	vadd.f32 v14, v28;
	v15 =	vadd.f32 v15, v29  }
0x21a: {  	v23 =	vld.idx.msk [tilespmem:v0+s0+$0x0], $0xffff;
	v16 =	vadd.f32 v16, v30;
	v18 =	vmul.f32 v18, v9;
	v17 =	vadd.f32 v17, v31  }
0x21b: {  	v25 =	vld.idx.msk [tilespmem:v1+s0+$0x0], $0xffff;
	v24 =	vmul.f32 v24, v10;
	v14 =	vmul.f32 v14, v11;
	v19 =	vadd.f32 v19, v32  }
0x21c: {  	v3 =	vld.idx.msk [tilespmem:v3+s2+$0x0], $0xffff;
	v15 =	vmul.f32 v15, v13;
	v18 =	vadd.f32 v18, v20;
	v8 =	vmul.f32 v17, v8  }
0x21d: {  	v2 =	vld.idx.msk [tilespmem:v2+s2+$0x0], $0xffff;
	v16 =	vmul.f32 v16, v12;
	v17 =	vadd.f32 v24, v21;
	v7 =	vmul.f32 v19, v7  }
0x21e: {  	v0 =	vld.idx.msk [tilespmem:v0+s2+$0x0], $0xffff;
	v14 =	vadd.f32 v14, v22;
	v6 =	vadd.f32 v8, v6;
	v8 =	vmul.f32 v18, v9  }
0x21f: {  	v1 =	vld.idx.msk [tilespmem:v1+s2+$0x0], $0xffff;
	v9 =	vadd.f32 v15, v23;
	v5 =	vadd.f32 v7, v5;
	v7 =	vmul.f32 v17, v10  }
0x220: {  	v10 =	vadd.f32 v16, v25;
	v11 =	vmul.f32 v14, v11;
	v4 =	vadd.f32 v8, v4;
	[tilespmem:s9+$0xFFFFFFC0] =	vst v6  }
0x221: {  	v6 =	vmul.f32 v9, v13;
	v3 =	vadd.f32 v7, v3;
	[tilespmem:s9+$0xFFFFFFD0] =	vst v5  }
0x222: {  	v5 =	vmul.f32 v10, v12;
	v2 =	vadd.f32 v11, v2;
	[tilespmem:s9+$0xFFFFFFE0] =	vst v4  }
0x223: {  	v0 =	vadd.f32 v6, v0;
	[tilespmem:s9+$0xFFFFFFF0] =	vst v3  }
0x224: {  	v1 =	vadd.f32 v5, v1;
	[tilespmem:s9+$0x0] =	vst v2  }
0x225: {  	[tilespmem:s9+$0x10] =	vst v0  }
0x226: {  	[tilespmem:s9+$0x20] =	vst v1  }
0x227: {  	s9 =	rddreg [dreg:$0xc]  }
0x228: {  	[hbm4b:s9+s1] =	stream.linear.scatter [tilespmem:s3], [sflag:$0x3], $0x4000, $0x38;
	[tilespmem:$0x13F80] =	vst v63  }
0x229: {  	s12 =	rddreg [dreg:$0xd]  }
0x22a: {  	[tilespmem:s22], [sflag:$0x1] =	stream.linear.gather [hbm4b:s12+s1], $0x4000, $0x38;
	[tilespmem:$0x13F80] =	vst v63  }
0x22b: {  	_ =	swait.ge [sflag:s4], $0x4000  }
0x22c: {  	[sflag:s4] =	ssyncset.done $0x0  }
0x22d: {  	[sflag:s4] =	ssyncadd.s32 $0xFFFFC000  }
0x22e: {  	_ =	swait.ge [sflag:s7], $0x4000  }
0x22f: {  	[sflag:s7] =	ssyncset.done $0x0  }
0x230: {  	s13 =	simm.s32 $0x7FC0;
	[sflag:s7] =	ssyncadd.s32 $0xFFFFC000  }
0x231: {  	v0 =	vld [tilespmem:s13+$0x30]  }
0x232: {  	v1 =	vld [tilespmem:s13+$0xFFFFFFD0]  }
0x233: {  	v2 =	vld [tilespmem:s13+$0xFFFFFFE0]  }
0x234: {  	v3 =	vld [tilespmem:s13+$0xFFFFFFF0]  }
0x235: {  	v4 =	vld [tilespmem:s13+$0x0]  }
0x236: {  	v5 =	vld [tilespmem:s13+$0x10];
	v0 =	vmul.f32 $4.000000000e+00, v0  }
0x237: {  	v6 =	vld [tilespmem:s13+$0x20]  }
0x238: {  	v1 =	vmul.f32 $4.000000000e+00, v1;
	v0 =	vadd.f32 $1.600000000e+01, v0  }
0x239: {  	v7 =	vld [tilespmem:s13+$0xFFFFFFC0];
	v2 =	vmul.f32 $4.000000000e+00, v2;
	v3 =	vmul.f32 $4.000000000e+00, v3  }
0x23a: {  	v9 =	vadd.f32 $1.600000000e+01, v1;
	v1 =	vmul.f32 $4.000000000e+00, v4;
	v4 =	vtrunc.f32 v0  }
0x23b: {  	v10 =	vadd.f32 $1.600000000e+01, v2;
	v4 =	vcvt.f32.s32 v4  }
0x23c: {  	v2 =	vmul.f32 $4.000000000e+00, v5;
	v11 =	vadd.f32 $1.600000000e+01, v3;
	v5 =	vmul.f32 $4.000000000e+00, v6  }
0x23d: {  	v3 =	vtrunc.f32 v9;
	v12 =	vadd.f32 $1.600000000e+01, v1;
	vm0 =	vgt.s32 v4, $0x0  }
0x23e: {  	v1 =	vmul.f32 $4.000000000e+00, v7;
	v13 =	vadd.f32 $1.600000000e+01, v2;
	v4 =	vnsel vm0, $0x0, v4  }
0x23f: {  	v2 =	vtrunc.f32 v10;
	v14 =	vadd.f32 $1.600000000e+01, v5;
	v8 =	vmin.u32 v4, $0x1F  }
0x240: {  	v3 =	vcvt.f32.s32 v3;
	v2 =	vcvt.f32.s32 v2;
	v7 =	vadd.f32 $1.600000000e+01, v1  }
0x241: {  	v1 =	vtrunc.f32 v11;
	v5 =	vtrunc.f32 v13  }
0x242: {  	v15 =	vtrunc.f32 v14;
	v6 =	vtrunc.f32 v7  }
0x243: {  	v1 =	vcvt.f32.s32 v1;
	vm1 =	vgt.s32 v3, $0x0;
	v6 =	vcvt.f32.s32 v6  }
0x244: {  	v17 =	vcvt.f32.s32 v5;
	vm2 =	vgt.s32 v2, $0x0;
	v3 =	vnsel vm1, $0x0, v3;
	v18 =	vld.idx.msk [tilespmem:v8+s28+$0x0], $0xffff  }
0x245: {  	v4 =	vtrunc.f32 v12;
	v19 =	vcvt.s32.f32 v8;
	vm11 =	vgt.s32 v6, $0x0  }
0x246: {  	v5 =	vmin.u32 v3, $0x1F;
	v16 =	vcvt.f32.s32 v4;
	v4 =	vnsel vm11, $0x0, v6;
	v20 =	vld.idx.msk [tilespmem:v8+s29+$0x0], $0xffff  }
0x247: {  	v2 =	vnsel vm2, $0x0, v2;
	v19 =	vsub.f32 v0, v19;
	v6 =	vmin.u32 v4, $0x1F  }
0x248: {  	vm12 =	vgt.s32 v1, $0x0;
	vm13 =	vgt.s32 v16, $0x0;
	v4 =	vmin.u32 v2, $0x1F;
	v21 =	vld.idx.msk [tilespmem:v8+s30+$0x0], $0xffff  }
0x249: {  	v0 =	vnsel vm12, $0x0, v1;
	v1 =	vnsel vm13, $0x0, v16;
	v22 =	vld.idx.msk [tilespmem:v8+s0+$0x0], $0xffff;
	v16 =	vmul.f32 v19, v18  }
0x24a: {  	v15 =	vcvt.f32.s32 v15;
	v3 =	vmin.u32 v0, $0x1F;
	v25 =	vld.idx.msk [tilespmem:v8+s2+$0x0], $0xffff  }
0x24b: {  	vm14 =	vgt.s32 v17, $0x0;
	v54 =	vld.idx.msk [tilespmem:v5+s29+$0x0], $0xffff;
	v16 =	vadd.f32 v16, v20  }
0x24c: {  	vm15 =	vgt.s32 v15, $0x0;
	v0 =	vnsel vm14, $0x0, v17;
	v17 =	vld.idx.msk [tilespmem:v6+s28+$0x0], $0xffff  }
0x24d: {  	v2 =	vmin.u32 v1, $0x1F;
	v1 =	vnsel vm15, $0x0, v15;
	v15 =	vld.idx.msk [tilespmem:v4+s28+$0x0], $0xffff;
	v16 =	vmul.f32 v16, v19  }
0x24e: {  	v0 =	vmin.u32 v0, $0x1F;
	v18 =	vld.idx.msk [tilespmem:v8+s31+$0x0], $0xffff  }
0x24f: {  	v23 =	vld.idx.msk [tilespmem:v3+s28+$0x0], $0xffff;
	v16 =	vadd.f32 v16, v21  }
0x250: {  	v57 =	vld.idx.msk [tilespmem:v4+s29+$0x0], $0xffff  }
0x251: {  	v33 =	vld.idx.msk [tilespmem:v3+s29+$0x0], $0xffff;
	v16 =	vmul.f32 v16, v19  }
0x252: {  	v1 =	vmin.u32 v1, $0x1F;
	v62 =	vld.idx.msk [tilespmem:v3+s30+$0x0], $0xffff  }
0x253: {  	v27 =	vcvt.s32.f32 v5;
	v24 =	vld.idx.msk [tilespmem:v0+s28+$0x0], $0xffff;
	v8 =	vadd.f32 v16, v18;
	v18 =	vcvt.s32.f32 v6  }
0x254: {  	v55 =	vcvt.s32.f32 v4;
	v58 =	vcvt.s32.f32 v2;
	v20 =	vld.idx.msk [tilespmem:v5+s28+$0x0], $0xffff  }
0x255: {  	v21 =	vld.idx.msk [tilespmem:v2+s28+$0x0], $0xffff;
	v56 =	vmul.f32 v8, v19;
	v8 =	vsub.f32 v7, v18;
	v18 =	vcvt.s32.f32 v3  }
0x256: {  	v16 =	vld.idx.msk [tilespmem:v6+s29+$0x0], $0xffff;
	v7 =	vsub.f32 v9, v27;
	v27 =	vcvt.s32.f32 v0;
	v9 =	vsub.f32 v10, v55  }
0x257: {  	v60 =	vcvt.s32.f32 v1;
	v26 =	vld.idx.msk [tilespmem:v1+s28+$0x0], $0xffff;
	v22 =	vadd.f32 v56, v22;
	v10 =	vsub.f32 v11, v18  }
0x258: {  	v59 =	vld.idx.msk [tilespmem:v2+s29+$0x0], $0xffff;
	v11 =	vsub.f32 v12, v58;
	v17 =	vmul.f32 v8, v17;
	v13 =	vsub.f32 v13, v27  }
0x259: {  	v18 =	vld.idx.msk [tilespmem:v0+s29+$0x0], $0xffff;
	v12 =	vsub.f32 v14, v60;
	v14 =	vmul.f32 v7, v20;
	v15 =	vmul.f32 v9, v15  }
0x25a: {  	v20 =	vld.idx.msk [tilespmem:v6+s30+$0x0], $0xffff;
	v19 =	vmul.f32 v22, v19;
	v23 =	vmul.f32 v10, v23  }
0x25b: {  	v22 =	vld.idx.msk [tilespmem:v1+s29+$0x0], $0xffff;
	v16 =	vadd.f32 v17, v16;
	v21 =	vmul.f32 v11, v21;
	v24 =	vmul.f32 v13, v24  }
0x25c: {  	v17 =	vld.idx.msk [tilespmem:v5+s30+$0x0], $0xffff;
	v26 =	vmul.f32 v12, v26;
	v19 =	vadd.f32 v19, v25;
	v25 =	vadd.f32 v14, v54  }
0x25d: {  	v27 =	vld.idx.msk [tilespmem:v4+s30+$0x0], $0xffff;
	v61 =	vadd.f32 v15, v57;
	v23 =	vadd.f32 v23, v33;
	v16 =	vmul.f32 v16, v8  }
0x25e: {  	v15 =	vld.idx.msk [tilespmem:v0+s30+$0x0], $0xffff;
	v21 =	vadd.f32 v21, v59;
	v18 =	vadd.f32 v24, v18;
	v24 =	vmul.f32 v25, v7  }
0x25f: {  	v14 =	vld.idx.msk [tilespmem:v2+s30+$0x0], $0xffff;
	v25 =	vmul.f32 v61, v9;
	v63 =	vmul.f32 v23, v10  }
0x260: {  	s10 =	simm.s32 $0xFFC0;
	v23 =	vadd.f32 v16, v20;
	v16 =	vld.idx.msk [tilespmem:v1+s30+$0x0], $0xffff;
	v20 =	vmul.f32 v21, v11;
	v22 =	vadd.f32 v26, v22  }
0x261: {  	[tilespmem:s10+$0x30] =	vst v19;
	v19 =	vld.idx.msk [tilespmem:v5+s31+$0x0], $0xffff;
	v21 =	vmul.f32 v18, v13;
	v18 =	vadd.f32 v24, v17  }
0x262: {  	v17 =	vld.idx.msk [tilespmem:v6+s31+$0x0], $0xffff;
	v26 =	vadd.f32 v25, v27;
	v24 =	vmul.f32 v22, v12  }
0x263: {  	s11 =	simm.s32 $0x0;
	s9 =	simm.s32 $0xFFC0;
	s12 =	simm.s32 $0x8040;
	v25 =	vadd.f32 v63, v62;
	v22 =	vmul.f32 v23, v8;
	v23 =	vmul.f32 v18, v7;
	v18 =	vld.idx.msk [tilespmem:v4+s31+$0x0], $0xffff  }
.LBB2_10:
0x264: {  	v27 =	vld [tilespmem:s12+$0x30];
	s11 =	sadd.s32 $0x8, s11;
	v26 =	vmul.f32 v26, v9;
	v14 =	vadd.f32 v20, v14  }
0x265: {  	v15 =	vadd.f32 v21, v15;
	v20 =	vld [tilespmem:s12+$0xFFFFFFD0];
	p0 =	slt.u32 s11, $0x3F8;
	v25 =	vmul.f32 v25, v10  }
0x266: {  	v21 =	vld [tilespmem:s12+$0xFFFFFFE0];
	v28 =	vmul.f32 v14, v11;
	v14 =	vadd.f32 v24, v16  }
0x267: {  	v17 =	vadd.f32 v22, v17;
	v22 =	vmul.f32 v15, v13;
	v16 =	vld [tilespmem:s12+$0xFFFFFFF0]  }
0x268: {  	v15 =	vadd.f32 v23, v19;
	v24 =	vld [tilespmem:s12+$0x0];
	v19 =	vmul.f32 v14, v12  }
0x269: {  	v17 =	vmul.f32 v17, v8;
	v18 =	vadd.f32 v26, v18;
	v23 =	vld [tilespmem:s12+$0x10];
	v27 =	vmul.f32 $4.000000000e+00, v27  }
0x26a: {  	v14 =	vmul.f32 v15, v7;
	v20 =	vmul.f32 $4.000000000e+00, v20;
	v26 =	vld [tilespmem:s12+$0x20]  }
0x26b: {  	v15 =	vmul.f32 v18, v9;
	v29 =	vld [tilespmem:s12+$0xFFFFFFC0];
	v21 =	vmul.f32 $4.000000000e+00, v21;
	v27 =	vadd.f32 $1.600000000e+01, v27  }
0x26c: {  	v18 =	vadd.f32 $1.600000000e+01, v20;
	v16 =	vmul.f32 $4.000000000e+00, v16;
	v20 =	vld.idx.msk [tilespmem:v3+s31+$0x0], $0xffff  }
0x26d: {  	v21 =	vadd.f32 $1.600000000e+01, v21;
	v24 =	vmul.f32 $4.000000000e+00, v24;
	v30 =	vtrunc.f32 v27;
	v31 =	vld.idx.msk [tilespmem:v2+s31+$0x0], $0xffff  }
0x26e: {  	v16 =	vadd.f32 $1.600000000e+01, v16;
	v23 =	vmul.f32 $4.000000000e+00, v23;
	v30 =	vcvt.f32.s32 v30;
	v32 =	vld.idx.msk [tilespmem:v0+s31+$0x0], $0xffff  }
0x26f: {  	v33 =	vtrunc.f32 v18;
	v24 =	vadd.f32 $1.600000000e+01, v24;
	v26 =	vmul.f32 $4.000000000e+00, v26;
	v34 =	vld.idx.msk [tilespmem:v1+s31+$0x0], $0xffff  }
0x270: {  	v29 =	vmul.f32 $4.000000000e+00, v29;
	v23 =	vadd.f32 $1.600000000e+01, v23;
	vm0 =	vgt.s32 v30, $0x0;
	v35 =	vld.idx.msk [tilespmem:v6+s0+$0x0], $0xffff  }
0x271: {  	v36 =	vtrunc.f32 v21;
	v26 =	vadd.f32 $1.600000000e+01, v26;
	v30 =	vnsel vm0, $0x0, v30;
	v37 =	vld.idx.msk [tilespmem:v5+s0+$0x0], $0xffff  }
0x272: {  	v38 =	vtrunc.f32 v16;
	v29 =	vadd.f32 $1.600000000e+01, v29;
	v30 =	vmin.u32 v30, $0x1F;
	v39 =	vld.idx.msk [tilespmem:v4+s0+$0x0], $0xffff  }
0x273: {  	v40 =	vtrunc.f32 v24;
	v20 =	vadd.f32 v25, v20;
	v41 =	vtrunc.f32 v23;
	v25 =	vld.idx.msk [tilespmem:v3+s0+$0x0], $0xffff  }
0x274: {  	v28 =	vadd.f32 v28, v31;
	v43 =	vtrunc.f32 v26;
	v42 =	vtrunc.f32 v29;
	v31 =	vld.idx.msk [tilespmem:v2+s0+$0x0], $0xffff  }
0x275: {  	v33 =	vcvt.f32.s32 v33;
	v22 =	vadd.f32 v22, v32;
	v42 =	vcvt.f32.s32 v42;
	v32 =	vld.idx.msk [tilespmem:v0+s0+$0x0], $0xffff  }
0x276: {  	v36 =	vcvt.f32.s32 v36;
	v38 =	vcvt.f32.s32 v38;
	v19 =	vadd.f32 v19, v34;
	v34 =	vld.idx.msk [tilespmem:v1+s0+$0x0], $0xffff  }
0x277: {  	v40 =	vcvt.f32.s32 v40;
	v41 =	vcvt.f32.s32 v41;
	vm0 =	vgt.s32 v42, $0x0;
	v44 =	vld.idx.msk [tilespmem:v30+s28+$0x0], $0xffff  }
0x278: {  	vm1 =	vgt.s32 v33, $0x0;
	vm2 =	vgt.s32 v36, $0x0;
	v43 =	vcvt.f32.s32 v43;
	v45 =	vld.idx.msk [tilespmem:v6+s2+$0x0], $0xffff  }
0x279: {  	vm3 =	vgt.s32 v38, $0x0;
	vm4 =	vgt.s32 v40, $0x0;
	v6 =	vcvt.s32.f32 v30;
	v46 =	vld.idx.msk [tilespmem:v30+s29+$0x0], $0xffff  }
0x27a: {  	vm5 =	vgt.s32 v43, $0x0;
	v42 =	vnsel vm0, $0x0, v42;
	vm0 =	vgt.s32 v41, $0x0;
	v47 =	vld.idx.msk [tilespmem:v5+s2+$0x0], $0xffff  }
0x27b: {  	v5 =	vnsel vm1, $0x0, v33;
	v33 =	vnsel vm2, $0x0, v36;
	v27 =	vsub.f32 v27, v6;
	v36 =	vld.idx.msk [tilespmem:v4+s2+$0x0], $0xffff  }
0x27c: {  	v38 =	vnsel vm3, $0x0, v38;
	v40 =	vnsel vm4, $0x0, v40;
	v41 =	vnsel vm0, $0x0, v41;
	v48 =	vld.idx.msk [tilespmem:v3+s2+$0x0], $0xffff  }
0x27d: {  	v6 =	vmin.u32 v42, $0x1F;
	v42 =	vnsel vm5, $0x0, v43;
	v43 =	vmul.f32 v27, v44;
	v44 =	vld.idx.msk [tilespmem:v30+s30+$0x0], $0xffff  }
0x27e: {  	v5 =	vmin.u32 v5, $0x1F;
	v4 =	vmin.u32 v33, $0x1F;
	v3 =	vmin.u32 v38, $0x1F;
	v33 =	vld.idx.msk [tilespmem:v2+s2+$0x0], $0xffff  }
0x27f: {  	v2 =	vmin.u32 v40, $0x1F;
	v38 =	vadd.f32 v43, v46;
	v40 =	vld.idx.msk [tilespmem:v0+s2+$0x0], $0xffff;
	v0 =	vmin.u32 v41, $0x1F  }
0x280: {  	v43 =	vcvt.s32.f32 v5;
	v41 =	vcvt.s32.f32 v6;
	v46 =	vld.idx.msk [tilespmem:v1+s2+$0x0], $0xffff;
	v1 =	vmin.u32 v42, $0x1F  }
0x281: {  	v17 =	vadd.f32 v17, v35;
	v42 =	vcvt.s32.f32 v4;
	v38 =	vmul.f32 v38, v27;
	v49 =	vld.idx.msk [tilespmem:v30+s31+$0x0], $0xffff  }
0x282: {  	v50 =	vcvt.s32.f32 v2;
	v29 =	vsub.f32 v29, v41;
	v41 =	vcvt.s32.f32 v3;
	v35 =	vld.idx.msk [tilespmem:v6+s28+$0x0], $0xffff  }
0x283: {  	v52 =	vcvt.s32.f32 v0;
	v53 =	vcvt.s32.f32 v1;
	v38 =	vadd.f32 v38, v44;
	v51 =	vld.idx.msk [tilespmem:v5+s28+$0x0], $0xffff  }
0x284: {  	v20 =	vmul.f32 v20, v10;
	v18 =	vsub.f32 v18, v43;
	v21 =	vsub.f32 v21, v42;
	v42 =	vld.idx.msk [tilespmem:v4+s28+$0x0], $0xffff  }
0x285: {  	v24 =	vsub.f32 v24, v50;
	v16 =	vsub.f32 v16, v41;
	v38 =	vmul.f32 v38, v27;
	v41 =	vld.idx.msk [tilespmem:v30+s0+$0x0], $0xffff  }
0x286: {  	v28 =	vmul.f32 v28, v11;
	v23 =	vsub.f32 v23, v52;
	v26 =	vsub.f32 v26, v53;
	v43 =	vld.idx.msk [tilespmem:v3+s28+$0x0], $0xffff  }
0x287: {  	v22 =	vmul.f32 v22, v13;
	v19 =	vmul.f32 v19, v12;
	v38 =	vadd.f32 v38, v49;
	v44 =	vld.idx.msk [tilespmem:v2+s28+$0x0], $0xffff  }
0x288: {  	v14 =	vadd.f32 v14, v37;
	v15 =	vadd.f32 v15, v39;
	v35 =	vmul.f32 v29, v35;
	v49 =	vld.idx.msk [tilespmem:v0+s28+$0x0], $0xffff  }
0x289: {  	v20 =	vadd.f32 v20, v25;
	v37 =	vmul.f32 v18, v51;
	v38 =	vmul.f32 v38, v27;
	v30 =	vld.idx.msk [tilespmem:v30+s2+$0x0], $0xffff  }
0x28a: {  	v28 =	vadd.f32 v28, v31;
	v22 =	vadd.f32 v22, v32;
	v25 =	vmul.f32 v21, v42;
	v39 =	vld.idx.msk [tilespmem:v1+s28+$0x0], $0xffff  }
0x28b: {  	v17 =	vmul.f32 v17, v8;
	v19 =	vadd.f32 v19, v34;
	v32 =	vadd.f32 v38, v41;
	v31 =	vld.idx.msk [tilespmem:v6+s29+$0x0], $0xffff  }
0x28c: {  	v14 =	vmul.f32 v14, v7;
	v7 =	vmovc v18;
	v8 =	vmov v29;
	v38 =	vmul.f32 v16, v43;
	v34 =	vld.idx.msk [tilespmem:v5+s29+$0x0], $0xffff  }
0x28d: {  	v17 =	vadd.f32 v17, v45;
	v29 =	vmul.f32 v24, v44;
	v27 =	vmul.f32 v32, v27;
	v18 =	vld.idx.msk [tilespmem:v4+s29+$0x0], $0xffff  }
0x28e: {  	v42 =	vadd.f32 v14, v47;
	v43 =	vmul.f32 v15, v9;
	v41 =	vmul.f32 v23, v49;
	v32 =	vld.idx.msk [tilespmem:v3+s29+$0x0], $0xffff  }
0x28f: {  	v11 =	vmul.f32 v28, v11;
	v44 =	vmul.f32 v20, v10;
	v15 =	vadd.f32 v27, v30;
	v14 =	vld.idx.msk [tilespmem:v2+s29+$0x0], $0xffff  }
0x290: {  	s10 =	sadd.s32 $0x80, s10;
	v13 =	vmul.f32 v22, v13;
	v28 =	vadd.f32 v43, v36;
	v27 =	vmul.f32 v26, v39;
	v20 =	vld.idx.msk [tilespmem:v0+s29+$0x0], $0xffff  }
0x291: {  	v12 =	vmul.f32 v19, v12;
	v9 =	vmov v21;
	v22 =	vadd.f32 v35, v31;
	v30 =	vld.idx.msk [tilespmem:v1+s29+$0x0], $0xffff;
	[tilespmem:s10+$0x30] =	vst v15  }
0x292: {  	v10 =	vmov v16;
	v15 =	vadd.f32 v37, v34;
	v19 =	vld.idx.msk [tilespmem:v6+s30+$0x0], $0xffff;
	[tilespmem:s9+$0xFFFFFFC0] =	vst v17;
	v17 =	vadd.f32 v44, v48  }
0x293: {  	v16 =	vmul.f32 v22, v8;
	v18 =	vadd.f32 v25, v18;
	v25 =	vadd.f32 v11, v33;
	v22 =	vld.idx.msk [tilespmem:v5+s30+$0x0], $0xffff  }
0x294: {  	v31 =	vmul.f32 v15, v7;
	v15 =	vadd.f32 v38, v32;
	v32 =	vadd.f32 v13, v40;
	v33 =	vld.idx.msk [tilespmem:v4+s30+$0x0], $0xffff  }
0x295: {  	v18 =	vmul.f32 v18, v9;
	v21 =	vadd.f32 v29, v14;
	v29 =	vadd.f32 v12, v46;
	v34 =	vld.idx.msk [tilespmem:v3+s30+$0x0], $0xffff  }
0x296: {  	v11 =	vmov v24;
	v35 =	vmul.f32 v15, v10;
	v36 =	vadd.f32 v41, v20;
	v14 =	vld.idx.msk [tilespmem:v2+s30+$0x0], $0xffff;
	[tilespmem:s9+$0xFFFFFFD0] =	vst v42  }
.Ltmp4:
0x297: {  	v13 =	vmov v23;
	v20 =	vmul.f32 v21, v11;
	v24 =	vadd.f32 v27, v30;
	v15 =	vld.idx.msk [tilespmem:v0+s30+$0x0], $0xffff;
	[tilespmem:s9+$0xFFFFFFE0] =	vst v28;
	(pc) =	sbr.rel @p0 .LBB2_10-.Ltmp4, $4  }
0x298: {  	v12 =	vmov v26;
	v19 =	vadd.f32 v16, v19;
	v21 =	vmul.f32 v36, v13;
	v16 =	vld.idx.msk [tilespmem:v1+s30+$0x0], $0xffff;
	[tilespmem:s9+$0xFFFFFFF0] =	vst v17  }
0x299: {  	v23 =	vadd.f32 v31, v22;
	v24 =	vmul.f32 v24, v12;
	v17 =	vld.idx.msk [tilespmem:v6+s31+$0x0], $0xffff;
	[tilespmem:s9+$0x0] =	vst v25  }
0x29a: {  	v22 =	vmul.f32 v19, v8;
	v26 =	vadd.f32 v18, v33;
	v19 =	vld.idx.msk [tilespmem:v5+s31+$0x0], $0xffff;
	[tilespmem:s9+$0x10] =	vst v32  }
0x29b: {  	s12 =	sadd.s32 $0x80, s12;
	v23 =	vmul.f32 v23, v7;
	v25 =	vadd.f32 v35, v34;
	v18 =	vld.idx.msk [tilespmem:v4+s31+$0x0], $0xffff;
	[tilespmem:s9+$0x20] =	vst v29;
	s9 =	smov.u32 s10  }
0x29c: {  	_ =	sdelay $0x3  }
0x29d: {  	v27 =	vld.idx.msk [tilespmem:v3+s31+$0x0], $0xffff  }
0x29e: {  	v28 =	vld.idx.msk [tilespmem:v2+s31+$0x0], $0xffff  }
0x29f: {  	v29 =	vld.idx.msk [tilespmem:v0+s31+$0x0], $0xffff  }
0x2a0: {  	v30 =	vld.idx.msk [tilespmem:v1+s31+$0x0], $0xffff  }
0x2a1: {  	v31 =	vld.idx.msk [tilespmem:v6+s0+$0x0], $0xffff  }
0x2a2: {  	v32 =	vld.idx.msk [tilespmem:v5+s0+$0x0], $0xffff  }
0x2a3: {  	v14 =	vadd.f32 v20, v14;
	v20 =	vld.idx.msk [tilespmem:v4+s0+$0x0], $0xffff  }
0x2a4: {  	v26 =	vmul.f32 v26, v9;
	v15 =	vadd.f32 v21, v15;
	v21 =	vld.idx.msk [tilespmem:v3+s0+$0x0], $0xffff;
	v16 =	vadd.f32 v24, v16  }
0x2a5: {  	v6 =	vld.idx.msk [tilespmem:v6+s2+$0x0], $0xffff;
	v24 =	vmul.f32 v25, v10;
	v14 =	vmul.f32 v14, v11;
	v17 =	vadd.f32 v22, v17  }
0x2a6: {  	v5 =	vld.idx.msk [tilespmem:v5+s2+$0x0], $0xffff;
	v15 =	vmul.f32 v15, v13;
	v19 =	vadd.f32 v23, v19;
	v16 =	vmul.f32 v16, v12  }
0x2a7: {  	v4 =	vld.idx.msk [tilespmem:v4+s2+$0x0], $0xffff;
	v17 =	vmul.f32 v17, v8;
	v18 =	vadd.f32 v26, v18;
	v24 =	vadd.f32 v24, v27  }
0x2a8: {  	v22 =	vld.idx.msk [tilespmem:v2+s0+$0x0], $0xffff;
	v19 =	vmul.f32 v19, v7;
	v14 =	vadd.f32 v14, v28;
	v15 =	vadd.f32 v15, v29  }
0x2a9: {  	v23 =	vld.idx.msk [tilespmem:v0+s0+$0x0], $0xffff;
	v16 =	vadd.f32 v16, v30;
	v18 =	vmul.f32 v18, v9;
	v17 =	vadd.f32 v17, v31  }
0x2aa: {  	v25 =	vld.idx.msk [tilespmem:v1+s0+$0x0], $0xffff;
	v24 =	vmul.f32 v24, v10;
	v14 =	vmul.f32 v14, v11;
	v19 =	vadd.f32 v19, v32  }
0x2ab: {  	v3 =	vld.idx.msk [tilespmem:v3+s2+$0x0], $0xffff;
	v15 =	vmul.f32 v15, v13;
	v18 =	vadd.f32 v18, v20;
	v8 =	vmul.f32 v17, v8  }
0x2ac: {  	v2 =	vld.idx.msk [tilespmem:v2+s2+$0x0], $0xffff;
	v16 =	vmul.f32 v16, v12;
	v17 =	vadd.f32 v24, v21;
	v7 =	vmul.f32 v19, v7  }
0x2ad: {  	v0 =	vld.idx.msk [tilespmem:v0+s2+$0x0], $0xffff;
	v14 =	vadd.f32 v14, v22;
	v6 =	vadd.f32 v8, v6;
	v8 =	vmul.f32 v18, v9  }
0x2ae: {  	v1 =	vld.idx.msk [tilespmem:v1+s2+$0x0], $0xffff;
	v9 =	vadd.f32 v15, v23;
	v5 =	vadd.f32 v7, v5;
	v7 =	vmul.f32 v17, v10  }
0x2af: {  	v10 =	vadd.f32 v16, v25;
	v11 =	vmul.f32 v14, v11;
	v4 =	vadd.f32 v8, v4;
	[tilespmem:s9+$0xFFFFFFC0] =	vst v6  }
0x2b0: {  	v6 =	vmul.f32 v9, v13;
	v3 =	vadd.f32 v7, v3;
	[tilespmem:s9+$0xFFFFFFD0] =	vst v5  }
0x2b1: {  	v5 =	vmul.f32 v10, v12;
	v2 =	vadd.f32 v11, v2;
	[tilespmem:s9+$0xFFFFFFE0] =	vst v4  }
0x2b2: {  	v0 =	vadd.f32 v6, v0;
	[tilespmem:s9+$0xFFFFFFF0] =	vst v3  }
0x2b3: {  	v1 =	vadd.f32 v5, v1;
	[tilespmem:s9+$0x0] =	vst v2  }
0x2b4: {  	[tilespmem:s9+$0x10] =	vst v0  }
0x2b5: {  	[tilespmem:s9+$0x20] =	vst v1  }
0x2b6: {  	s9 =	rddreg [dreg:$0xe]  }
0x2b7: {  	[hbm4b:s9+s1] =	stream.linear.scatter [tilespmem:s5], [sflag:$0x4], $0x4000, $0x38;
	[tilespmem:$0x13F80] =	vst v63  }
0x2b8: {  	_ = 	snop  }
0x2b9: {  	[tilespmem:s23], [sflag:$0x2] =	stream.linear.gather [hbm4b:s14+s1], $0x4000, $0x38;
	[tilespmem:$0x13F80] =	vst v63  }
0x2ba: {  	_ =	swait.ge [sflag:s26], $0x4000  }
0x2bb: {  	[sflag:s26] =	ssyncset.done $0x0  }
0x2bc: {  	[sflag:s26] =	ssyncadd.s32 $0xFFFFC000  }
0x2bd: {  	_ =	swait.ge [sflag:s6], $0x4000  }
0x2be: {  	[sflag:s6] =	ssyncset.done $0x0  }
0x2bf: {  	s13 =	simm.s32 $0x3FC0;
	[sflag:s6] =	ssyncadd.s32 $0xFFFFC000  }
0x2c0: {  	v0 =	vld [tilespmem:s13+$0x30]  }
0x2c1: {  	v1 =	vld [tilespmem:s13+$0xFFFFFFD0]  }
0x2c2: {  	v2 =	vld [tilespmem:s13+$0xFFFFFFE0]  }
0x2c3: {  	v3 =	vld [tilespmem:s13+$0xFFFFFFF0]  }
0x2c4: {  	v4 =	vld [tilespmem:s13+$0x0]  }
0x2c5: {  	v5 =	vld [tilespmem:s13+$0x10];
	v0 =	vmul.f32 $4.000000000e+00, v0  }
0x2c6: {  	v6 =	vld [tilespmem:s13+$0x20]  }
0x2c7: {  	v1 =	vmul.f32 $4.000000000e+00, v1;
	v0 =	vadd.f32 $1.600000000e+01, v0  }
0x2c8: {  	v7 =	vld [tilespmem:s13+$0xFFFFFFC0];
	v2 =	vmul.f32 $4.000000000e+00, v2;
	v3 =	vmul.f32 $4.000000000e+00, v3  }
0x2c9: {  	v9 =	vadd.f32 $1.600000000e+01, v1;
	v1 =	vmul.f32 $4.000000000e+00, v4;
	v4 =	vtrunc.f32 v0  }
0x2ca: {  	v10 =	vadd.f32 $1.600000000e+01, v2;
	v4 =	vcvt.f32.s32 v4  }
0x2cb: {  	v2 =	vmul.f32 $4.000000000e+00, v5;
	v11 =	vadd.f32 $1.600000000e+01, v3;
	v5 =	vmul.f32 $4.000000000e+00, v6  }
0x2cc: {  	v3 =	vtrunc.f32 v9;
	v12 =	vadd.f32 $1.600000000e+01, v1;
	vm0 =	vgt.s32 v4, $0x0  }
0x2cd: {  	v1 =	vmul.f32 $4.000000000e+00, v7;
	v13 =	vadd.f32 $1.600000000e+01, v2;
	v4 =	vnsel vm0, $0x0, v4  }
0x2ce: {  	v2 =	vtrunc.f32 v10;
	v14 =	vadd.f32 $1.600000000e+01, v5;
	v8 =	vmin.u32 v4, $0x1F  }
0x2cf: {  	v3 =	vcvt.f32.s32 v3;
	v2 =	vcvt.f32.s32 v2;
	v7 =	vadd.f32 $1.600000000e+01, v1  }
0x2d0: {  	v1 =	vtrunc.f32 v11;
	v5 =	vtrunc.f32 v13  }
0x2d1: {  	v15 =	vtrunc.f32 v14;
	v6 =	vtrunc.f32 v7  }
0x2d2: {  	v1 =	vcvt.f32.s32 v1;
	vm1 =	vgt.s32 v3, $0x0;
	v6 =	vcvt.f32.s32 v6  }
0x2d3: {  	v17 =	vcvt.f32.s32 v5;
	vm2 =	vgt.s32 v2, $0x0;
	v3 =	vnsel vm1, $0x0, v3;
	v18 =	vld.idx.msk [tilespmem:v8+s28+$0x0], $0xffff  }
0x2d4: {  	v4 =	vtrunc.f32 v12;
	v19 =	vcvt.s32.f32 v8;
	vm11 =	vgt.s32 v6, $0x0  }
0x2d5: {  	v5 =	vmin.u32 v3, $0x1F;
	v16 =	vcvt.f32.s32 v4;
	v4 =	vnsel vm11, $0x0, v6;
	v20 =	vld.idx.msk [tilespmem:v8+s29+$0x0], $0xffff  }
0x2d6: {  	v2 =	vnsel vm2, $0x0, v2;
	v19 =	vsub.f32 v0, v19;
	v6 =	vmin.u32 v4, $0x1F  }
0x2d7: {  	vm12 =	vgt.s32 v1, $0x0;
	vm13 =	vgt.s32 v16, $0x0;
	v4 =	vmin.u32 v2, $0x1F;
	v21 =	vld.idx.msk [tilespmem:v8+s30+$0x0], $0xffff  }
0x2d8: {  	v0 =	vnsel vm12, $0x0, v1;
	v1 =	vnsel vm13, $0x0, v16;
	v22 =	vld.idx.msk [tilespmem:v8+s0+$0x0], $0xffff;
	v16 =	vmul.f32 v19, v18  }
0x2d9: {  	v15 =	vcvt.f32.s32 v15;
	v3 =	vmin.u32 v0, $0x1F;
	v25 =	vld.idx.msk [tilespmem:v8+s2+$0x0], $0xffff  }
0x2da: {  	vm14 =	vgt.s32 v17, $0x0;
	v54 =	vld.idx.msk [tilespmem:v5+s29+$0x0], $0xffff;
	v16 =	vadd.f32 v16, v20  }
0x2db: {  	vm15 =	vgt.s32 v15, $0x0;
	v0 =	vnsel vm14, $0x0, v17;
	v17 =	vld.idx.msk [tilespmem:v6+s28+$0x0], $0xffff  }
0x2dc: {  	v2 =	vmin.u32 v1, $0x1F;
	v1 =	vnsel vm15, $0x0, v15;
	v15 =	vld.idx.msk [tilespmem:v4+s28+$0x0], $0xffff;
	v16 =	vmul.f32 v16, v19  }
0x2dd: {  	v0 =	vmin.u32 v0, $0x1F;
	v18 =	vld.idx.msk [tilespmem:v8+s31+$0x0], $0xffff  }
0x2de: {  	v23 =	vld.idx.msk [tilespmem:v3+s28+$0x0], $0xffff;
	v16 =	vadd.f32 v16, v21  }
0x2df: {  	v57 =	vld.idx.msk [tilespmem:v4+s29+$0x0], $0xffff  }
0x2e0: {  	v33 =	vld.idx.msk [tilespmem:v3+s29+$0x0], $0xffff;
	v16 =	vmul.f32 v16, v19  }
0x2e1: {  	v1 =	vmin.u32 v1, $0x1F;
	v62 =	vld.idx.msk [tilespmem:v3+s30+$0x0], $0xffff  }
0x2e2: {  	v27 =	vcvt.s32.f32 v5;
	v24 =	vld.idx.msk [tilespmem:v0+s28+$0x0], $0xffff;
	v8 =	vadd.f32 v16, v18;
	v18 =	vcvt.s32.f32 v6  }
0x2e3: {  	v55 =	vcvt.s32.f32 v4;
	v58 =	vcvt.s32.f32 v2;
	v20 =	vld.idx.msk [tilespmem:v5+s28+$0x0], $0xffff  }
0x2e4: {  	v21 =	vld.idx.msk [tilespmem:v2+s28+$0x0], $0xffff;
	v56 =	vmul.f32 v8, v19;
	v8 =	vsub.f32 v7, v18;
	v18 =	vcvt.s32.f32 v3  }
0x2e5: {  	v16 =	vld.idx.msk [tilespmem:v6+s29+$0x0], $0xffff;
	v7 =	vsub.f32 v9, v27;
	v27 =	vcvt.s32.f32 v0;
	v9 =	vsub.f32 v10, v55  }
0x2e6: {  	v60 =	vcvt.s32.f32 v1;
	v26 =	vld.idx.msk [tilespmem:v1+s28+$0x0], $0xffff;
	v22 =	vadd.f32 v56, v22;
	v10 =	vsub.f32 v11, v18  }
0x2e7: {  	v59 =	vld.idx.msk [tilespmem:v2+s29+$0x0], $0xffff;
	v11 =	vsub.f32 v12, v58;
	v17 =	vmul.f32 v8, v17;
	v13 =	vsub.f32 v13, v27  }
0x2e8: {  	v18 =	vld.idx.msk [tilespmem:v0+s29+$0x0], $0xffff;
	v12 =	vsub.f32 v14, v60;
	v14 =	vmul.f32 v7, v20;
	v15 =	vmul.f32 v9, v15  }
0x2e9: {  	v20 =	vld.idx.msk [tilespmem:v6+s30+$0x0], $0xffff;
	v19 =	vmul.f32 v22, v19;
	v23 =	vmul.f32 v10, v23  }
0x2ea: {  	v22 =	vld.idx.msk [tilespmem:v1+s29+$0x0], $0xffff;
	v16 =	vadd.f32 v17, v16;
	v21 =	vmul.f32 v11, v21;
	v24 =	vmul.f32 v13, v24  }
0x2eb: {  	v17 =	vld.idx.msk [tilespmem:v5+s30+$0x0], $0xffff;
	v26 =	vmul.f32 v12, v26;
	v19 =	vadd.f32 v19, v25;
	v25 =	vadd.f32 v14, v54  }
0x2ec: {  	v27 =	vld.idx.msk [tilespmem:v4+s30+$0x0], $0xffff;
	v61 =	vadd.f32 v15, v57;
	v23 =	vadd.f32 v23, v33;
	v16 =	vmul.f32 v16, v8  }
0x2ed: {  	v15 =	vld.idx.msk [tilespmem:v0+s30+$0x0], $0xffff;
	v21 =	vadd.f32 v21, v59;
	v18 =	vadd.f32 v24, v18;
	v24 =	vmul.f32 v25, v7  }
0x2ee: {  	v14 =	vld.idx.msk [tilespmem:v2+s30+$0x0], $0xffff;
	v25 =	vmul.f32 v61, v9;
	v63 =	vmul.f32 v23, v10  }
0x2ef: {  	s10 =	simm.s32 $0xBFC0;
	v23 =	vadd.f32 v16, v20;
	v16 =	vld.idx.msk [tilespmem:v1+s30+$0x0], $0xffff;
	v20 =	vmul.f32 v21, v11;
	v22 =	vadd.f32 v26, v22  }
0x2f0: {  	[tilespmem:s10+$0x30] =	vst v19;
	v19 =	vld.idx.msk [tilespmem:v5+s31+$0x0], $0xffff;
	v21 =	vmul.f32 v18, v13;
	v18 =	vadd.f32 v24, v17  }
0x2f1: {  	v17 =	vld.idx.msk [tilespmem:v6+s31+$0x0], $0xffff;
	v26 =	vadd.f32 v25, v27;
	v24 =	vmul.f32 v22, v12  }
0x2f2: {  	s11 =	simm.s32 $0x0;
	s12 =	simm.s32 $0x4040;
	s9 =	simm.s32 $0xBFC0;
	v25 =	vadd.f32 v63, v62;
	v22 =	vmul.f32 v23, v8;
	v23 =	vmul.f32 v18, v7;
	v18 =	vld.idx.msk [tilespmem:v4+s31+$0x0], $0xffff  }
.LBB2_12:
0x2f3: {  	v27 =	vld [tilespmem:s12+$0x30];
	s11 =	sadd.s32 $0x8, s11;
	v26 =	vmul.f32 v26, v9;
	v14 =	vadd.f32 v20, v14  }
0x2f4: {  	v15 =	vadd.f32 v21, v15;
	v20 =	vld [tilespmem:s12+$0xFFFFFFD0];
	p0 =	slt.u32 s11, $0x3F8;
	v25 =	vmul.f32 v25, v10  }
0x2f5: {  	v21 =	vld [tilespmem:s12+$0xFFFFFFE0];
	v28 =	vmul.f32 v14, v11;
	v14 =	vadd.f32 v24, v16  }
0x2f6: {  	v17 =	vadd.f32 v22, v17;
	v22 =	vmul.f32 v15, v13;
	v16 =	vld [tilespmem:s12+$0xFFFFFFF0]  }
0x2f7: {  	v15 =	vadd.f32 v23, v19;
	v24 =	vld [tilespmem:s12+$0x0];
	v19 =	vmul.f32 v14, v12  }
0x2f8: {  	v17 =	vmul.f32 v17, v8;
	v18 =	vadd.f32 v26, v18;
	v23 =	vld [tilespmem:s12+$0x10];
	v27 =	vmul.f32 $4.000000000e+00, v27  }
0x2f9: {  	v14 =	vmul.f32 v15, v7;
	v20 =	vmul.f32 $4.000000000e+00, v20;
	v26 =	vld [tilespmem:s12+$0x20]  }
0x2fa: {  	v15 =	vmul.f32 v18, v9;
	v29 =	vld [tilespmem:s12+$0xFFFFFFC0];
	v21 =	vmul.f32 $4.000000000e+00, v21;
	v27 =	vadd.f32 $1.600000000e+01, v27  }
0x2fb: {  	v18 =	vadd.f32 $1.600000000e+01, v20;
	v16 =	vmul.f32 $4.000000000e+00, v16;
	v20 =	vld.idx.msk [tilespmem:v3+s31+$0x0], $0xffff  }
0x2fc: {  	v21 =	vadd.f32 $1.600000000e+01, v21;
	v24 =	vmul.f32 $4.000000000e+00, v24;
	v30 =	vtrunc.f32 v27;
	v31 =	vld.idx.msk [tilespmem:v2+s31+$0x0], $0xffff  }
0x2fd: {  	v16 =	vadd.f32 $1.600000000e+01, v16;
	v23 =	vmul.f32 $4.000000000e+00, v23;
	v30 =	vcvt.f32.s32 v30;
	v32 =	vld.idx.msk [tilespmem:v0+s31+$0x0], $0xffff  }
0x2fe: {  	v33 =	vtrunc.f32 v18;
	v24 =	vadd.f32 $1.600000000e+01, v24;
	v26 =	vmul.f32 $4.000000000e+00, v26;
	v34 =	vld.idx.msk [tilespmem:v1+s31+$0x0], $0xffff  }
0x2ff: {  	v29 =	vmul.f32 $4.000000000e+00, v29;
	v23 =	vadd.f32 $1.600000000e+01, v23;
	vm0 =	vgt.s32 v30, $0x0;
	v35 =	vld.idx.msk [tilespmem:v6+s0+$0x0], $0xffff  }
0x300: {  	v36 =	vtrunc.f32 v21;
	v26 =	vadd.f32 $1.600000000e+01, v26;
	v30 =	vnsel vm0, $0x0, v30;
	v37 =	vld.idx.msk [tilespmem:v5+s0+$0x0], $0xffff  }
0x301: {  	v38 =	vtrunc.f32 v16;
	v29 =	vadd.f32 $1.600000000e+01, v29;
	v30 =	vmin.u32 v30, $0x1F;
	v39 =	vld.idx.msk [tilespmem:v4+s0+$0x0], $0xffff  }
0x302: {  	v40 =	vtrunc.f32 v24;
	v20 =	vadd.f32 v25, v20;
	v41 =	vtrunc.f32 v23;
	v25 =	vld.idx.msk [tilespmem:v3+s0+$0x0], $0xffff  }
0x303: {  	v28 =	vadd.f32 v28, v31;
	v43 =	vtrunc.f32 v26;
	v42 =	vtrunc.f32 v29;
	v31 =	vld.idx.msk [tilespmem:v2+s0+$0x0], $0xffff  }
0x304: {  	v33 =	vcvt.f32.s32 v33;
	v22 =	vadd.f32 v22, v32;
	v42 =	vcvt.f32.s32 v42;
	v32 =	vld.idx.msk [tilespmem:v0+s0+$0x0], $0xffff  }
0x305: {  	v36 =	vcvt.f32.s32 v36;
	v38 =	vcvt.f32.s32 v38;
	v19 =	vadd.f32 v19, v34;
	v34 =	vld.idx.msk [tilespmem:v1+s0+$0x0], $0xffff  }
0x306: {  	v40 =	vcvt.f32.s32 v40;
	v41 =	vcvt.f32.s32 v41;
	vm0 =	vgt.s32 v42, $0x0;
	v44 =	vld.idx.msk [tilespmem:v30+s28+$0x0], $0xffff  }
0x307: {  	vm1 =	vgt.s32 v33, $0x0;
	vm2 =	vgt.s32 v36, $0x0;
	v43 =	vcvt.f32.s32 v43;
	v45 =	vld.idx.msk [tilespmem:v6+s2+$0x0], $0xffff  }
0x308: {  	vm3 =	vgt.s32 v38, $0x0;
	vm4 =	vgt.s32 v40, $0x0;
	v6 =	vcvt.s32.f32 v30;
	v46 =	vld.idx.msk [tilespmem:v30+s29+$0x0], $0xffff  }
0x309: {  	vm5 =	vgt.s32 v43, $0x0;
	v42 =	vnsel vm0, $0x0, v42;
	vm0 =	vgt.s32 v41, $0x0;
	v47 =	vld.idx.msk [tilespmem:v5+s2+$0x0], $0xffff  }
0x30a: {  	v5 =	vnsel vm1, $0x0, v33;
	v33 =	vnsel vm2, $0x0, v36;
	v27 =	vsub.f32 v27, v6;
	v36 =	vld.idx.msk [tilespmem:v4+s2+$0x0], $0xffff  }
0x30b: {  	v38 =	vnsel vm3, $0x0, v38;
	v40 =	vnsel vm4, $0x0, v40;
	v41 =	vnsel vm0, $0x0, v41;
	v48 =	vld.idx.msk [tilespmem:v3+s2+$0x0], $0xffff  }
0x30c: {  	v6 =	vmin.u32 v42, $0x1F;
	v42 =	vnsel vm5, $0x0, v43;
	v43 =	vmul.f32 v27, v44;
	v44 =	vld.idx.msk [tilespmem:v30+s30+$0x0], $0xffff  }
0x30d: {  	v5 =	vmin.u32 v5, $0x1F;
	v4 =	vmin.u32 v33, $0x1F;
	v3 =	vmin.u32 v38, $0x1F;
	v33 =	vld.idx.msk [tilespmem:v2+s2+$0x0], $0xffff  }
0x30e: {  	v2 =	vmin.u32 v40, $0x1F;
	v38 =	vadd.f32 v43, v46;
	v40 =	vld.idx.msk [tilespmem:v0+s2+$0x0], $0xffff;
	v0 =	vmin.u32 v41, $0x1F  }
0x30f: {  	v43 =	vcvt.s32.f32 v5;
	v41 =	vcvt.s32.f32 v6;
	v46 =	vld.idx.msk [tilespmem:v1+s2+$0x0], $0xffff;
	v1 =	vmin.u32 v42, $0x1F  }
0x310: {  	v17 =	vadd.f32 v17, v35;
	v42 =	vcvt.s32.f32 v4;
	v38 =	vmul.f32 v38, v27;
	v49 =	vld.idx.msk [tilespmem:v30+s31+$0x0], $0xffff  }
0x311: {  	v50 =	vcvt.s32.f32 v2;
	v29 =	vsub.f32 v29, v41;
	v41 =	vcvt.s32.f32 v3;
	v35 =	vld.idx.msk [tilespmem:v6+s28+$0x0], $0xffff  }
0x312: {  	v52 =	vcvt.s32.f32 v0;
	v53 =	vcvt.s32.f32 v1;
	v38 =	vadd.f32 v38, v44;
	v51 =	vld.idx.msk [tilespmem:v5+s28+$0x0], $0xffff  }
0x313: {  	v20 =	vmul.f32 v20, v10;
	v18 =	vsub.f32 v18, v43;
	v21 =	vsub.f32 v21, v42;
	v42 =	vld.idx.msk [tilespmem:v4+s28+$0x0], $0xffff  }
0x314: {  	v24 =	vsub.f32 v24, v50;
	v16 =	vsub.f32 v16, v41;
	v38 =	vmul.f32 v38, v27;
	v41 =	vld.idx.msk [tilespmem:v30+s0+$0x0], $0xffff  }
0x315: {  	v28 =	vmul.f32 v28, v11;
	v23 =	vsub.f32 v23, v52;
	v26 =	vsub.f32 v26, v53;
	v43 =	vld.idx.msk [tilespmem:v3+s28+$0x0], $0xffff  }
0x316: {  	v22 =	vmul.f32 v22, v13;
	v19 =	vmul.f32 v19, v12;
	v38 =	vadd.f32 v38, v49;
	v44 =	vld.idx.msk [tilespmem:v2+s28+$0x0], $0xffff  }
0x317: {  	v14 =	vadd.f32 v14, v37;
	v15 =	vadd.f32 v15, v39;
	v35 =	vmul.f32 v29, v35;
	v49 =	vld.idx.msk [tilespmem:v0+s28+$0x0], $0xffff  }
0x318: {  	v20 =	vadd.f32 v20, v25;
	v37 =	vmul.f32 v18, v51;
	v38 =	vmul.f32 v38, v27;
	v30 =	vld.idx.msk [tilespmem:v30+s2+$0x0], $0xffff  }
0x319: {  	v28 =	vadd.f32 v28, v31;
	v22 =	vadd.f32 v22, v32;
	v25 =	vmul.f32 v21, v42;
	v39 =	vld.idx.msk [tilespmem:v1+s28+$0x0], $0xffff  }
0x31a: {  	v17 =	vmul.f32 v17, v8;
	v19 =	vadd.f32 v19, v34;
	v32 =	vadd.f32 v38, v41;
	v31 =	vld.idx.msk [tilespmem:v6+s29+$0x0], $0xffff  }
0x31b: {  	v14 =	vmul.f32 v14, v7;
	v7 =	vmovc v18;
	v8 =	vmov v29;
	v38 =	vmul.f32 v16, v43;
	v34 =	vld.idx.msk [tilespmem:v5+s29+$0x0], $0xffff  }
0x31c: {  	v17 =	vadd.f32 v17, v45;
	v29 =	vmul.f32 v24, v44;
	v27 =	vmul.f32 v32, v27;
	v18 =	vld.idx.msk [tilespmem:v4+s29+$0x0], $0xffff  }
0x31d: {  	v42 =	vadd.f32 v14, v47;
	v43 =	vmul.f32 v15, v9;
	v41 =	vmul.f32 v23, v49;
	v32 =	vld.idx.msk [tilespmem:v3+s29+$0x0], $0xffff  }
0x31e: {  	v11 =	vmul.f32 v28, v11;
	v44 =	vmul.f32 v20, v10;
	v15 =	vadd.f32 v27, v30;
	v14 =	vld.idx.msk [tilespmem:v2+s29+$0x0], $0xffff  }
0x31f: {  	s10 =	sadd.s32 $0x80, s10;
	v13 =	vmul.f32 v22, v13;
	v28 =	vadd.f32 v43, v36;
	v27 =	vmul.f32 v26, v39;
	v20 =	vld.idx.msk [tilespmem:v0+s29+$0x0], $0xffff  }
0x320: {  	v12 =	vmul.f32 v19, v12;
	v9 =	vmov v21;
	v22 =	vadd.f32 v35, v31;
	v30 =	vld.idx.msk [tilespmem:v1+s29+$0x0], $0xffff;
	[tilespmem:s10+$0x30] =	vst v15  }
0x321: {  	v10 =	vmov v16;
	v15 =	vadd.f32 v37, v34;
	v19 =	vld.idx.msk [tilespmem:v6+s30+$0x0], $0xffff;
	[tilespmem:s9+$0xFFFFFFC0] =	vst v17;
	v17 =	vadd.f32 v44, v48  }
0x322: {  	v16 =	vmul.f32 v22, v8;
	v18 =	vadd.f32 v25, v18;
	v25 =	vadd.f32 v11, v33;
	v22 =	vld.idx.msk [tilespmem:v5+s30+$0x0], $0xffff  }
0x323: {  	v31 =	vmul.f32 v15, v7;
	v15 =	vadd.f32 v38, v32;
	v32 =	vadd.f32 v13, v40;
	v33 =	vld.idx.msk [tilespmem:v4+s30+$0x0], $0xffff  }
0x324: {  	v18 =	vmul.f32 v18, v9;
	v21 =	vadd.f32 v29, v14;
	v29 =	vadd.f32 v12, v46;
	v34 =	vld.idx.msk [tilespmem:v3+s30+$0x0], $0xffff  }
0x325: {  	v11 =	vmov v24;
	v35 =	vmul.f32 v15, v10;
	v36 =	vadd.f32 v41, v20;
	v14 =	vld.idx.msk [tilespmem:v2+s30+$0x0], $0xffff;
	[tilespmem:s9+$0xFFFFFFD0] =	vst v42  }
.Ltmp5:
0x326: {  	v13 =	vmov v23;
	v20 =	vmul.f32 v21, v11;
	v24 =	vadd.f32 v27, v30;
	v15 =	vld.idx.msk [tilespmem:v0+s30+$0x0], $0xffff;
	[tilespmem:s9+$0xFFFFFFE0] =	vst v28;
	(pc) =	sbr.rel @p0 .LBB2_12-.Ltmp5, $4  }
0x327: {  	v12 =	vmov v26;
	v19 =	vadd.f32 v16, v19;
	v21 =	vmul.f32 v36, v13;
	v16 =	vld.idx.msk [tilespmem:v1+s30+$0x0], $0xffff;
	[tilespmem:s9+$0xFFFFFFF0] =	vst v17  }
0x328: {  	v23 =	vadd.f32 v31, v22;
	v24 =	vmul.f32 v24, v12;
	v17 =	vld.idx.msk [tilespmem:v6+s31+$0x0], $0xffff;
	[tilespmem:s9+$0x0] =	vst v25  }
0x329: {  	v22 =	vmul.f32 v19, v8;
	v26 =	vadd.f32 v18, v33;
	v19 =	vld.idx.msk [tilespmem:v5+s31+$0x0], $0xffff;
	[tilespmem:s9+$0x10] =	vst v32  }
0x32a: {  	s12 =	sadd.s32 $0x80, s12;
	v23 =	vmul.f32 v23, v7;
	v25 =	vadd.f32 v35, v34;
	v18 =	vld.idx.msk [tilespmem:v4+s31+$0x0], $0xffff;
	[tilespmem:s9+$0x20] =	vst v29;
	s9 =	smov.u32 s10  }
0x32b: {  	_ =	sdelay $0x3  }
0x32c: {  	v27 =	vld.idx.msk [tilespmem:v3+s31+$0x0], $0xffff  }
0x32d: {  	v28 =	vld.idx.msk [tilespmem:v2+s31+$0x0], $0xffff  }
0x32e: {  	v29 =	vld.idx.msk [tilespmem:v0+s31+$0x0], $0xffff  }
0x32f: {  	v30 =	vld.idx.msk [tilespmem:v1+s31+$0x0], $0xffff  }
0x330: {  	v31 =	vld.idx.msk [tilespmem:v6+s0+$0x0], $0xffff  }
0x331: {  	v32 =	vld.idx.msk [tilespmem:v5+s0+$0x0], $0xffff  }
0x332: {  	v14 =	vadd.f32 v20, v14;
	v20 =	vld.idx.msk [tilespmem:v4+s0+$0x0], $0xffff  }
0x333: {  	v26 =	vmul.f32 v26, v9;
	v15 =	vadd.f32 v21, v15;
	v21 =	vld.idx.msk [tilespmem:v3+s0+$0x0], $0xffff;
	v16 =	vadd.f32 v24, v16  }
0x334: {  	v6 =	vld.idx.msk [tilespmem:v6+s2+$0x0], $0xffff;
	v24 =	vmul.f32 v25, v10;
	v14 =	vmul.f32 v14, v11;
	v17 =	vadd.f32 v22, v17  }
0x335: {  	v5 =	vld.idx.msk [tilespmem:v5+s2+$0x0], $0xffff;
	v15 =	vmul.f32 v15, v13;
	v19 =	vadd.f32 v23, v19;
	v16 =	vmul.f32 v16, v12  }
0x336: {  	v4 =	vld.idx.msk [tilespmem:v4+s2+$0x0], $0xffff;
	v17 =	vmul.f32 v17, v8;
	v18 =	vadd.f32 v26, v18;
	v24 =	vadd.f32 v24, v27  }
0x337: {  	v22 =	vld.idx.msk [tilespmem:v2+s0+$0x0], $0xffff;
	v19 =	vmul.f32 v19, v7;
	v14 =	vadd.f32 v14, v28;
	v15 =	vadd.f32 v15, v29  }
0x338: {  	v23 =	vld.idx.msk [tilespmem:v0+s0+$0x0], $0xffff;
	v16 =	vadd.f32 v16, v30;
	v18 =	vmul.f32 v18, v9;
	v17 =	vadd.f32 v17, v31  }
0x339: {  	v25 =	vld.idx.msk [tilespmem:v1+s0+$0x0], $0xffff;
	v24 =	vmul.f32 v24, v10;
	v14 =	vmul.f32 v14, v11;
	v19 =	vadd.f32 v19, v32  }
0x33a: {  	v3 =	vld.idx.msk [tilespmem:v3+s2+$0x0], $0xffff;
	v15 =	vmul.f32 v15, v13;
	v18 =	vadd.f32 v18, v20;
	v8 =	vmul.f32 v17, v8  }
0x33b: {  	v2 =	vld.idx.msk [tilespmem:v2+s2+$0x0], $0xffff;
	v16 =	vmul.f32 v16, v12;
	v17 =	vadd.f32 v24, v21;
	v7 =	vmul.f32 v19, v7  }
0x33c: {  	v0 =	vld.idx.msk [tilespmem:v0+s2+$0x0], $0xffff;
	v14 =	vadd.f32 v14, v22;
	v6 =	vadd.f32 v8, v6;
	v8 =	vmul.f32 v18, v9  }
0x33d: {  	v1 =	vld.idx.msk [tilespmem:v1+s2+$0x0], $0xffff;
	v9 =	vadd.f32 v15, v23;
	v5 =	vadd.f32 v7, v5;
	v7 =	vmul.f32 v17, v10  }
0x33e: {  	v10 =	vadd.f32 v16, v25;
	v11 =	vmul.f32 v14, v11;
	v4 =	vadd.f32 v8, v4;
	[tilespmem:s9+$0xFFFFFFC0] =	vst v6  }
0x33f: {  	v6 =	vmul.f32 v9, v13;
	v3 =	vadd.f32 v7, v3;
	[tilespmem:s9+$0xFFFFFFD0] =	vst v5  }
0x340: {  	v5 =	vmul.f32 v10, v12;
	v2 =	vadd.f32 v11, v2;
	[tilespmem:s9+$0xFFFFFFE0] =	vst v4  }
0x341: {  	v0 =	vadd.f32 v6, v0;
	[tilespmem:s9+$0xFFFFFFF0] =	vst v3  }
0x342: {  	v1 =	vadd.f32 v5, v1;
	[tilespmem:s9+$0x0] =	vst v2  }
0x343: {  	[tilespmem:s9+$0x10] =	vst v0  }
0x344: {  	[tilespmem:s9+$0x20] =	vst v1  }
0x345: {  	[hbm4b:s15+s1] =	stream.linear.scatter [tilespmem:s3], [sflag:$0x3], $0x4000, $0x38;
	[tilespmem:$0x13F80] =	vst v63  }
0x346: {  	_ = 	snop  }
0x347: {  	[tilespmem:s22], [sflag:$0x1] =	stream.linear.gather [hbm4b:s16+s1], $0x4000, $0x38;
	[tilespmem:$0x13F80] =	vst v63  }
0x348: {  	_ =	swait.ge [sflag:s4], $0x4000  }
0x349: {  	[sflag:s4] =	ssyncset.done $0x0  }
0x34a: {  	[sflag:s4] =	ssyncadd.s32 $0xFFFFC000  }
0x34b: {  	_ =	swait.ge [sflag:s7], $0x4000  }
0x34c: {  	[sflag:s7] =	ssyncset.done $0x0  }
0x34d: {  	s13 =	simm.s32 $0x7FC0;
	[sflag:s7] =	ssyncadd.s32 $0xFFFFC000  }
0x34e: {  	v0 =	vld [tilespmem:s13+$0x30]  }
0x34f: {  	v1 =	vld [tilespmem:s13+$0xFFFFFFD0]  }
0x350: {  	v2 =	vld [tilespmem:s13+$0xFFFFFFE0]  }
0x351: {  	v3 =	vld [tilespmem:s13+$0xFFFFFFF0]  }
0x352: {  	v4 =	vld [tilespmem:s13+$0x0]  }
0x353: {  	v5 =	vld [tilespmem:s13+$0x10];
	v0 =	vmul.f32 $4.000000000e+00, v0  }
0x354: {  	v6 =	vld [tilespmem:s13+$0x20]  }
0x355: {  	v1 =	vmul.f32 $4.000000000e+00, v1;
	v0 =	vadd.f32 $1.600000000e+01, v0  }
0x356: {  	v7 =	vld [tilespmem:s13+$0xFFFFFFC0];
	v2 =	vmul.f32 $4.000000000e+00, v2;
	v3 =	vmul.f32 $4.000000000e+00, v3  }
0x357: {  	v9 =	vadd.f32 $1.600000000e+01, v1;
	v1 =	vmul.f32 $4.000000000e+00, v4;
	v4 =	vtrunc.f32 v0  }
0x358: {  	v10 =	vadd.f32 $1.600000000e+01, v2;
	v4 =	vcvt.f32.s32 v4  }
0x359: {  	v2 =	vmul.f32 $4.000000000e+00, v5;
	v11 =	vadd.f32 $1.600000000e+01, v3;
	v5 =	vmul.f32 $4.000000000e+00, v6  }
0x35a: {  	v3 =	vtrunc.f32 v9;
	v12 =	vadd.f32 $1.600000000e+01, v1;
	vm0 =	vgt.s32 v4, $0x0  }
0x35b: {  	v1 =	vmul.f32 $4.000000000e+00, v7;
	v13 =	vadd.f32 $1.600000000e+01, v2;
	v4 =	vnsel vm0, $0x0, v4  }
0x35c: {  	v2 =	vtrunc.f32 v10;
	v14 =	vadd.f32 $1.600000000e+01, v5;
	v8 =	vmin.u32 v4, $0x1F  }
0x35d: {  	v3 =	vcvt.f32.s32 v3;
	v2 =	vcvt.f32.s32 v2;
	v7 =	vadd.f32 $1.600000000e+01, v1  }
0x35e: {  	v1 =	vtrunc.f32 v11;
	v5 =	vtrunc.f32 v13  }
0x35f: {  	v15 =	vtrunc.f32 v14;
	v6 =	vtrunc.f32 v7  }
0x360: {  	v1 =	vcvt.f32.s32 v1;
	vm1 =	vgt.s32 v3, $0x0;
	v6 =	vcvt.f32.s32 v6  }
0x361: {  	v17 =	vcvt.f32.s32 v5;
	vm2 =	vgt.s32 v2, $0x0;
	v3 =	vnsel vm1, $0x0, v3;
	v18 =	vld.idx.msk [tilespmem:v8+s28+$0x0], $0xffff  }
0x362: {  	v4 =	vtrunc.f32 v12;
	v19 =	vcvt.s32.f32 v8;
	vm11 =	vgt.s32 v6, $0x0  }
0x363: {  	v5 =	vmin.u32 v3, $0x1F;
	v16 =	vcvt.f32.s32 v4;
	v4 =	vnsel vm11, $0x0, v6;
	v20 =	vld.idx.msk [tilespmem:v8+s29+$0x0], $0xffff  }
0x364: {  	v2 =	vnsel vm2, $0x0, v2;
	v19 =	vsub.f32 v0, v19;
	v6 =	vmin.u32 v4, $0x1F  }
0x365: {  	vm12 =	vgt.s32 v1, $0x0;
	vm13 =	vgt.s32 v16, $0x0;
	v4 =	vmin.u32 v2, $0x1F;
	v21 =	vld.idx.msk [tilespmem:v8+s30+$0x0], $0xffff  }
0x366: {  	v0 =	vnsel vm12, $0x0, v1;
	v1 =	vnsel vm13, $0x0, v16;
	v22 =	vld.idx.msk [tilespmem:v8+s0+$0x0], $0xffff;
	v16 =	vmul.f32 v19, v18  }
0x367: {  	v15 =	vcvt.f32.s32 v15;
	v3 =	vmin.u32 v0, $0x1F;
	v25 =	vld.idx.msk [tilespmem:v8+s2+$0x0], $0xffff  }
0x368: {  	vm14 =	vgt.s32 v17, $0x0;
	v54 =	vld.idx.msk [tilespmem:v5+s29+$0x0], $0xffff;
	v16 =	vadd.f32 v16, v20  }
0x369: {  	vm15 =	vgt.s32 v15, $0x0;
	v0 =	vnsel vm14, $0x0, v17;
	v17 =	vld.idx.msk [tilespmem:v6+s28+$0x0], $0xffff  }
0x36a: {  	v2 =	vmin.u32 v1, $0x1F;
	v1 =	vnsel vm15, $0x0, v15;
	v15 =	vld.idx.msk [tilespmem:v4+s28+$0x0], $0xffff;
	v16 =	vmul.f32 v16, v19  }
0x36b: {  	v0 =	vmin.u32 v0, $0x1F;
	v18 =	vld.idx.msk [tilespmem:v8+s31+$0x0], $0xffff  }
0x36c: {  	v23 =	vld.idx.msk [tilespmem:v3+s28+$0x0], $0xffff;
	v16 =	vadd.f32 v16, v21  }
0x36d: {  	v57 =	vld.idx.msk [tilespmem:v4+s29+$0x0], $0xffff  }
0x36e: {  	v33 =	vld.idx.msk [tilespmem:v3+s29+$0x0], $0xffff;
	v16 =	vmul.f32 v16, v19  }
0x36f: {  	v1 =	vmin.u32 v1, $0x1F;
	v62 =	vld.idx.msk [tilespmem:v3+s30+$0x0], $0xffff  }
0x370: {  	v27 =	vcvt.s32.f32 v5;
	v24 =	vld.idx.msk [tilespmem:v0+s28+$0x0], $0xffff;
	v8 =	vadd.f32 v16, v18;
	v18 =	vcvt.s32.f32 v6  }
0x371: {  	v55 =	vcvt.s32.f32 v4;
	v58 =	vcvt.s32.f32 v2;
	v20 =	vld.idx.msk [tilespmem:v5+s28+$0x0], $0xffff  }
0x372: {  	v21 =	vld.idx.msk [tilespmem:v2+s28+$0x0], $0xffff;
	v56 =	vmul.f32 v8, v19;
	v8 =	vsub.f32 v7, v18;
	v18 =	vcvt.s32.f32 v3  }
0x373: {  	v16 =	vld.idx.msk [tilespmem:v6+s29+$0x0], $0xffff;
	v7 =	vsub.f32 v9, v27;
	v27 =	vcvt.s32.f32 v0;
	v9 =	vsub.f32 v10, v55  }
0x374: {  	v60 =	vcvt.s32.f32 v1;
	v26 =	vld.idx.msk [tilespmem:v1+s28+$0x0], $0xffff;
	v22 =	vadd.f32 v56, v22;
	v10 =	vsub.f32 v11, v18  }
0x375: {  	v59 =	vld.idx.msk [tilespmem:v2+s29+$0x0], $0xffff;
	v11 =	vsub.f32 v12, v58;
	v17 =	vmul.f32 v8, v17;
	v13 =	vsub.f32 v13, v27  }
0x376: {  	v18 =	vld.idx.msk [tilespmem:v0+s29+$0x0], $0xffff;
	v12 =	vsub.f32 v14, v60;
	v14 =	vmul.f32 v7, v20;
	v15 =	vmul.f32 v9, v15  }
0x377: {  	v20 =	vld.idx.msk [tilespmem:v6+s30+$0x0], $0xffff;
	v19 =	vmul.f32 v22, v19;
	v23 =	vmul.f32 v10, v23  }
0x378: {  	v22 =	vld.idx.msk [tilespmem:v1+s29+$0x0], $0xffff;
	v16 =	vadd.f32 v17, v16;
	v21 =	vmul.f32 v11, v21;
	v24 =	vmul.f32 v13, v24  }
0x379: {  	v17 =	vld.idx.msk [tilespmem:v5+s30+$0x0], $0xffff;
	v26 =	vmul.f32 v12, v26;
	v19 =	vadd.f32 v19, v25;
	v25 =	vadd.f32 v14, v54  }
0x37a: {  	v27 =	vld.idx.msk [tilespmem:v4+s30+$0x0], $0xffff;
	v61 =	vadd.f32 v15, v57;
	v23 =	vadd.f32 v23, v33;
	v16 =	vmul.f32 v16, v8  }
0x37b: {  	v15 =	vld.idx.msk [tilespmem:v0+s30+$0x0], $0xffff;
	v21 =	vadd.f32 v21, v59;
	v18 =	vadd.f32 v24, v18;
	v24 =	vmul.f32 v25, v7  }
0x37c: {  	v14 =	vld.idx.msk [tilespmem:v2+s30+$0x0], $0xffff;
	v25 =	vmul.f32 v61, v9;
	v63 =	vmul.f32 v23, v10  }
0x37d: {  	s10 =	simm.s32 $0xFFC0;
	v23 =	vadd.f32 v16, v20;
	v16 =	vld.idx.msk [tilespmem:v1+s30+$0x0], $0xffff;
	v20 =	vmul.f32 v21, v11;
	v22 =	vadd.f32 v26, v22  }
0x37e: {  	[tilespmem:s10+$0x30] =	vst v19;
	v19 =	vld.idx.msk [tilespmem:v5+s31+$0x0], $0xffff;
	v21 =	vmul.f32 v18, v13;
	v18 =	vadd.f32 v24, v17  }
0x37f: {  	v17 =	vld.idx.msk [tilespmem:v6+s31+$0x0], $0xffff;
	v26 =	vadd.f32 v25, v27;
	v24 =	vmul.f32 v22, v12  }
0x380: {  	s11 =	simm.s32 $0x0;
	s12 =	simm.s32 $0x8040;
	s9 =	simm.s32 $0xFFC0;
	v25 =	vadd.f32 v63, v62;
	v22 =	vmul.f32 v23, v8;
	v23 =	vmul.f32 v18, v7;
	v18 =	vld.idx.msk [tilespmem:v4+s31+$0x0], $0xffff  }
.LBB2_14:
0x381: {  	v27 =	vld [tilespmem:s12+$0x30];
	s11 =	sadd.s32 $0x8, s11;
	v26 =	vmul.f32 v26, v9;
	v14 =	vadd.f32 v20, v14  }
0x382: {  	v15 =	vadd.f32 v21, v15;
	v20 =	vld [tilespmem:s12+$0xFFFFFFD0];
	p0 =	slt.u32 s11, $0x3F8;
	v25 =	vmul.f32 v25, v10  }
0x383: {  	v21 =	vld [tilespmem:s12+$0xFFFFFFE0];
	v28 =	vmul.f32 v14, v11;
	v14 =	vadd.f32 v24, v16  }
0x384: {  	v17 =	vadd.f32 v22, v17;
	v22 =	vmul.f32 v15, v13;
	v16 =	vld [tilespmem:s12+$0xFFFFFFF0]  }
0x385: {  	v15 =	vadd.f32 v23, v19;
	v24 =	vld [tilespmem:s12+$0x0];
	v19 =	vmul.f32 v14, v12  }
0x386: {  	v17 =	vmul.f32 v17, v8;
	v18 =	vadd.f32 v26, v18;
	v23 =	vld [tilespmem:s12+$0x10];
	v27 =	vmul.f32 $4.000000000e+00, v27  }
0x387: {  	v14 =	vmul.f32 v15, v7;
	v20 =	vmul.f32 $4.000000000e+00, v20;
	v26 =	vld [tilespmem:s12+$0x20]  }
0x388: {  	v15 =	vmul.f32 v18, v9;
	v29 =	vld [tilespmem:s12+$0xFFFFFFC0];
	v21 =	vmul.f32 $4.000000000e+00, v21;
	v27 =	vadd.f32 $1.600000000e+01, v27  }
0x389: {  	v18 =	vadd.f32 $1.600000000e+01, v20;
	v16 =	vmul.f32 $4.000000000e+00, v16;
	v20 =	vld.idx.msk [tilespmem:v3+s31+$0x0], $0xffff  }
0x38a: {  	v21 =	vadd.f32 $1.600000000e+01, v21;
	v24 =	vmul.f32 $4.000000000e+00, v24;
	v30 =	vtrunc.f32 v27;
	v31 =	vld.idx.msk [tilespmem:v2+s31+$0x0], $0xffff  }
0x38b: {  	v16 =	vadd.f32 $1.600000000e+01, v16;
	v23 =	vmul.f32 $4.000000000e+00, v23;
	v30 =	vcvt.f32.s32 v30;
	v32 =	vld.idx.msk [tilespmem:v0+s31+$0x0], $0xffff  }
0x38c: {  	v33 =	vtrunc.f32 v18;
	v24 =	vadd.f32 $1.600000000e+01, v24;
	v26 =	vmul.f32 $4.000000000e+00, v26;
	v34 =	vld.idx.msk [tilespmem:v1+s31+$0x0], $0xffff  }
0x38d: {  	v29 =	vmul.f32 $4.000000000e+00, v29;
	v23 =	vadd.f32 $1.600000000e+01, v23;
	vm0 =	vgt.s32 v30, $0x0;
	v35 =	vld.idx.msk [tilespmem:v6+s0+$0x0], $0xffff  }
0x38e: {  	v36 =	vtrunc.f32 v21;
	v26 =	vadd.f32 $1.600000000e+01, v26;
	v30 =	vnsel vm0, $0x0, v30;
	v37 =	vld.idx.msk [tilespmem:v5+s0+$0x0], $0xffff  }
0x38f: {  	v38 =	vtrunc.f32 v16;
	v29 =	vadd.f32 $1.600000000e+01, v29;
	v30 =	vmin.u32 v30, $0x1F;
	v39 =	vld.idx.msk [tilespmem:v4+s0+$0x0], $0xffff  }
0x390: {  	v40 =	vtrunc.f32 v24;
	v20 =	vadd.f32 v25, v20;
	v41 =	vtrunc.f32 v23;
	v25 =	vld.idx.msk [tilespmem:v3+s0+$0x0], $0xffff  }
0x391: {  	v28 =	vadd.f32 v28, v31;
	v43 =	vtrunc.f32 v26;
	v42 =	vtrunc.f32 v29;
	v31 =	vld.idx.msk [tilespmem:v2+s0+$0x0], $0xffff  }
0x392: {  	v33 =	vcvt.f32.s32 v33;
	v22 =	vadd.f32 v22, v32;
	v42 =	vcvt.f32.s32 v42;
	v32 =	vld.idx.msk [tilespmem:v0+s0+$0x0], $0xffff  }
0x393: {  	v36 =	vcvt.f32.s32 v36;
	v38 =	vcvt.f32.s32 v38;
	v19 =	vadd.f32 v19, v34;
	v34 =	vld.idx.msk [tilespmem:v1+s0+$0x0], $0xffff  }
0x394: {  	v40 =	vcvt.f32.s32 v40;
	v41 =	vcvt.f32.s32 v41;
	vm0 =	vgt.s32 v42, $0x0;
	v44 =	vld.idx.msk [tilespmem:v30+s28+$0x0], $0xffff  }
0x395: {  	vm1 =	vgt.s32 v33, $0x0;
	vm2 =	vgt.s32 v36, $0x0;
	v43 =	vcvt.f32.s32 v43;
	v45 =	vld.idx.msk [tilespmem:v6+s2+$0x0], $0xffff  }
0x396: {  	vm3 =	vgt.s32 v38, $0x0;
	vm4 =	vgt.s32 v40, $0x0;
	v6 =	vcvt.s32.f32 v30;
	v46 =	vld.idx.msk [tilespmem:v30+s29+$0x0], $0xffff  }
0x397: {  	vm5 =	vgt.s32 v43, $0x0;
	v42 =	vnsel vm0, $0x0, v42;
	vm0 =	vgt.s32 v41, $0x0;
	v47 =	vld.idx.msk [tilespmem:v5+s2+$0x0], $0xffff  }
0x398: {  	v5 =	vnsel vm1, $0x0, v33;
	v33 =	vnsel vm2, $0x0, v36;
	v27 =	vsub.f32 v27, v6;
	v36 =	vld.idx.msk [tilespmem:v4+s2+$0x0], $0xffff  }
0x399: {  	v38 =	vnsel vm3, $0x0, v38;
	v40 =	vnsel vm4, $0x0, v40;
	v41 =	vnsel vm0, $0x0, v41;
	v48 =	vld.idx.msk [tilespmem:v3+s2+$0x0], $0xffff  }
0x39a: {  	v6 =	vmin.u32 v42, $0x1F;
	v42 =	vnsel vm5, $0x0, v43;
	v43 =	vmul.f32 v27, v44;
	v44 =	vld.idx.msk [tilespmem:v30+s30+$0x0], $0xffff  }
0x39b: {  	v5 =	vmin.u32 v5, $0x1F;
	v4 =	vmin.u32 v33, $0x1F;
	v3 =	vmin.u32 v38, $0x1F;
	v33 =	vld.idx.msk [tilespmem:v2+s2+$0x0], $0xffff  }
0x39c: {  	v2 =	vmin.u32 v40, $0x1F;
	v38 =	vadd.f32 v43, v46;
	v40 =	vld.idx.msk [tilespmem:v0+s2+$0x0], $0xffff;
	v0 =	vmin.u32 v41, $0x1F  }
0x39d: {  	v43 =	vcvt.s32.f32 v5;
	v41 =	vcvt.s32.f32 v6;
	v46 =	vld.idx.msk [tilespmem:v1+s2+$0x0], $0xffff;
	v1 =	vmin.u32 v42, $0x1F  }
0x39e: {  	v17 =	vadd.f32 v17, v35;
	v42 =	vcvt.s32.f32 v4;
	v38 =	vmul.f32 v38, v27;
	v49 =	vld.idx.msk [tilespmem:v30+s31+$0x0], $0xffff  }
0x39f: {  	v50 =	vcvt.s32.f32 v2;
	v29 =	vsub.f32 v29, v41;
	v41 =	vcvt.s32.f32 v3;
	v35 =	vld.idx.msk [tilespmem:v6+s28+$0x0], $0xffff  }
0x3a0: {  	v52 =	vcvt.s32.f32 v0;
	v53 =	vcvt.s32.f32 v1;
	v38 =	vadd.f32 v38, v44;
	v51 =	vld.idx.msk [tilespmem:v5+s28+$0x0], $0xffff  }
0x3a1: {  	v20 =	vmul.f32 v20, v10;
	v18 =	vsub.f32 v18, v43;
	v21 =	vsub.f32 v21, v42;
	v42 =	vld.idx.msk [tilespmem:v4+s28+$0x0], $0xffff  }
0x3a2: {  	v24 =	vsub.f32 v24, v50;
	v16 =	vsub.f32 v16, v41;
	v38 =	vmul.f32 v38, v27;
	v41 =	vld.idx.msk [tilespmem:v30+s0+$0x0], $0xffff  }
0x3a3: {  	v28 =	vmul.f32 v28, v11;
	v23 =	vsub.f32 v23, v52;
	v26 =	vsub.f32 v26, v53;
	v43 =	vld.idx.msk [tilespmem:v3+s28+$0x0], $0xffff  }
0x3a4: {  	v22 =	vmul.f32 v22, v13;
	v19 =	vmul.f32 v19, v12;
	v38 =	vadd.f32 v38, v49;
	v44 =	vld.idx.msk [tilespmem:v2+s28+$0x0], $0xffff  }
0x3a5: {  	v14 =	vadd.f32 v14, v37;
	v15 =	vadd.f32 v15, v39;
	v35 =	vmul.f32 v29, v35;
	v49 =	vld.idx.msk [tilespmem:v0+s28+$0x0], $0xffff  }
0x3a6: {  	v20 =	vadd.f32 v20, v25;
	v37 =	vmul.f32 v18, v51;
	v38 =	vmul.f32 v38, v27;
	v30 =	vld.idx.msk [tilespmem:v30+s2+$0x0], $0xffff  }
0x3a7: {  	v28 =	vadd.f32 v28, v31;
	v22 =	vadd.f32 v22, v32;
	v25 =	vmul.f32 v21, v42;
	v39 =	vld.idx.msk [tilespmem:v1+s28+$0x0], $0xffff  }
0x3a8: {  	v17 =	vmul.f32 v17, v8;
	v19 =	vadd.f32 v19, v34;
	v32 =	vadd.f32 v38, v41;
	v31 =	vld.idx.msk [tilespmem:v6+s29+$0x0], $0xffff  }
0x3a9: {  	v14 =	vmul.f32 v14, v7;
	v7 =	vmovc v18;
	v8 =	vmov v29;
	v38 =	vmul.f32 v16, v43;
	v34 =	vld.idx.msk [tilespmem:v5+s29+$0x0], $0xffff  }
0x3aa: {  	v17 =	vadd.f32 v17, v45;
	v29 =	vmul.f32 v24, v44;
	v27 =	vmul.f32 v32, v27;
	v18 =	vld.idx.msk [tilespmem:v4+s29+$0x0], $0xffff  }
0x3ab: {  	v42 =	vadd.f32 v14, v47;
	v43 =	vmul.f32 v15, v9;
	v41 =	vmul.f32 v23, v49;
	v32 =	vld.idx.msk [tilespmem:v3+s29+$0x0], $0xffff  }
0x3ac: {  	v11 =	vmul.f32 v28, v11;
	v44 =	vmul.f32 v20, v10;
	v15 =	vadd.f32 v27, v30;
	v14 =	vld.idx.msk [tilespmem:v2+s29+$0x0], $0xffff  }
0x3ad: {  	s10 =	sadd.s32 $0x80, s10;
	v13 =	vmul.f32 v22, v13;
	v28 =	vadd.f32 v43, v36;
	v27 =	vmul.f32 v26, v39;
	v20 =	vld.idx.msk [tilespmem:v0+s29+$0x0], $0xffff  }
0x3ae: {  	v12 =	vmul.f32 v19, v12;
	v9 =	vmov v21;
	v22 =	vadd.f32 v35, v31;
	v30 =	vld.idx.msk [tilespmem:v1+s29+$0x0], $0xffff;
	[tilespmem:s10+$0x30] =	vst v15  }
0x3af: {  	v10 =	vmov v16;
	v15 =	vadd.f32 v37, v34;
	v19 =	vld.idx.msk [tilespmem:v6+s30+$0x0], $0xffff;
	[tilespmem:s9+$0xFFFFFFC0] =	vst v17;
	v17 =	vadd.f32 v44, v48  }
0x3b0: {  	v16 =	vmul.f32 v22, v8;
	v18 =	vadd.f32 v25, v18;
	v25 =	vadd.f32 v11, v33;
	v22 =	vld.idx.msk [tilespmem:v5+s30+$0x0], $0xffff  }
0x3b1: {  	v31 =	vmul.f32 v15, v7;
	v15 =	vadd.f32 v38, v32;
	v32 =	vadd.f32 v13, v40;
	v33 =	vld.idx.msk [tilespmem:v4+s30+$0x0], $0xffff  }
0x3b2: {  	v18 =	vmul.f32 v18, v9;
	v21 =	vadd.f32 v29, v14;
	v29 =	vadd.f32 v12, v46;
	v34 =	vld.idx.msk [tilespmem:v3+s30+$0x0], $0xffff  }
0x3b3: {  	v11 =	vmov v24;
	v35 =	vmul.f32 v15, v10;
	v36 =	vadd.f32 v41, v20;
	v14 =	vld.idx.msk [tilespmem:v2+s30+$0x0], $0xffff;
	[tilespmem:s9+$0xFFFFFFD0] =	vst v42  }
.Ltmp6:
0x3b4: {  	v13 =	vmov v23;
	v20 =	vmul.f32 v21, v11;
	v24 =	vadd.f32 v27, v30;
	v15 =	vld.idx.msk [tilespmem:v0+s30+$0x0], $0xffff;
	[tilespmem:s9+$0xFFFFFFE0] =	vst v28;
	(pc) =	sbr.rel @p0 .LBB2_14-.Ltmp6, $4  }
0x3b5: {  	v12 =	vmov v26;
	v19 =	vadd.f32 v16, v19;
	v21 =	vmul.f32 v36, v13;
	v16 =	vld.idx.msk [tilespmem:v1+s30+$0x0], $0xffff;
	[tilespmem:s9+$0xFFFFFFF0] =	vst v17  }
0x3b6: {  	v23 =	vadd.f32 v31, v22;
	v24 =	vmul.f32 v24, v12;
	v17 =	vld.idx.msk [tilespmem:v6+s31+$0x0], $0xffff;
	[tilespmem:s9+$0x0] =	vst v25  }
0x3b7: {  	v22 =	vmul.f32 v19, v8;
	v26 =	vadd.f32 v18, v33;
	v19 =	vld.idx.msk [tilespmem:v5+s31+$0x0], $0xffff;
	[tilespmem:s9+$0x10] =	vst v32  }
0x3b8: {  	s12 =	sadd.s32 $0x80, s12;
	v23 =	vmul.f32 v23, v7;
	v25 =	vadd.f32 v35, v34;
	v18 =	vld.idx.msk [tilespmem:v4+s31+$0x0], $0xffff;
	[tilespmem:s9+$0x20] =	vst v29;
	s9 =	smov.u32 s10  }
0x3b9: {  	_ =	sdelay $0x3  }
0x3ba: {  	v27 =	vld.idx.msk [tilespmem:v3+s31+$0x0], $0xffff  }
0x3bb: {  	v28 =	vld.idx.msk [tilespmem:v2+s31+$0x0], $0xffff  }
0x3bc: {  	v29 =	vld.idx.msk [tilespmem:v0+s31+$0x0], $0xffff  }
0x3bd: {  	v30 =	vld.idx.msk [tilespmem:v1+s31+$0x0], $0xffff  }
0x3be: {  	v31 =	vld.idx.msk [tilespmem:v6+s0+$0x0], $0xffff  }
0x3bf: {  	v32 =	vld.idx.msk [tilespmem:v5+s0+$0x0], $0xffff  }
0x3c0: {  	v14 =	vadd.f32 v20, v14;
	v20 =	vld.idx.msk [tilespmem:v4+s0+$0x0], $0xffff  }
0x3c1: {  	v26 =	vmul.f32 v26, v9;
	v15 =	vadd.f32 v21, v15;
	v21 =	vld.idx.msk [tilespmem:v3+s0+$0x0], $0xffff;
	v16 =	vadd.f32 v24, v16  }
0x3c2: {  	v6 =	vld.idx.msk [tilespmem:v6+s2+$0x0], $0xffff;
	v24 =	vmul.f32 v25, v10;
	v14 =	vmul.f32 v14, v11;
	v17 =	vadd.f32 v22, v17  }
0x3c3: {  	v5 =	vld.idx.msk [tilespmem:v5+s2+$0x0], $0xffff;
	v15 =	vmul.f32 v15, v13;
	v19 =	vadd.f32 v23, v19;
	v16 =	vmul.f32 v16, v12  }
0x3c4: {  	v4 =	vld.idx.msk [tilespmem:v4+s2+$0x0], $0xffff;
	v17 =	vmul.f32 v17, v8;
	v18 =	vadd.f32 v26, v18;
	v24 =	vadd.f32 v24, v27  }
0x3c5: {  	v22 =	vld.idx.msk [tilespmem:v2+s0+$0x0], $0xffff;
	v19 =	vmul.f32 v19, v7;
	v14 =	vadd.f32 v14, v28;
	v15 =	vadd.f32 v15, v29  }
0x3c6: {  	v23 =	vld.idx.msk [tilespmem:v0+s0+$0x0], $0xffff;
	v16 =	vadd.f32 v16, v30;
	v18 =	vmul.f32 v18, v9;
	v17 =	vadd.f32 v17, v31  }
0x3c7: {  	v25 =	vld.idx.msk [tilespmem:v1+s0+$0x0], $0xffff;
	v24 =	vmul.f32 v24, v10;
	v14 =	vmul.f32 v14, v11;
	v19 =	vadd.f32 v19, v32  }
0x3c8: {  	v3 =	vld.idx.msk [tilespmem:v3+s2+$0x0], $0xffff;
	v15 =	vmul.f32 v15, v13;
	v18 =	vadd.f32 v18, v20;
	v8 =	vmul.f32 v17, v8  }
0x3c9: {  	v2 =	vld.idx.msk [tilespmem:v2+s2+$0x0], $0xffff;
	v16 =	vmul.f32 v16, v12;
	v17 =	vadd.f32 v24, v21;
	v7 =	vmul.f32 v19, v7  }
0x3ca: {  	v0 =	vld.idx.msk [tilespmem:v0+s2+$0x0], $0xffff;
	v14 =	vadd.f32 v14, v22;
	v6 =	vadd.f32 v8, v6;
	v8 =	vmul.f32 v18, v9  }
0x3cb: {  	v1 =	vld.idx.msk [tilespmem:v1+s2+$0x0], $0xffff;
	v9 =	vadd.f32 v15, v23;
	v5 =	vadd.f32 v7, v5;
	v7 =	vmul.f32 v17, v10  }
0x3cc: {  	v10 =	vadd.f32 v16, v25;
	v11 =	vmul.f32 v14, v11;
	v4 =	vadd.f32 v8, v4;
	[tilespmem:s9+$0xFFFFFFC0] =	vst v6  }
0x3cd: {  	v6 =	vmul.f32 v9, v13;
	v3 =	vadd.f32 v7, v3;
	[tilespmem:s9+$0xFFFFFFD0] =	vst v5  }
0x3ce: {  	v5 =	vmul.f32 v10, v12;
	v2 =	vadd.f32 v11, v2;
	[tilespmem:s9+$0xFFFFFFE0] =	vst v4  }
0x3cf: {  	v0 =	vadd.f32 v6, v0;
	[tilespmem:s9+$0xFFFFFFF0] =	vst v3  }
0x3d0: {  	v1 =	vadd.f32 v5, v1;
	[tilespmem:s9+$0x0] =	vst v2  }
0x3d1: {  	[tilespmem:s9+$0x10] =	vst v0  }
0x3d2: {  	[tilespmem:s9+$0x20] =	vst v1  }
0x3d3: {  	[hbm4b:s17+s1] =	stream.linear.scatter [tilespmem:s5], [sflag:$0x4], $0x4000, $0x38;
	[tilespmem:$0x13F80] =	vst v63  }
0x3d4: {  	_ = 	snop  }
0x3d5: {  	[tilespmem:s23], [sflag:$0x2] =	stream.linear.gather [hbm4b:s18+s1], $0x4000, $0x38;
	[tilespmem:$0x13F80] =	vst v63  }
0x3d6: {  	_ =	swait.ge [sflag:s26], $0x4000  }
0x3d7: {  	[sflag:s26] =	ssyncset.done $0x0  }
0x3d8: {  	[sflag:s26] =	ssyncadd.s32 $0xFFFFC000  }
0x3d9: {  	_ =	swait.ge [sflag:s6], $0x4000  }
0x3da: {  	[sflag:s6] =	ssyncset.done $0x0  }
0x3db: {  	s13 =	simm.s32 $0x3FC0;
	[sflag:s6] =	ssyncadd.s32 $0xFFFFC000  }
0x3dc: {  	v0 =	vld [tilespmem:s13+$0x30]  }
0x3dd: {  	v1 =	vld [tilespmem:s13+$0xFFFFFFD0]  }
0x3de: {  	v2 =	vld [tilespmem:s13+$0xFFFFFFE0]  }
0x3df: {  	v3 =	vld [tilespmem:s13+$0xFFFFFFF0]  }
0x3e0: {  	v4 =	vld [tilespmem:s13+$0x0]  }
0x3e1: {  	v5 =	vld [tilespmem:s13+$0x10];
	v0 =	vmul.f32 $4.000000000e+00, v0  }
0x3e2: {  	v6 =	vld [tilespmem:s13+$0x20]  }
0x3e3: {  	v1 =	vmul.f32 $4.000000000e+00, v1;
	v0 =	vadd.f32 $1.600000000e+01, v0  }
0x3e4: {  	v7 =	vld [tilespmem:s13+$0xFFFFFFC0];
	v2 =	vmul.f32 $4.000000000e+00, v2;
	v3 =	vmul.f32 $4.000000000e+00, v3  }
0x3e5: {  	v9 =	vadd.f32 $1.600000000e+01, v1;
	v1 =	vmul.f32 $4.000000000e+00, v4;
	v4 =	vtrunc.f32 v0  }
0x3e6: {  	v10 =	vadd.f32 $1.600000000e+01, v2;
	v4 =	vcvt.f32.s32 v4  }
0x3e7: {  	v2 =	vmul.f32 $4.000000000e+00, v5;
	v11 =	vadd.f32 $1.600000000e+01, v3;
	v5 =	vmul.f32 $4.000000000e+00, v6  }
0x3e8: {  	v3 =	vtrunc.f32 v9;
	v12 =	vadd.f32 $1.600000000e+01, v1;
	vm0 =	vgt.s32 v4, $0x0  }
0x3e9: {  	v1 =	vmul.f32 $4.000000000e+00, v7;
	v13 =	vadd.f32 $1.600000000e+01, v2;
	v4 =	vnsel vm0, $0x0, v4  }
0x3ea: {  	v2 =	vtrunc.f32 v10;
	v14 =	vadd.f32 $1.600000000e+01, v5;
	v8 =	vmin.u32 v4, $0x1F  }
0x3eb: {  	v3 =	vcvt.f32.s32 v3;
	v2 =	vcvt.f32.s32 v2;
	v7 =	vadd.f32 $1.600000000e+01, v1  }
0x3ec: {  	v1 =	vtrunc.f32 v11;
	v5 =	vtrunc.f32 v13  }
0x3ed: {  	v15 =	vtrunc.f32 v14;
	v6 =	vtrunc.f32 v7  }
0x3ee: {  	v1 =	vcvt.f32.s32 v1;
	vm1 =	vgt.s32 v3, $0x0;
	v6 =	vcvt.f32.s32 v6  }
0x3ef: {  	v17 =	vcvt.f32.s32 v5;
	vm2 =	vgt.s32 v2, $0x0;
	v3 =	vnsel vm1, $0x0, v3;
	v18 =	vld.idx.msk [tilespmem:v8+s28+$0x0], $0xffff  }
0x3f0: {  	v4 =	vtrunc.f32 v12;
	v19 =	vcvt.s32.f32 v8;
	vm11 =	vgt.s32 v6, $0x0  }
0x3f1: {  	v5 =	vmin.u32 v3, $0x1F;
	v16 =	vcvt.f32.s32 v4;
	v4 =	vnsel vm11, $0x0, v6;
	v20 =	vld.idx.msk [tilespmem:v8+s29+$0x0], $0xffff  }
0x3f2: {  	v2 =	vnsel vm2, $0x0, v2;
	v19 =	vsub.f32 v0, v19;
	v6 =	vmin.u32 v4, $0x1F  }
0x3f3: {  	vm12 =	vgt.s32 v1, $0x0;
	vm13 =	vgt.s32 v16, $0x0;
	v4 =	vmin.u32 v2, $0x1F;
	v21 =	vld.idx.msk [tilespmem:v8+s30+$0x0], $0xffff  }
0x3f4: {  	v0 =	vnsel vm12, $0x0, v1;
	v1 =	vnsel vm13, $0x0, v16;
	v22 =	vld.idx.msk [tilespmem:v8+s0+$0x0], $0xffff;
	v16 =	vmul.f32 v19, v18  }
0x3f5: {  	v15 =	vcvt.f32.s32 v15;
	v3 =	vmin.u32 v0, $0x1F;
	v25 =	vld.idx.msk [tilespmem:v8+s2+$0x0], $0xffff  }
0x3f6: {  	vm14 =	vgt.s32 v17, $0x0;
	v54 =	vld.idx.msk [tilespmem:v5+s29+$0x0], $0xffff;
	v16 =	vadd.f32 v16, v20  }
0x3f7: {  	vm15 =	vgt.s32 v15, $0x0;
	v0 =	vnsel vm14, $0x0, v17;
	v17 =	vld.idx.msk [tilespmem:v6+s28+$0x0], $0xffff  }
0x3f8: {  	v2 =	vmin.u32 v1, $0x1F;
	v1 =	vnsel vm15, $0x0, v15;
	v15 =	vld.idx.msk [tilespmem:v4+s28+$0x0], $0xffff;
	v16 =	vmul.f32 v16, v19  }
0x3f9: {  	v0 =	vmin.u32 v0, $0x1F;
	v18 =	vld.idx.msk [tilespmem:v8+s31+$0x0], $0xffff  }
0x3fa: {  	v23 =	vld.idx.msk [tilespmem:v3+s28+$0x0], $0xffff;
	v16 =	vadd.f32 v16, v21  }
0x3fb: {  	v57 =	vld.idx.msk [tilespmem:v4+s29+$0x0], $0xffff  }
0x3fc: {  	v33 =	vld.idx.msk [tilespmem:v3+s29+$0x0], $0xffff;
	v16 =	vmul.f32 v16, v19  }
0x3fd: {  	v1 =	vmin.u32 v1, $0x1F;
	v62 =	vld.idx.msk [tilespmem:v3+s30+$0x0], $0xffff  }
0x3fe: {  	v27 =	vcvt.s32.f32 v5;
	v24 =	vld.idx.msk [tilespmem:v0+s28+$0x0], $0xffff;
	v8 =	vadd.f32 v16, v18;
	v18 =	vcvt.s32.f32 v6  }
0x3ff: {  	v55 =	vcvt.s32.f32 v4;
	v58 =	vcvt.s32.f32 v2;
	v20 =	vld.idx.msk [tilespmem:v5+s28+$0x0], $0xffff  }
0x400: {  	v21 =	vld.idx.msk [tilespmem:v2+s28+$0x0], $0xffff;
	v56 =	vmul.f32 v8, v19;
	v8 =	vsub.f32 v7, v18;
	v18 =	vcvt.s32.f32 v3  }
0x401: {  	v16 =	vld.idx.msk [tilespmem:v6+s29+$0x0], $0xffff;
	v7 =	vsub.f32 v9, v27;
	v27 =	vcvt.s32.f32 v0;
	v9 =	vsub.f32 v10, v55  }
0x402: {  	v60 =	vcvt.s32.f32 v1;
	v26 =	vld.idx.msk [tilespmem:v1+s28+$0x0], $0xffff;
	v22 =	vadd.f32 v56, v22;
	v10 =	vsub.f32 v11, v18  }
0x403: {  	v59 =	vld.idx.msk [tilespmem:v2+s29+$0x0], $0xffff;
	v11 =	vsub.f32 v12, v58;
	v17 =	vmul.f32 v8, v17;
	v13 =	vsub.f32 v13, v27  }
0x404: {  	v18 =	vld.idx.msk [tilespmem:v0+s29+$0x0], $0xffff;
	v12 =	vsub.f32 v14, v60;
	v14 =	vmul.f32 v7, v20;
	v15 =	vmul.f32 v9, v15  }
0x405: {  	v20 =	vld.idx.msk [tilespmem:v6+s30+$0x0], $0xffff;
	v19 =	vmul.f32 v22, v19;
	v23 =	vmul.f32 v10, v23  }
0x406: {  	v22 =	vld.idx.msk [tilespmem:v1+s29+$0x0], $0xffff;
	v16 =	vadd.f32 v17, v16;
	v21 =	vmul.f32 v11, v21;
	v24 =	vmul.f32 v13, v24  }
0x407: {  	v17 =	vld.idx.msk [tilespmem:v5+s30+$0x0], $0xffff;
	v26 =	vmul.f32 v12, v26;
	v19 =	vadd.f32 v19, v25;
	v25 =	vadd.f32 v14, v54  }
0x408: {  	v27 =	vld.idx.msk [tilespmem:v4+s30+$0x0], $0xffff;
	v61 =	vadd.f32 v15, v57;
	v23 =	vadd.f32 v23, v33;
	v16 =	vmul.f32 v16, v8  }
0x409: {  	v15 =	vld.idx.msk [tilespmem:v0+s30+$0x0], $0xffff;
	v21 =	vadd.f32 v21, v59;
	v18 =	vadd.f32 v24, v18;
	v24 =	vmul.f32 v25, v7  }
0x40a: {  	v14 =	vld.idx.msk [tilespmem:v2+s30+$0x0], $0xffff;
	v25 =	vmul.f32 v61, v9;
	v63 =	vmul.f32 v23, v10  }
0x40b: {  	s10 =	simm.s32 $0xBFC0;
	v23 =	vadd.f32 v16, v20;
	v16 =	vld.idx.msk [tilespmem:v1+s30+$0x0], $0xffff;
	v20 =	vmul.f32 v21, v11;
	v22 =	vadd.f32 v26, v22  }
0x40c: {  	[tilespmem:s10+$0x30] =	vst v19;
	v19 =	vld.idx.msk [tilespmem:v5+s31+$0x0], $0xffff;
	v21 =	vmul.f32 v18, v13;
	v18 =	vadd.f32 v24, v17  }
0x40d: {  	v17 =	vld.idx.msk [tilespmem:v6+s31+$0x0], $0xffff;
	v26 =	vadd.f32 v25, v27;
	v24 =	vmul.f32 v22, v12  }
0x40e: {  	s11 =	simm.s32 $0x0;
	s12 =	simm.s32 $0x4040;
	s9 =	simm.s32 $0xBFC0;
	v25 =	vadd.f32 v63, v62;
	v22 =	vmul.f32 v23, v8;
	v23 =	vmul.f32 v18, v7;
	v18 =	vld.idx.msk [tilespmem:v4+s31+$0x0], $0xffff  }
.LBB2_16:
0x40f: {  	v27 =	vld [tilespmem:s12+$0x30];
	s11 =	sadd.s32 $0x8, s11;
	v26 =	vmul.f32 v26, v9;
	v14 =	vadd.f32 v20, v14  }
0x410: {  	v15 =	vadd.f32 v21, v15;
	v20 =	vld [tilespmem:s12+$0xFFFFFFD0];
	p0 =	slt.u32 s11, $0x3F8;
	v25 =	vmul.f32 v25, v10  }
0x411: {  	v21 =	vld [tilespmem:s12+$0xFFFFFFE0];
	v28 =	vmul.f32 v14, v11;
	v14 =	vadd.f32 v24, v16  }
0x412: {  	v17 =	vadd.f32 v22, v17;
	v22 =	vmul.f32 v15, v13;
	v16 =	vld [tilespmem:s12+$0xFFFFFFF0]  }
0x413: {  	v15 =	vadd.f32 v23, v19;
	v24 =	vld [tilespmem:s12+$0x0];
	v19 =	vmul.f32 v14, v12  }
0x414: {  	v17 =	vmul.f32 v17, v8;
	v18 =	vadd.f32 v26, v18;
	v23 =	vld [tilespmem:s12+$0x10];
	v27 =	vmul.f32 $4.000000000e+00, v27  }
0x415: {  	v14 =	vmul.f32 v15, v7;
	v20 =	vmul.f32 $4.000000000e+00, v20;
	v26 =	vld [tilespmem:s12+$0x20]  }
0x416: {  	v15 =	vmul.f32 v18, v9;
	v29 =	vld [tilespmem:s12+$0xFFFFFFC0];
	v21 =	vmul.f32 $4.000000000e+00, v21;
	v27 =	vadd.f32 $1.600000000e+01, v27  }
0x417: {  	v18 =	vadd.f32 $1.600000000e+01, v20;
	v16 =	vmul.f32 $4.000000000e+00, v16;
	v20 =	vld.idx.msk [tilespmem:v3+s31+$0x0], $0xffff  }
0x418: {  	v21 =	vadd.f32 $1.600000000e+01, v21;
	v24 =	vmul.f32 $4.000000000e+00, v24;
	v30 =	vtrunc.f32 v27;
	v31 =	vld.idx.msk [tilespmem:v2+s31+$0x0], $0xffff  }
0x419: {  	v16 =	vadd.f32 $1.600000000e+01, v16;
	v23 =	vmul.f32 $4.000000000e+00, v23;
	v30 =	vcvt.f32.s32 v30;
	v32 =	vld.idx.msk [tilespmem:v0+s31+$0x0], $0xffff  }
0x41a: {  	v33 =	vtrunc.f32 v18;
	v24 =	vadd.f32 $1.600000000e+01, v24;
	v26 =	vmul.f32 $4.000000000e+00, v26;
	v34 =	vld.idx.msk [tilespmem:v1+s31+$0x0], $0xffff  }
0x41b: {  	v29 =	vmul.f32 $4.000000000e+00, v29;
	v23 =	vadd.f32 $1.600000000e+01, v23;
	vm0 =	vgt.s32 v30, $0x0;
	v35 =	vld.idx.msk [tilespmem:v6+s0+$0x0], $0xffff  }
0x41c: {  	v36 =	vtrunc.f32 v21;
	v26 =	vadd.f32 $1.600000000e+01, v26;
	v30 =	vnsel vm0, $0x0, v30;
	v37 =	vld.idx.msk [tilespmem:v5+s0+$0x0], $0xffff  }
0x41d: {  	v38 =	vtrunc.f32 v16;
	v29 =	vadd.f32 $1.600000000e+01, v29;
	v30 =	vmin.u32 v30, $0x1F;
	v39 =	vld.idx.msk [tilespmem:v4+s0+$0x0], $0xffff  }
0x41e: {  	v40 =	vtrunc.f32 v24;
	v20 =	vadd.f32 v25, v20;
	v41 =	vtrunc.f32 v23;
	v25 =	vld.idx.msk [tilespmem:v3+s0+$0x0], $0xffff  }
0x41f: {  	v28 =	vadd.f32 v28, v31;
	v43 =	vtrunc.f32 v26;
	v42 =	vtrunc.f32 v29;
	v31 =	vld.idx.msk [tilespmem:v2+s0+$0x0], $0xffff  }
0x420: {  	v33 =	vcvt.f32.s32 v33;
	v22 =	vadd.f32 v22, v32;
	v42 =	vcvt.f32.s32 v42;
	v32 =	vld.idx.msk [tilespmem:v0+s0+$0x0], $0xffff  }
0x421: {  	v36 =	vcvt.f32.s32 v36;
	v38 =	vcvt.f32.s32 v38;
	v19 =	vadd.f32 v19, v34;
	v34 =	vld.idx.msk [tilespmem:v1+s0+$0x0], $0xffff  }
0x422: {  	v40 =	vcvt.f32.s32 v40;
	v41 =	vcvt.f32.s32 v41;
	vm0 =	vgt.s32 v42, $0x0;
	v44 =	vld.idx.msk [tilespmem:v30+s28+$0x0], $0xffff  }
0x423: {  	vm1 =	vgt.s32 v33, $0x0;
	vm2 =	vgt.s32 v36, $0x0;
	v43 =	vcvt.f32.s32 v43;
	v45 =	vld.idx.msk [tilespmem:v6+s2+$0x0], $0xffff  }
0x424: {  	vm3 =	vgt.s32 v38, $0x0;
	vm4 =	vgt.s32 v40, $0x0;
	v6 =	vcvt.s32.f32 v30;
	v46 =	vld.idx.msk [tilespmem:v30+s29+$0x0], $0xffff  }
0x425: {  	vm5 =	vgt.s32 v43, $0x0;
	v42 =	vnsel vm0, $0x0, v42;
	vm0 =	vgt.s32 v41, $0x0;
	v47 =	vld.idx.msk [tilespmem:v5+s2+$0x0], $0xffff  }
0x426: {  	v5 =	vnsel vm1, $0x0, v33;
	v33 =	vnsel vm2, $0x0, v36;
	v27 =	vsub.f32 v27, v6;
	v36 =	vld.idx.msk [tilespmem:v4+s2+$0x0], $0xffff  }
0x427: {  	v38 =	vnsel vm3, $0x0, v38;
	v40 =	vnsel vm4, $0x0, v40;
	v41 =	vnsel vm0, $0x0, v41;
	v48 =	vld.idx.msk [tilespmem:v3+s2+$0x0], $0xffff  }
0x428: {  	v6 =	vmin.u32 v42, $0x1F;
	v42 =	vnsel vm5, $0x0, v43;
	v43 =	vmul.f32 v27, v44;
	v44 =	vld.idx.msk [tilespmem:v30+s30+$0x0], $0xffff  }
0x429: {  	v5 =	vmin.u32 v5, $0x1F;
	v4 =	vmin.u32 v33, $0x1F;
	v3 =	vmin.u32 v38, $0x1F;
	v33 =	vld.idx.msk [tilespmem:v2+s2+$0x0], $0xffff  }
0x42a: {  	v2 =	vmin.u32 v40, $0x1F;
	v38 =	vadd.f32 v43, v46;
	v40 =	vld.idx.msk [tilespmem:v0+s2+$0x0], $0xffff;
	v0 =	vmin.u32 v41, $0x1F  }
0x42b: {  	v43 =	vcvt.s32.f32 v5;
	v41 =	vcvt.s32.f32 v6;
	v46 =	vld.idx.msk [tilespmem:v1+s2+$0x0], $0xffff;
	v1 =	vmin.u32 v42, $0x1F  }
0x42c: {  	v17 =	vadd.f32 v17, v35;
	v42 =	vcvt.s32.f32 v4;
	v38 =	vmul.f32 v38, v27;
	v49 =	vld.idx.msk [tilespmem:v30+s31+$0x0], $0xffff  }
0x42d: {  	v50 =	vcvt.s32.f32 v2;
	v29 =	vsub.f32 v29, v41;
	v41 =	vcvt.s32.f32 v3;
	v35 =	vld.idx.msk [tilespmem:v6+s28+$0x0], $0xffff  }
0x42e: {  	v52 =	vcvt.s32.f32 v0;
	v53 =	vcvt.s32.f32 v1;
	v38 =	vadd.f32 v38, v44;
	v51 =	vld.idx.msk [tilespmem:v5+s28+$0x0], $0xffff  }
0x42f: {  	v20 =	vmul.f32 v20, v10;
	v18 =	vsub.f32 v18, v43;
	v21 =	vsub.f32 v21, v42;
	v42 =	vld.idx.msk [tilespmem:v4+s28+$0x0], $0xffff  }
0x430: {  	v24 =	vsub.f32 v24, v50;
	v16 =	vsub.f32 v16, v41;
	v38 =	vmul.f32 v38, v27;
	v41 =	vld.idx.msk [tilespmem:v30+s0+$0x0], $0xffff  }
0x431: {  	v28 =	vmul.f32 v28, v11;
	v23 =	vsub.f32 v23, v52;
	v26 =	vsub.f32 v26, v53;
	v43 =	vld.idx.msk [tilespmem:v3+s28+$0x0], $0xffff  }
0x432: {  	v22 =	vmul.f32 v22, v13;
	v19 =	vmul.f32 v19, v12;
	v38 =	vadd.f32 v38, v49;
	v44 =	vld.idx.msk [tilespmem:v2+s28+$0x0], $0xffff  }
0x433: {  	v14 =	vadd.f32 v14, v37;
	v15 =	vadd.f32 v15, v39;
	v35 =	vmul.f32 v29, v35;
	v49 =	vld.idx.msk [tilespmem:v0+s28+$0x0], $0xffff  }
0x434: {  	v20 =	vadd.f32 v20, v25;
	v37 =	vmul.f32 v18, v51;
	v38 =	vmul.f32 v38, v27;
	v30 =	vld.idx.msk [tilespmem:v30+s2+$0x0], $0xffff  }
0x435: {  	v28 =	vadd.f32 v28, v31;
	v22 =	vadd.f32 v22, v32;
	v25 =	vmul.f32 v21, v42;
	v39 =	vld.idx.msk [tilespmem:v1+s28+$0x0], $0xffff  }
0x436: {  	v17 =	vmul.f32 v17, v8;
	v19 =	vadd.f32 v19, v34;
	v32 =	vadd.f32 v38, v41;
	v31 =	vld.idx.msk [tilespmem:v6+s29+$0x0], $0xffff  }
0x437: {  	v14 =	vmul.f32 v14, v7;
	v7 =	vmovc v18;
	v8 =	vmov v29;
	v38 =	vmul.f32 v16, v43;
	v34 =	vld.idx.msk [tilespmem:v5+s29+$0x0], $0xffff  }
0x438: {  	v17 =	vadd.f32 v17, v45;
	v29 =	vmul.f32 v24, v44;
	v27 =	vmul.f32 v32, v27;
	v18 =	vld.idx.msk [tilespmem:v4+s29+$0x0], $0xffff  }
0x439: {  	v42 =	vadd.f32 v14, v47;
	v43 =	vmul.f32 v15, v9;
	v41 =	vmul.f32 v23, v49;
	v32 =	vld.idx.msk [tilespmem:v3+s29+$0x0], $0xffff  }
0x43a: {  	v11 =	vmul.f32 v28, v11;
	v44 =	vmul.f32 v20, v10;
	v15 =	vadd.f32 v27, v30;
	v14 =	vld.idx.msk [tilespmem:v2+s29+$0x0], $0xffff  }
0x43b: {  	s10 =	sadd.s32 $0x80, s10;
	v13 =	vmul.f32 v22, v13;
	v28 =	vadd.f32 v43, v36;
	v27 =	vmul.f32 v26, v39;
	v20 =	vld.idx.msk [tilespmem:v0+s29+$0x0], $0xffff  }
0x43c: {  	v12 =	vmul.f32 v19, v12;
	v9 =	vmov v21;
	v22 =	vadd.f32 v35, v31;
	v30 =	vld.idx.msk [tilespmem:v1+s29+$0x0], $0xffff;
	[tilespmem:s10+$0x30] =	vst v15  }
0x43d: {  	v10 =	vmov v16;
	v15 =	vadd.f32 v37, v34;
	v19 =	vld.idx.msk [tilespmem:v6+s30+$0x0], $0xffff;
	[tilespmem:s9+$0xFFFFFFC0] =	vst v17;
	v17 =	vadd.f32 v44, v48  }
0x43e: {  	v16 =	vmul.f32 v22, v8;
	v18 =	vadd.f32 v25, v18;
	v25 =	vadd.f32 v11, v33;
	v22 =	vld.idx.msk [tilespmem:v5+s30+$0x0], $0xffff  }
0x43f: {  	v31 =	vmul.f32 v15, v7;
	v15 =	vadd.f32 v38, v32;
	v32 =	vadd.f32 v13, v40;
	v33 =	vld.idx.msk [tilespmem:v4+s30+$0x0], $0xffff  }
0x440: {  	v18 =	vmul.f32 v18, v9;
	v21 =	vadd.f32 v29, v14;
	v29 =	vadd.f32 v12, v46;
	v34 =	vld.idx.msk [tilespmem:v3+s30+$0x0], $0xffff  }
0x441: {  	v11 =	vmov v24;
	v35 =	vmul.f32 v15, v10;
	v36 =	vadd.f32 v41, v20;
	v14 =	vld.idx.msk [tilespmem:v2+s30+$0x0], $0xffff;
	[tilespmem:s9+$0xFFFFFFD0] =	vst v42  }
.Ltmp7:
0x442: {  	v13 =	vmov v23;
	v20 =	vmul.f32 v21, v11;
	v24 =	vadd.f32 v27, v30;
	v15 =	vld.idx.msk [tilespmem:v0+s30+$0x0], $0xffff;
	[tilespmem:s9+$0xFFFFFFE0] =	vst v28;
	(pc) =	sbr.rel @p0 .LBB2_16-.Ltmp7, $4  }
0x443: {  	v12 =	vmov v26;
	v19 =	vadd.f32 v16, v19;
	v21 =	vmul.f32 v36, v13;
	v16 =	vld.idx.msk [tilespmem:v1+s30+$0x0], $0xffff;
	[tilespmem:s9+$0xFFFFFFF0] =	vst v17  }
0x444: {  	v23 =	vadd.f32 v31, v22;
	v24 =	vmul.f32 v24, v12;
	v17 =	vld.idx.msk [tilespmem:v6+s31+$0x0], $0xffff;
	[tilespmem:s9+$0x0] =	vst v25  }
0x445: {  	v22 =	vmul.f32 v19, v8;
	v26 =	vadd.f32 v18, v33;
	v19 =	vld.idx.msk [tilespmem:v5+s31+$0x0], $0xffff;
	[tilespmem:s9+$0x10] =	vst v32  }
0x446: {  	s12 =	sadd.s32 $0x80, s12;
	v23 =	vmul.f32 v23, v7;
	v25 =	vadd.f32 v35, v34;
	v18 =	vld.idx.msk [tilespmem:v4+s31+$0x0], $0xffff;
	[tilespmem:s9+$0x20] =	vst v29;
	s9 =	smov.u32 s10  }
0x447: {  	_ =	sdelay $0x3  }
0x448: {  	v27 =	vld.idx.msk [tilespmem:v3+s31+$0x0], $0xffff  }
0x449: {  	v28 =	vld.idx.msk [tilespmem:v2+s31+$0x0], $0xffff  }
0x44a: {  	v29 =	vld.idx.msk [tilespmem:v0+s31+$0x0], $0xffff  }
0x44b: {  	v30 =	vld.idx.msk [tilespmem:v1+s31+$0x0], $0xffff  }
0x44c: {  	v31 =	vld.idx.msk [tilespmem:v6+s0+$0x0], $0xffff  }
0x44d: {  	v32 =	vld.idx.msk [tilespmem:v5+s0+$0x0], $0xffff  }
0x44e: {  	v14 =	vadd.f32 v20, v14;
	v20 =	vld.idx.msk [tilespmem:v4+s0+$0x0], $0xffff  }
0x44f: {  	v26 =	vmul.f32 v26, v9;
	v15 =	vadd.f32 v21, v15;
	v21 =	vld.idx.msk [tilespmem:v3+s0+$0x0], $0xffff;
	v16 =	vadd.f32 v24, v16  }
0x450: {  	v6 =	vld.idx.msk [tilespmem:v6+s2+$0x0], $0xffff;
	v24 =	vmul.f32 v25, v10;
	v14 =	vmul.f32 v14, v11;
	v17 =	vadd.f32 v22, v17  }
0x451: {  	v5 =	vld.idx.msk [tilespmem:v5+s2+$0x0], $0xffff;
	v15 =	vmul.f32 v15, v13;
	v19 =	vadd.f32 v23, v19;
	v16 =	vmul.f32 v16, v12  }
0x452: {  	v4 =	vld.idx.msk [tilespmem:v4+s2+$0x0], $0xffff;
	v17 =	vmul.f32 v17, v8;
	v18 =	vadd.f32 v26, v18;
	v24 =	vadd.f32 v24, v27  }
0x453: {  	v22 =	vld.idx.msk [tilespmem:v2+s0+$0x0], $0xffff;
	v19 =	vmul.f32 v19, v7;
	v14 =	vadd.f32 v14, v28;
	v15 =	vadd.f32 v15, v29  }
0x454: {  	v23 =	vld.idx.msk [tilespmem:v0+s0+$0x0], $0xffff;
	v16 =	vadd.f32 v16, v30;
	v18 =	vmul.f32 v18, v9;
	v17 =	vadd.f32 v17, v31  }
0x455: {  	v25 =	vld.idx.msk [tilespmem:v1+s0+$0x0], $0xffff;
	v24 =	vmul.f32 v24, v10;
	v14 =	vmul.f32 v14, v11;
	v19 =	vadd.f32 v19, v32  }
0x456: {  	v3 =	vld.idx.msk [tilespmem:v3+s2+$0x0], $0xffff;
	v15 =	vmul.f32 v15, v13;
	v18 =	vadd.f32 v18, v20;
	v8 =	vmul.f32 v17, v8  }
0x457: {  	v2 =	vld.idx.msk [tilespmem:v2+s2+$0x0], $0xffff;
	v16 =	vmul.f32 v16, v12;
	v17 =	vadd.f32 v24, v21;
	v7 =	vmul.f32 v19, v7  }
0x458: {  	v0 =	vld.idx.msk [tilespmem:v0+s2+$0x0], $0xffff;
	v14 =	vadd.f32 v14, v22;
	v6 =	vadd.f32 v8, v6;
	v8 =	vmul.f32 v18, v9  }
0x459: {  	v1 =	vld.idx.msk [tilespmem:v1+s2+$0x0], $0xffff;
	v9 =	vadd.f32 v15, v23;
	v5 =	vadd.f32 v7, v5;
	v7 =	vmul.f32 v17, v10  }
0x45a: {  	v10 =	vadd.f32 v16, v25;
	v11 =	vmul.f32 v14, v11;
	v4 =	vadd.f32 v8, v4;
	[tilespmem:s9+$0xFFFFFFC0] =	vst v6  }
0x45b: {  	v6 =	vmul.f32 v9, v13;
	v3 =	vadd.f32 v7, v3;
	[tilespmem:s9+$0xFFFFFFD0] =	vst v5  }
0x45c: {  	v5 =	vmul.f32 v10, v12;
	v2 =	vadd.f32 v11, v2;
	[tilespmem:s9+$0xFFFFFFE0] =	vst v4  }
0x45d: {  	v0 =	vadd.f32 v6, v0;
	[tilespmem:s9+$0xFFFFFFF0] =	vst v3  }
0x45e: {  	v1 =	vadd.f32 v5, v1;
	[tilespmem:s9+$0x0] =	vst v2  }
0x45f: {  	[tilespmem:s9+$0x10] =	vst v0  }
0x460: {  	[tilespmem:s9+$0x20] =	vst v1  }
0x461: {  	[hbm4b:s19+s1] =	stream.linear.scatter [tilespmem:s3], [sflag:$0x3], $0x4000, $0x38;
	[tilespmem:$0x13F80] =	vst v63  }
0x462: {  	_ =	swait.ge [sflag:s4], $0x4000  }
0x463: {  	[sflag:s4] =	ssyncset.done $0x0  }
0x464: {  	[sflag:s4] =	ssyncadd.s32 $0xFFFFC000  }
0x465: {  	_ =	swait.ge [sflag:s7], $0x4000  }
0x466: {  	[sflag:s7] =	ssyncset.done $0x0  }
0x467: {  	s13 =	simm.s32 $0x7FC0;
	[sflag:s7] =	ssyncadd.s32 $0xFFFFC000  }
0x468: {  	v0 =	vld [tilespmem:s13+$0x30]  }
0x469: {  	v1 =	vld [tilespmem:s13+$0xFFFFFFD0]  }
0x46a: {  	v2 =	vld [tilespmem:s13+$0xFFFFFFE0]  }
0x46b: {  	v3 =	vld [tilespmem:s13+$0xFFFFFFF0]  }
0x46c: {  	v4 =	vld [tilespmem:s13+$0x0]  }
0x46d: {  	v5 =	vld [tilespmem:s13+$0x10];
	v0 =	vmul.f32 $4.000000000e+00, v0  }
0x46e: {  	v6 =	vld [tilespmem:s13+$0x20]  }
0x46f: {  	v7 =	vld [tilespmem:s13+$0xFFFFFFC0];
	v1 =	vmul.f32 $4.000000000e+00, v1;
	v0 =	vadd.f32 $1.600000000e+01, v0  }
0x470: {  	v2 =	vmul.f32 $4.000000000e+00, v2;
	v3 =	vmul.f32 $4.000000000e+00, v3  }
0x471: {  	v9 =	vadd.f32 $1.600000000e+01, v1;
	v1 =	vmul.f32 $4.000000000e+00, v4;
	v4 =	vtrunc.f32 v0  }
0x472: {  	v10 =	vadd.f32 $1.600000000e+01, v2;
	v2 =	vmul.f32 $4.000000000e+00, v5;
	v4 =	vcvt.f32.s32 v4  }
0x473: {  	v11 =	vadd.f32 $1.600000000e+01, v3;
	v5 =	vmul.f32 $4.000000000e+00, v6;
	v3 =	vtrunc.f32 v9  }
0x474: {  	v12 =	vadd.f32 $1.600000000e+01, v1;
	v1 =	vmul.f32 $4.000000000e+00, v7;
	vm0 =	vgt.s32 v4, $0x0  }
0x475: {  	v13 =	vadd.f32 $1.600000000e+01, v2;
	v2 =	vtrunc.f32 v10;
	v4 =	vnsel vm0, $0x0, v4  }
0x476: {  	v3 =	vcvt.f32.s32 v3;
	v7 =	vadd.f32 $1.600000000e+01, v1;
	v8 =	vmin.u32 v4, $0x1F  }
0x477: {  	v2 =	vcvt.f32.s32 v2;
	v1 =	vtrunc.f32 v11  }
0x478: {  	v14 =	vadd.f32 $1.600000000e+01, v5;
	v5 =	vtrunc.f32 v13;
	v6 =	vtrunc.f32 v7  }
0x479: {  	v1 =	vcvt.f32.s32 v1;
	vm1 =	vgt.s32 v3, $0x0;
	v6 =	vcvt.f32.s32 v6  }
0x47a: {  	v17 =	vcvt.f32.s32 v5;
	vm2 =	vgt.s32 v2, $0x0;
	v3 =	vnsel vm1, $0x0, v3  }
0x47b: {  	v4 =	vtrunc.f32 v12;
	v5 =	vmin.u32 v3, $0x1F;
	vm11 =	vgt.s32 v6, $0x0;
	v18 =	vld.idx.msk [tilespmem:v8+s28+$0x0], $0xffff  }
0x47c: {  	v16 =	vcvt.f32.s32 v4;
	v19 =	vcvt.s32.f32 v8;
	v4 =	vnsel vm11, $0x0, v6  }
0x47d: {  	v2 =	vnsel vm2, $0x0, v2;
	vm12 =	vgt.s32 v1, $0x0;
	v6 =	vmin.u32 v4, $0x1F;
	v20 =	vld.idx.msk [tilespmem:v8+s29+$0x0], $0xffff  }
0x47e: {  	v19 =	vsub.f32 v0, v19;
	v0 =	vnsel vm12, $0x0, v1;
	v4 =	vmin.u32 v2, $0x1F;
	v21 =	vld.idx.msk [tilespmem:v8+s30+$0x0], $0xffff  }
0x47f: {  	v15 =	vtrunc.f32 v14;
	vm13 =	vgt.s32 v16, $0x0;
	v3 =	vmin.u32 v0, $0x1F;
	v22 =	vld.idx.msk [tilespmem:v8+s0+$0x0], $0xffff  }
0x480: {  	v15 =	vcvt.f32.s32 v15;
	v1 =	vnsel vm13, $0x0, v16;
	v25 =	vld.idx.msk [tilespmem:v8+s2+$0x0], $0xffff;
	v16 =	vmul.f32 v19, v18  }
0x481: {  	vm14 =	vgt.s32 v17, $0x0;
	v53 =	vld.idx.msk [tilespmem:v5+s29+$0x0], $0xffff  }
0x482: {  	vm15 =	vgt.s32 v15, $0x0;
	v0 =	vnsel vm14, $0x0, v17;
	v17 =	vld.idx.msk [tilespmem:v6+s28+$0x0], $0xffff;
	v16 =	vadd.f32 v16, v20  }
0x483: {  	v2 =	vmin.u32 v1, $0x1F;
	v1 =	vnsel vm15, $0x0, v15;
	v15 =	vld.idx.msk [tilespmem:v4+s28+$0x0], $0xffff  }
0x484: {  	v0 =	vmin.u32 v0, $0x1F;
	v23 =	vld.idx.msk [tilespmem:v3+s28+$0x0], $0xffff;
	v16 =	vmul.f32 v16, v19  }
0x485: {  	v18 =	vld.idx.msk [tilespmem:v8+s31+$0x0], $0xffff  }
0x486: {  	v56 =	vld.idx.msk [tilespmem:v4+s29+$0x0], $0xffff;
	v16 =	vadd.f32 v16, v21  }
0x487: {  	v33 =	vld.idx.msk [tilespmem:v3+s29+$0x0], $0xffff  }
0x488: {  	v61 =	vld.idx.msk [tilespmem:v3+s30+$0x0], $0xffff;
	v16 =	vmul.f32 v16, v19  }
0x489: {  	v1 =	vmin.u32 v1, $0x1F;
	v24 =	vld.idx.msk [tilespmem:v0+s28+$0x0], $0xffff  }
0x48a: {  	v27 =	vcvt.s32.f32 v5;
	v58 =	vld.idx.msk [tilespmem:v2+s29+$0x0], $0xffff;
	v8 =	vadd.f32 v16, v18;
	v18 =	vcvt.s32.f32 v6  }
0x48b: {  	v54 =	vcvt.s32.f32 v4;
	v57 =	vcvt.s32.f32 v2;
	v20 =	vld.idx.msk [tilespmem:v5+s28+$0x0], $0xffff  }
0x48c: {  	v16 =	vld.idx.msk [tilespmem:v6+s29+$0x0], $0xffff;
	v55 =	vmul.f32 v8, v19;
	v8 =	vsub.f32 v7, v18;
	v18 =	vcvt.s32.f32 v3  }
0x48d: {  	v21 =	vld.idx.msk [tilespmem:v2+s28+$0x0], $0xffff;
	v7 =	vsub.f32 v9, v27;
	v27 =	vcvt.s32.f32 v0;
	v9 =	vsub.f32 v10, v54  }
0x48e: {  	v59 =	vcvt.s32.f32 v1;
	v26 =	vld.idx.msk [tilespmem:v1+s28+$0x0], $0xffff;
	v22 =	vadd.f32 v55, v22;
	v10 =	vsub.f32 v11, v18  }
0x48f: {  	v18 =	vld.idx.msk [tilespmem:v0+s29+$0x0], $0xffff;
	v11 =	vsub.f32 v12, v57;
	v17 =	vmul.f32 v8, v17;
	v13 =	vsub.f32 v13, v27  }
0x490: {  	v12 =	vsub.f32 v14, v59;
	v14 =	vmul.f32 v7, v20;
	v20 =	vld.idx.msk [tilespmem:v6+s30+$0x0], $0xffff;
	v19 =	vmul.f32 v22, v19  }
0x491: {  	v15 =	vmul.f32 v9, v15;
	v22 =	vld.idx.msk [tilespmem:v1+s29+$0x0], $0xffff;
	v16 =	vadd.f32 v17, v16;
	v23 =	vmul.f32 v10, v23  }
0x492: {  	v17 =	vld.idx.msk [tilespmem:v5+s30+$0x0], $0xffff;
	v21 =	vmul.f32 v11, v21;
	v24 =	vmul.f32 v13, v24;
	v19 =	vadd.f32 v19, v25  }
0x493: {  	v27 =	vld.idx.msk [tilespmem:v4+s30+$0x0], $0xffff;
	v26 =	vmul.f32 v12, v26;
	v25 =	vadd.f32 v14, v53;
	v23 =	vadd.f32 v23, v33  }
0x494: {  	v60 =	vadd.f32 v15, v56;
	v15 =	vld.idx.msk [tilespmem:v0+s30+$0x0], $0xffff;
	v16 =	vmul.f32 v16, v8;
	v21 =	vadd.f32 v21, v58  }
0x495: {  	v14 =	vld.idx.msk [tilespmem:v2+s30+$0x0], $0xffff;
	v24 =	vadd.f32 v24, v18;
	v25 =	vmul.f32 v25, v7;
	v62 =	vmul.f32 v23, v10  }
0x496: {  	v63 =	vadd.f32 v16, v20;
	v16 =	vld.idx.msk [tilespmem:v1+s30+$0x0], $0xffff;
	v22 =	vadd.f32 v26, v22;
	v26 =	vmul.f32 v60, v9  }
0x497: {  	s10 =	simm.s32 $0xFFC0;
	v18 =	vmul.f32 v21, v11;
	v21 =	vld.idx.msk [tilespmem:v5+s31+$0x0], $0xffff;
	v20 =	vmul.f32 v24, v13;
	v24 =	vadd.f32 v25, v17  }
0x498: {  	[tilespmem:s10+$0x30] =	vst v19;
	v17 =	vld.idx.msk [tilespmem:v6+s31+$0x0], $0xffff;
	v23 =	vmul.f32 v22, v12;
	v26 =	vadd.f32 v26, v27  }
0x499: {  	s11 =	simm.s32 $0x0;
	s12 =	simm.s32 $0x8040;
	s9 =	simm.s32 $0xFFC0;
	v19 =	vld.idx.msk [tilespmem:v4+s31+$0x0], $0xffff;
	v25 =	vadd.f32 v62, v61;
	v22 =	vmul.f32 v63, v8;
	v24 =	vmul.f32 v24, v7  }
.LBB2_18:
0x49a: {  	v27 =	vld [tilespmem:s12+$0x30];
	s11 =	sadd.s32 $0x8, s11;
	v26 =	vmul.f32 v26, v9;
	v14 =	vadd.f32 v18, v14  }
0x49b: {  	v15 =	vadd.f32 v20, v15;
	v18 =	vld [tilespmem:s12+$0xFFFFFFD0];
	p0 =	slt.u32 s11, $0x3F8;
	v25 =	vmul.f32 v25, v10  }
0x49c: {  	v20 =	vld [tilespmem:s12+$0xFFFFFFE0];
	v28 =	vmul.f32 v14, v11;
	v14 =	vadd.f32 v23, v16  }
0x49d: {  	v17 =	vadd.f32 v22, v17;
	v22 =	vmul.f32 v15, v13;
	v16 =	vld [tilespmem:s12+$0xFFFFFFF0]  }
0x49e: {  	v15 =	vadd.f32 v24, v21;
	v23 =	vld [tilespmem:s12+$0x0];
	v21 =	vmul.f32 v14, v12  }
0x49f: {  	v17 =	vmul.f32 v17, v8;
	v19 =	vadd.f32 v26, v19;
	v24 =	vld [tilespmem:s12+$0x10];
	v27 =	vmul.f32 $4.000000000e+00, v27  }
0x4a0: {  	v14 =	vmul.f32 v15, v7;
	v18 =	vmul.f32 $4.000000000e+00, v18;
	v26 =	vld [tilespmem:s12+$0x20]  }
0x4a1: {  	v15 =	vmul.f32 v19, v9;
	v29 =	vld [tilespmem:s12+$0xFFFFFFC0];
	v20 =	vmul.f32 $4.000000000e+00, v20;
	v27 =	vadd.f32 $1.600000000e+01, v27  }
0x4a2: {  	v18 =	vadd.f32 $1.600000000e+01, v18;
	v16 =	vmul.f32 $4.000000000e+00, v16;
	v19 =	vld.idx.msk [tilespmem:v3+s31+$0x0], $0xffff  }
0x4a3: {  	v20 =	vadd.f32 $1.600000000e+01, v20;
	v23 =	vmul.f32 $4.000000000e+00, v23;
	v30 =	vtrunc.f32 v27;
	v31 =	vld.idx.msk [tilespmem:v2+s31+$0x0], $0xffff  }
0x4a4: {  	v16 =	vadd.f32 $1.600000000e+01, v16;
	v24 =	vmul.f32 $4.000000000e+00, v24;
	v30 =	vcvt.f32.s32 v30;
	v32 =	vld.idx.msk [tilespmem:v0+s31+$0x0], $0xffff  }
0x4a5: {  	v33 =	vtrunc.f32 v18;
	v23 =	vadd.f32 $1.600000000e+01, v23;
	v26 =	vmul.f32 $4.000000000e+00, v26;
	v34 =	vld.idx.msk [tilespmem:v1+s31+$0x0], $0xffff  }
0x4a6: {  	v29 =	vmul.f32 $4.000000000e+00, v29;
	v24 =	vadd.f32 $1.600000000e+01, v24;
	vm0 =	vgt.s32 v30, $0x0;
	v35 =	vld.idx.msk [tilespmem:v6+s0+$0x0], $0xffff  }
0x4a7: {  	v36 =	vtrunc.f32 v20;
	v26 =	vadd.f32 $1.600000000e+01, v26;
	v30 =	vnsel vm0, $0x0, v30;
	v37 =	vld.idx.msk [tilespmem:v5+s0+$0x0], $0xffff  }
0x4a8: {  	v38 =	vtrunc.f32 v16;
	v29 =	vadd.f32 $1.600000000e+01, v29;
	v30 =	vmin.u32 v30, $0x1F;
	v39 =	vld.idx.msk [tilespmem:v4+s0+$0x0], $0xffff  }
0x4a9: {  	v40 =	vtrunc.f32 v23;
	v19 =	vadd.f32 v25, v19;
	v41 =	vtrunc.f32 v24;
	v25 =	vld.idx.msk [tilespmem:v3+s0+$0x0], $0xffff  }
0x4aa: {  	v28 =	vadd.f32 v28, v31;
	v43 =	vtrunc.f32 v26;
	v42 =	vtrunc.f32 v29;
	v31 =	vld.idx.msk [tilespmem:v2+s0+$0x0], $0xffff  }
0x4ab: {  	v33 =	vcvt.f32.s32 v33;
	v22 =	vadd.f32 v22, v32;
	v42 =	vcvt.f32.s32 v42;
	v32 =	vld.idx.msk [tilespmem:v0+s0+$0x0], $0xffff  }
0x4ac: {  	v36 =	vcvt.f32.s32 v36;
	v38 =	vcvt.f32.s32 v38;
	v21 =	vadd.f32 v21, v34;
	v34 =	vld.idx.msk [tilespmem:v1+s0+$0x0], $0xffff  }
0x4ad: {  	v40 =	vcvt.f32.s32 v40;
	v41 =	vcvt.f32.s32 v41;
	vm0 =	vgt.s32 v42, $0x0;
	v44 =	vld.idx.msk [tilespmem:v30+s28+$0x0], $0xffff  }
0x4ae: {  	vm1 =	vgt.s32 v33, $0x0;
	vm2 =	vgt.s32 v36, $0x0;
	v43 =	vcvt.f32.s32 v43;
	v45 =	vld.idx.msk [tilespmem:v6+s2+$0x0], $0xffff  }
0x4af: {  	vm3 =	vgt.s32 v38, $0x0;
	vm4 =	vgt.s32 v40, $0x0;
	v6 =	vcvt.s32.f32 v30;
	v46 =	vld.idx.msk [tilespmem:v30+s29+$0x0], $0xffff  }
0x4b0: {  	vm5 =	vgt.s32 v43, $0x0;
	v42 =	vnsel vm0, $0x0, v42;
	vm0 =	vgt.s32 v41, $0x0;
	v47 =	vld.idx.msk [tilespmem:v5+s2+$0x0], $0xffff  }
0x4b1: {  	v5 =	vnsel vm1, $0x0, v33;
	v33 =	vnsel vm2, $0x0, v36;
	v27 =	vsub.f32 v27, v6;
	v36 =	vld.idx.msk [tilespmem:v4+s2+$0x0], $0xffff  }
0x4b2: {  	v38 =	vnsel vm3, $0x0, v38;
	v40 =	vnsel vm4, $0x0, v40;
	v41 =	vnsel vm0, $0x0, v41;
	v48 =	vld.idx.msk [tilespmem:v3+s2+$0x0], $0xffff  }
0x4b3: {  	v6 =	vmin.u32 v42, $0x1F;
	v42 =	vnsel vm5, $0x0, v43;
	v43 =	vmul.f32 v27, v44;
	v44 =	vld.idx.msk [tilespmem:v30+s30+$0x0], $0xffff  }
0x4b4: {  	v5 =	vmin.u32 v5, $0x1F;
	v4 =	vmin.u32 v33, $0x1F;
	v3 =	vmin.u32 v38, $0x1F;
	v33 =	vld.idx.msk [tilespmem:v2+s2+$0x0], $0xffff  }
0x4b5: {  	v2 =	vmin.u32 v40, $0x1F;
	v38 =	vadd.f32 v43, v46;
	v40 =	vld.idx.msk [tilespmem:v0+s2+$0x0], $0xffff;
	v0 =	vmin.u32 v41, $0x1F  }
0x4b6: {  	v43 =	vcvt.s32.f32 v5;
	v41 =	vcvt.s32.f32 v6;
	v46 =	vld.idx.msk [tilespmem:v1+s2+$0x0], $0xffff;
	v1 =	vmin.u32 v42, $0x1F  }
0x4b7: {  	v17 =	vadd.f32 v17, v35;
	v42 =	vcvt.s32.f32 v4;
	v38 =	vmul.f32 v38, v27;
	v49 =	vld.idx.msk [tilespmem:v30+s31+$0x0], $0xffff  }
0x4b8: {  	v50 =	vcvt.s32.f32 v2;
	v29 =	vsub.f32 v29, v41;
	v41 =	vcvt.s32.f32 v3;
	v35 =	vld.idx.msk [tilespmem:v6+s28+$0x0], $0xffff  }
0x4b9: {  	v52 =	vcvt.s32.f32 v0;
	v53 =	vcvt.s32.f32 v1;
	v38 =	vadd.f32 v38, v44;
	v51 =	vld.idx.msk [tilespmem:v5+s28+$0x0], $0xffff  }
0x4ba: {  	v19 =	vmul.f32 v19, v10;
	v18 =	vsub.f32 v18, v43;
	v20 =	vsub.f32 v20, v42;
	v42 =	vld.idx.msk [tilespmem:v4+s28+$0x0], $0xffff  }
0x4bb: {  	v23 =	vsub.f32 v23, v50;
	v16 =	vsub.f32 v16, v41;
	v38 =	vmul.f32 v38, v27;
	v41 =	vld.idx.msk [tilespmem:v30+s0+$0x0], $0xffff  }
0x4bc: {  	v28 =	vmul.f32 v28, v11;
	v24 =	vsub.f32 v24, v52;
	v26 =	vsub.f32 v26, v53;
	v43 =	vld.idx.msk [tilespmem:v3+s28+$0x0], $0xffff  }
0x4bd: {  	v22 =	vmul.f32 v22, v13;
	v21 =	vmul.f32 v21, v12;
	v38 =	vadd.f32 v38, v49;
	v44 =	vld.idx.msk [tilespmem:v2+s28+$0x0], $0xffff  }
0x4be: {  	v14 =	vadd.f32 v14, v37;
	v15 =	vadd.f32 v15, v39;
	v35 =	vmul.f32 v29, v35;
	v49 =	vld.idx.msk [tilespmem:v0+s28+$0x0], $0xffff  }
0x4bf: {  	v19 =	vadd.f32 v19, v25;
	v37 =	vmul.f32 v18, v51;
	v38 =	vmul.f32 v38, v27;
	v30 =	vld.idx.msk [tilespmem:v30+s2+$0x0], $0xffff  }
0x4c0: {  	v28 =	vadd.f32 v28, v31;
	v22 =	vadd.f32 v22, v32;
	v25 =	vmul.f32 v20, v42;
	v39 =	vld.idx.msk [tilespmem:v1+s28+$0x0], $0xffff  }
0x4c1: {  	v17 =	vmul.f32 v17, v8;
	v21 =	vadd.f32 v21, v34;
	v32 =	vadd.f32 v38, v41;
	v31 =	vld.idx.msk [tilespmem:v6+s29+$0x0], $0xffff  }
0x4c2: {  	v14 =	vmul.f32 v14, v7;
	v7 =	vmovc v18;
	v8 =	vmov v29;
	v38 =	vmul.f32 v16, v43;
	v34 =	vld.idx.msk [tilespmem:v5+s29+$0x0], $0xffff  }
0x4c3: {  	v17 =	vadd.f32 v17, v45;
	v29 =	vmul.f32 v23, v44;
	v27 =	vmul.f32 v32, v27;
	v18 =	vld.idx.msk [tilespmem:v4+s29+$0x0], $0xffff  }
0x4c4: {  	v42 =	vadd.f32 v14, v47;
	v43 =	vmul.f32 v15, v9;
	v41 =	vmul.f32 v24, v49;
	v32 =	vld.idx.msk [tilespmem:v3+s29+$0x0], $0xffff  }
0x4c5: {  	v11 =	vmul.f32 v28, v11;
	v44 =	vmul.f32 v19, v10;
	v15 =	vadd.f32 v27, v30;
	v14 =	vld.idx.msk [tilespmem:v2+s29+$0x0], $0xffff  }
0x4c6: {  	s10 =	sadd.s32 $0x80, s10;
	v13 =	vmul.f32 v22, v13;
	v28 =	vadd.f32 v43, v36;
	v27 =	vmul.f32 v26, v39;
	v19 =	vld.idx.msk [tilespmem:v0+s29+$0x0], $0xffff  }
0x4c7: {  	v12 =	vmul.f32 v21, v12;
	v9 =	vmov v20;
	v22 =	vadd.f32 v35, v31;
	v30 =	vld.idx.msk [tilespmem:v1+s29+$0x0], $0xffff;
	[tilespmem:s10+$0x30] =	vst v15  }
0x4c8: {  	v10 =	vmov v16;
	v15 =	vadd.f32 v37, v34;
	v20 =	vld.idx.msk [tilespmem:v6+s30+$0x0], $0xffff;
	[tilespmem:s9+$0xFFFFFFC0] =	vst v17;
	v17 =	vadd.f32 v44, v48  }
0x4c9: {  	v16 =	vmul.f32 v22, v8;
	v18 =	vadd.f32 v25, v18;
	v22 =	vadd.f32 v11, v33;
	v21 =	vld.idx.msk [tilespmem:v5+s30+$0x0], $0xffff  }
0x4ca: {  	v25 =	vmul.f32 v15, v7;
	v15 =	vadd.f32 v38, v32;
	v32 =	vadd.f32 v13, v40;
	v31 =	vld.idx.msk [tilespmem:v4+s30+$0x0], $0xffff  }
0x4cb: {  	v33 =	vmul.f32 v18, v9;
	v36 =	vadd.f32 v29, v14;
	v29 =	vadd.f32 v12, v46;
	v34 =	vld.idx.msk [tilespmem:v3+s30+$0x0], $0xffff  }
0x4cc: {  	v11 =	vmov v23;
	v35 =	vmul.f32 v15, v10;
	v37 =	vadd.f32 v41, v19;
	v14 =	vld.idx.msk [tilespmem:v2+s30+$0x0], $0xffff;
	[tilespmem:s9+$0xFFFFFFD0] =	vst v42  }
.Ltmp8:
0x4cd: {  	v13 =	vmov v24;
	v18 =	vmul.f32 v36, v11;
	v19 =	vadd.f32 v27, v30;
	v15 =	vld.idx.msk [tilespmem:v0+s30+$0x0], $0xffff;
	[tilespmem:s9+$0xFFFFFFE0] =	vst v28;
	(pc) =	sbr.rel @p0 .LBB2_18-.Ltmp8, $4  }
0x4ce: {  	v12 =	vmov v26;
	v24 =	vadd.f32 v16, v20;
	v20 =	vmul.f32 v37, v13;
	v16 =	vld.idx.msk [tilespmem:v1+s30+$0x0], $0xffff;
	[tilespmem:s9+$0xFFFFFFF0] =	vst v17  }
0x4cf: {  	v25 =	vadd.f32 v25, v21;
	v23 =	vmul.f32 v19, v12;
	v17 =	vld.idx.msk [tilespmem:v6+s31+$0x0], $0xffff;
	[tilespmem:s9+$0x0] =	vst v22  }
0x4d0: {  	v22 =	vmul.f32 v24, v8;
	v26 =	vadd.f32 v33, v31;
	v21 =	vld.idx.msk [tilespmem:v5+s31+$0x0], $0xffff;
	[tilespmem:s9+$0x10] =	vst v32  }
0x4d1: {  	s12 =	sadd.s32 $0x80, s12;
	v24 =	vmul.f32 v25, v7;
	v25 =	vadd.f32 v35, v34;
	v19 =	vld.idx.msk [tilespmem:v4+s31+$0x0], $0xffff;
	[tilespmem:s9+$0x20] =	vst v29;
	s9 =	smov.u32 s10  }
0x4d2: {  	_ =	sdelay $0x3  }
0x4d3: {  	v27 =	vld.idx.msk [tilespmem:v3+s31+$0x0], $0xffff  }
0x4d4: {  	v28 =	vld.idx.msk [tilespmem:v2+s31+$0x0], $0xffff  }
0x4d5: {  	v29 =	vld.idx.msk [tilespmem:v0+s31+$0x0], $0xffff  }
0x4d6: {  	v30 =	vld.idx.msk [tilespmem:v1+s31+$0x0], $0xffff  }
0x4d7: {  	v31 =	vld.idx.msk [tilespmem:v6+s0+$0x0], $0xffff  }
0x4d8: {  	v32 =	vld.idx.msk [tilespmem:v5+s0+$0x0], $0xffff  }
0x4d9: {  	v14 =	vadd.f32 v18, v14;
	v40 =	vld.idx.msk [tilespmem:v4+s0+$0x0], $0xffff  }
0x4da: {  	v15 =	vadd.f32 v20, v15;
	v41 =	vmul.f32 v26, v9;
	v42 =	vld.idx.msk [tilespmem:v3+s0+$0x0], $0xffff;
	v16 =	vadd.f32 v23, v16  }
0x4db: {  	v44 =	vld.idx.msk [tilespmem:v2+s0+$0x0], $0xffff;
	v43 =	vmul.f32 v25, v10;
	v17 =	vadd.f32 v22, v17;
	v14 =	vmul.f32 v14, v11  }
0x4dc: {  	v45 =	vld.idx.msk [tilespmem:v0+s0+$0x0], $0xffff;
	v15 =	vmul.f32 v15, v13;
	v21 =	vadd.f32 v24, v21;
	v16 =	vmul.f32 v16, v12  }
0x4dd: {  	v46 =	vld.idx.msk [tilespmem:v1+s0+$0x0], $0xffff;
	v19 =	vadd.f32 v41, v19;
	v17 =	vmul.f32 v17, v8;
	v22 =	vadd.f32 v43, v27  }
0x4de: {  	v47 =	vld.idx.msk [tilespmem:v6+s2+$0x0], $0xffff;
	v14 =	vadd.f32 v14, v28;
	v15 =	vadd.f32 v15, v29;
	v21 =	vmul.f32 v21, v7  }
0x4df: {  	v48 =	vld.idx.msk [tilespmem:v5+s2+$0x0], $0xffff;
	v16 =	vadd.f32 v16, v30;
	v19 =	vmul.f32 v19, v9;
	v17 =	vadd.f32 v17, v31  }
0x4e0: {  	v49 =	vld.idx.msk [tilespmem:v4+s2+$0x0], $0xffff;
	v22 =	vmul.f32 v22, v10;
	v14 =	vmul.f32 v14, v11;
	v21 =	vadd.f32 v21, v32  }
0x4e1: {  	v50 =	vld.idx.msk [tilespmem:v3+s2+$0x0], $0xffff;
	v15 =	vmul.f32 v15, v13;
	v18 =	vadd.f32 v19, v40;
	v51 =	vmul.f32 v17, v8  }
0x4e2: {  	v52 =	vld.idx.msk [tilespmem:v2+s2+$0x0], $0xffff;
	v16 =	vmul.f32 v16, v12;
	v53 =	vadd.f32 v22, v42;
	v54 =	vmul.f32 v21, v7  }
0x4e3: {  	v55 =	vld.idx.msk [tilespmem:v0+s2+$0x0], $0xffff;
	v14 =	vadd.f32 v14, v44;
	v6 =	vadd.f32 v51, v47;
	v56 =	vmul.f32 v18, v9  }
0x4e4: {  	v57 =	vld.idx.msk [tilespmem:v1+s2+$0x0], $0xffff;
	v58 =	vadd.f32 v15, v45;
	v5 =	vadd.f32 v54, v48;
	v59 =	vmul.f32 v53, v10  }
0x4e5: {  	v60 =	vadd.f32 v16, v46;
	v61 =	vmul.f32 v14, v11;
	v4 =	vadd.f32 v56, v49;
	[tilespmem:s9+$0xFFFFFFC0] =	vst v6  }
0x4e6: {  	v62 =	vmul.f32 v58, v13;
	v3 =	vadd.f32 v59, v50;
	[tilespmem:s9+$0xFFFFFFD0] =	vst v5  }
0x4e7: {  	v63 =	vmul.f32 v60, v12;
	v2 =	vadd.f32 v61, v52;
	[tilespmem:s9+$0xFFFFFFE0] =	vst v4  }
0x4e8: {  	v0 =	vadd.f32 v62, v55;
	[tilespmem:s9+$0xFFFFFFF0] =	vst v3  }
0x4e9: {  	v1 =	vadd.f32 v63, v57;
	[tilespmem:s9+$0x0] =	vst v2  }
0x4ea: {  	[tilespmem:s9+$0x10] =	vst v0  }
0x4eb: {  	s8 =	sadd.s32 $0x1, s8;
	[tilespmem:s9+$0x20] =	vst v1  }
0x4ec: {  	[hbm4b:s20+s1] =	stream.linear.scatter [tilespmem:s5], [sflag:$0x4], $0x4000, $0x38;
	[tilespmem:$0x13F80] =	vst v63  }
0x4ed: {  	p0 =	sne.s32 s8, s21;
	_ =	swait.ge [sflag:s6], $0x4000  }
.Ltmp9:
0x4ee: {  	[sflag:s6] =	ssyncset.done $0x0;
	(pc) =	sbr.rel @p0 .LBB2_1-.Ltmp9, $4  }
0x4ef: {  	[sflag:s6] =	ssyncadd.s32 $0xFFFFC000  }
0x4f0: {  	_ =	swait.ge [sflag:s7], $0x4000  }
0x4f1: {  	[sflag:s7] =	ssyncset.done $0x0  }
0x4f2: {  	[sflag:s7] =	ssyncadd.s32 $0xFFFFC000  }
0x4f3: {  	_ =	sfence.sel $0x180000  }
0x4f4: {  	[bflag:$0x0] =	sbarrier.arrive $0xFFFF  }
0x4f5: {  	_ =	strace $0x90000047  }
0x4f6: {  	s0 =	stileid.u32;
	[bflag:$0x2] =	sbarrier.arrive $0xFFFF  }
0x4f7: {  	p0 =	sne.s32 s0, $0x0;
	s0 =	rddreg [dreg:$0x3]  }
0x4f8: {  	s0 =	sadd.s32 @!p0 $0x100000, s0  }
0x4f9: {  	[sflag:s0] =	ssyncadd.tile.s32 @!p0 $0x1;
	_ =	shalt  }
.Lfunc_end2:
_tile_overlayer_lowered:
.L_overlay_start_2:
0x4fa: {  	(tag) =	ssettag $0x2  }
0x4fb: {  	s0 =	rddreg [dreg:$0x0];
	s2 =	stileid.u32  }
0x4fc: {  	s1 =	rddreg [dreg:$0x1];
	p0 =	sne.s32 s2, $0x0  }
0x4fd: {  	s3 =	rddreg [dreg:$0x2];
	[bflag:$0x3] =	sbarrier.arrive $0xFFFF;
	s2 =	simm.s32 @!p0 $0x1C05  }
0x4fe: {  	[timem:s3], [sflag:s2] =	dma.local @!p0 [hbm:s0], s1  }
0x4ff: {  	s0 =	simm.s32 @!p0 $0x5  }
0x500: {  	_ =	swait.ge @!p0 [sflag:s0], s1  }
0x501: {  	s1 =	ssub.s32 @!p0 $0x0, s1;
	[sflag:s0] =	ssyncset.done @!p0 $0x0  }
0x502: {  	[sflag:s0] =	ssyncadd.s32 @!p0 s1  }
0x503: {  	[bflag:$0x3] =	sbarrier.arrive $0xFFFF  }
0x504: {  	_ =	shalt  }

</sc_bundles>
